<compile_context>
chip_gen: v7x
topology: tpu7x:2x2x1
jax: 0.10.2.dev20260603
libtpu: 0.0.44.dev20260713+nightly
codegen_flags: <defaults>
</compile_context>

<pallas_src>
import functools

import jax
import jax.numpy as jnp
from jax import lax
from jax.experimental import pallas as pl
from jax.experimental.pallas import tpu as pltpu
from jax.experimental.pallas import tpu_sc as plsc

D = 1024
BB = 4
SS = 2048
N = BB * SS

NUM_CORES = 2
NUM_SUBCORES = 16
NW = NUM_CORES * NUM_SUBCORES
PER_W = N // NW
CHUNK = 16
NCHUNK = PER_W // CHUNK
NBUF = 5
WPR = SS // PER_W


def _emb_kernel(ids_hbm, mask_hbm, table_hbm, out_hbm,
                idx_v, mask_v, stile, buf_v, *sems):
    wid = lax.axis_index("s") * NUM_CORES + lax.axis_index("c")
    row = wid // WPR
    col0 = (wid % WPR) * PER_W

    pltpu.sync_copy(ids_hbm.at[row, pl.ds(col0, PER_W)], idx_v)

    gsems = sems[:NBUF]
    osems = sems[NBUF:]

    def start_gather(c):
        b = c % NBUF
        pltpu.async_copy(
            table_hbm.at[idx_v.at[pl.ds(c * CHUNK, CHUNK)]],
            buf_v.at[b], gsems[b])

    def wait_gather(c):
        b = c % NBUF
        pltpu.make_async_copy(
            table_hbm.at[idx_v.at[pl.ds(c * CHUNK, CHUNK)]],
            buf_v.at[b], gsems[b]).wait()

    def start_out(c):
        b = c % NBUF
        pltpu.async_copy(
            buf_v.at[b],
            out_hbm.at[row, pl.ds(col0 + c * CHUNK, CHUNK)], osems[b])

    def wait_out(c):
        b = c % NBUF
        pltpu.make_async_copy(
            buf_v.at[b],
            out_hbm.at[row, pl.ds(col0 + c * CHUNK, CHUNK)],
            osems[b]).wait()

    def apply_mask(c):
        b = c % NBUF

        def _row(r, _):
            mvec = stile[c * CHUNK + r, :]

            def _col(j, __):
                sl = pl.ds(j * 16, 16)
                buf_v[b, r, sl] = buf_v[b, r, sl] * mvec
                return 0

            lax.fori_loop(0, D // 16, _col, 0)
            return 0

        lax.fori_loop(0, CHUNK, _row, 0)

    for c in range(min(NBUF, NCHUNK)):
        start_gather(c)

    pltpu.sync_copy(mask_hbm.at[row, pl.ds(col0, PER_W)], mask_v)

    def _chk(g, a):
        m = mask_v[pl.ds(g * 16, 16)]
        return a | (m ^ 1)

    acc = lax.fori_loop(0, PER_W // 16, _chk, jnp.zeros((16,), jnp.int32))
    s = acc[0]
    for lane in range(1, 16):
        s = s | acc[lane]
    mask_nontrivial = s != 0

    @pl.when(mask_nontrivial)
    def _():
        def _g(g, _):
            m16 = mask_v[pl.ds(g * 16, 16)].astype(jnp.float32)
            for lane in range(16):
                stile[g * 16 + lane, :] = jnp.full(
                    (16,), m16[lane], dtype=jnp.float32)
            return 0

        lax.fori_loop(0, PER_W // 16, _g, 0)

    for c in range(NCHUNK):
        wait_gather(c)

        @pl.when(mask_nontrivial)
        def _():
            apply_mask(c)

        start_out(c)

        n = c + NBUF - 1
        if NBUF <= n < NCHUNK:
            wait_out(n - NBUF)
            start_gather(n)

    for c in range(max(0, NCHUNK - NBUF), NCHUNK):
        wait_out(c)


@jax.jit
def _run(ids, mask, embed_table):
    mesh = plsc.VectorSubcoreMesh(core_axis_name="c", subcore_axis_name="s")
    f = functools.partial(
        pl.kernel, mesh=mesh,
        out_type=jax.ShapeDtypeStruct((BB, SS, D), jnp.float32),
        scratch_types=[
            pltpu.VMEM((PER_W,), jnp.int32),
            pltpu.VMEM((PER_W,), jnp.int32),
            pltpu.VMEM((PER_W, 16), jnp.float32),
            pltpu.VMEM((NBUF, CHUNK, D), jnp.float32),
        ] + [pltpu.SemaphoreType.DMA] * (2 * NBUF),
    )(_emb_kernel)
    return f(ids, mask, embed_table)


def kernel(input_ids, attention_mask, embed_table):
    return _run(input_ids, attention_mask, embed_table)

# --- scband reference (transcript-rebuilt; emitter-appended) ---
"""Pipeline reference for scband-custom-embedder-89850715833242 (READ-ONLY COPY).

The authoritative reference and input builder live on the scoring server;
editing this copy changes nothing except your own understanding.
"""

import jax, jax.numpy as jnp
import numpy as np

VOCAB = 151936
D_MODEL = 1024
B = 4
S = 2048


def setup_inputs(seed: int = 0) -> dict:
    key = jax.random.key(seed)
    k1, k2 = jax.random.split(key)
    input_ids = jax.random.randint(k1, (B, S), 0, VOCAB, dtype=jnp.int32)
    attention_mask = jnp.ones((B, S), dtype=jnp.int32)
    embed_table = jax.random.normal(k2, (VOCAB, D_MODEL), dtype=jnp.float32) * 0.02
    return {"input_ids": input_ids, "attention_mask": attention_mask, "embed_table": embed_table}


def reference(input_ids, attention_mask, embed_table):
    # embed_tokens lookup: nn.Embedding(vocab_size, hidden_size) -> table[idx]
    embeddings = jnp.take(embed_table, input_ids, axis=0)
    # downstream model consumes inputs_embeds with attention_mask; the
    # SparseCore-relevant portion is the lookup; we apply the mask to the
    # embeddings (zeroing padded positions) as the masked inputs_embeds that
    # would be fed into the transformer body.
    out = embeddings * attention_mask[..., None].astype(embeddings.dtype)
    return out

if __name__ == "__main__":
    import jax
    _d = setup_inputs()
    print(jax.jit(kernel)(*tuple(_d.values())))

</pallas_src>

<mosaic_0001>
#map = affine_map<(d0, d1) -> (0, 0)>
#map1 = affine_map<(d0, d1) -> (0, 0, 0)>
module attributes {stable_mosaic.version = 14 : i64} {
  func.func @_emb_kernel(%arg0: i32, %arg1: i32, %arg2: memref<4x2048xi32, #tpu.memory_space<hbm>>, %arg3: memref<4x2048xi32, #tpu.memory_space<hbm>>, %arg4: memref<151936x1024xf32, #tpu.memory_space<hbm>>, %arg5: memref<4x2048x1024xf32, #tpu.memory_space<hbm>>, %arg6: memref<256xi32, #tpu.memory_space<vmem>>, %arg7: memref<256xi32, #tpu.memory_space<vmem>>, %arg8: memref<256x16xf32, #tpu.memory_space<vmem>>, %arg9: memref<5x16x1024xf32, #tpu.memory_space<vmem>>, %arg10: memref<!tpu.dma_semaphore, #tpu.memory_space<semaphore_mem>>, %arg11: memref<!tpu.dma_semaphore, #tpu.memory_space<semaphore_mem>>, %arg12: memref<!tpu.dma_semaphore, #tpu.memory_space<semaphore_mem>>, %arg13: memref<!tpu.dma_semaphore, #tpu.memory_space<semaphore_mem>>, %arg14: memref<!tpu.dma_semaphore, #tpu.memory_space<semaphore_mem>>, %arg15: memref<!tpu.dma_semaphore, #tpu.memory_space<semaphore_mem>>, %arg16: memref<!tpu.dma_semaphore, #tpu.memory_space<semaphore_mem>>, %arg17: memref<!tpu.dma_semaphore, #tpu.memory_space<semaphore_mem>>, %arg18: memref<!tpu.dma_semaphore, #tpu.memory_space<semaphore_mem>>, %arg19: memref<!tpu.dma_semaphore, #tpu.memory_space<semaphore_mem>>) attributes {dimension_semantics = [#tpu.dimension_semantics<core_parallel>, #tpu.dimension_semantics<subcore_parallel>], iteration_bounds = array<i64: 2, 16>, scalar_prefetch = 0 : i64, scratch_operands = 14 : i64, tpu.core_type = #tpu.core_type<sc_vector_subcore>, window_params = [{transform_indices = #map}, {transform_indices = #map}, {transform_indices = #map}, {transform_indices = #map1}]} {
    %mul3A = arith.constant 2 : i32
    %mul3A_0 = arith.muli %arg1, %mul3A : i32
    %add3A = arith.addi %mul3A_0, %arg0 : i32
    %jit3A = arith.constant 8 : i32
    %div3A = arith.divsi %add3A, %jit3A : i32
    %sign3A = arith.constant 0 : i32
    %sign3A_1 = arith.cmpi sgt, %add3A, %sign3A : i32
    %sign3A_2 = arith.extui %sign3A_1 : i1 to i32
    %sign3A_3 = arith.constant 0 : i32
    %sign3A_4 = arith.cmpi slt, %add3A, %sign3A_3 : i32
    %sign3A_5 = arith.extui %sign3A_4 : i1 to i32
    %sign3A_6 = arith.subi %sign3A_2, %sign3A_5 : i32
    %sign3A_7 = arith.constant 0 : i32
    %sign3A_8 = arith.cmpi sgt, %jit3A, %sign3A_7 : i32
    %sign3A_9 = arith.extui %sign3A_8 : i1 to i32
    %sign3A_10 = arith.constant 0 : i32
    %sign3A_11 = arith.cmpi slt, %jit3A, %sign3A_10 : i32
    %sign3A_12 = arith.extui %sign3A_11 : i1 to i32
    %sign3A_13 = arith.subi %sign3A_9, %sign3A_12 : i32
    %ne3A = arith.cmpi ne, %sign3A_6, %sign3A_13 : i32
    %rem3A = arith.remsi %add3A, %jit3A : i32
    %ne3A_14 = arith.constant 0 : i32
    %ne3A_15 = arith.cmpi ne, %rem3A, %ne3A_14 : i32
    %and3A = arith.andi %ne3A, %ne3A_15 : i1
    %sub3A = arith.constant 1 : i32
    %sub3A_16 = arith.subi %div3A, %sub3A : i32
    %select_n3A = arith.select %and3A, %sub3A_16, %div3A : i32
    %jit3A_17 = arith.constant 8 : i32
    %eq3A = arith.constant 0 : i32
    %eq3A_18 = arith.cmpi eq, %jit3A_17, %eq3A : i32
    %jit3A_19 = arith.constant 1 : i32
    %select_n3A_20 = arith.select %eq3A_18, %jit3A_19, %jit3A_17 : i32
    %rem3A_21 = arith.remsi %add3A, %select_n3A_20 : i32
    %ne3A_22 = arith.constant 0 : i32
    %ne3A_23 = arith.cmpi ne, %rem3A_21, %ne3A_22 : i32
    %lt3A = arith.constant 0 : i32
    %lt3A_24 = arith.cmpi slt, %rem3A_21, %lt3A : i32
    %lt3A_25 = arith.constant 0 : i32
    %lt3A_26 = arith.cmpi slt, %select_n3A_20, %lt3A_25 : i32
    %ne3A_27 = arith.xori %lt3A_24, %lt3A_26 : i1
    %and3A_28 = arith.andi %ne3A_27, %ne3A_23 : i1
    %add3A_29 = arith.addi %rem3A_21, %select_n3A_20 : i32
    %select_n3A_30 = arith.select %and3A_28, %add3A_29, %rem3A_21 : i32
    %mul3A_31 = arith.constant 256 : i32
    %mul3A_32 = arith.muli %select_n3A_30, %mul3A_31 : i32
    "tpu.region"() ({
      %run_scoped3A = tpu.sem_alloc : memref<!tpu.dma_semaphore, #tpu.memory_space<semaphore_mem>>
      %dma_start3A_996 = tpu.memref_slice %arg2[%select_n3A, %mul3A_32] : memref<4x2048xi32, #tpu.memory_space<hbm>> -> memref<1x256xi32, #tpu.memory_space<hbm>>
      %dma_start3A_997 = tpu.memref_squeeze %dma_start3A_996 : memref<1x256xi32, #tpu.memory_space<hbm>> -> memref<256xi32, #tpu.memory_space<hbm>>
      %dma_start3A_998 = tpu.memref_slice %arg2[%select_n3A, %mul3A_32] : memref<4x2048xi32, #tpu.memory_space<hbm>> -> memref<1x256xi32, #tpu.memory_space<hbm>>
      %dma_start3A_999 = tpu.memref_squeeze %dma_start3A_998 : memref<1x256xi32, #tpu.memory_space<hbm>> -> memref<256xi32, #tpu.memory_space<hbm>>
      tpu.enqueue_dma source(%dma_start3A_999 : memref<256xi32, #tpu.memory_space<hbm>>) target(%arg6 : memref<256xi32, #tpu.memory_space<vmem>>) target_semaphore(%run_scoped3A : memref<!tpu.dma_semaphore, #tpu.memory_space<semaphore_mem>>)
      %dma_wait3A_1000 = tpu.memref_slice %arg2[%select_n3A, %mul3A_32] : memref<4x2048xi32, #tpu.memory_space<hbm>> -> memref<1x256xi32, #tpu.memory_space<hbm>>
      %dma_wait3A_1001 = tpu.memref_squeeze %dma_wait3A_1000 : memref<1x256xi32, #tpu.memory_space<hbm>> -> memref<256xi32, #tpu.memory_space<hbm>>
      %dma_wait3A_1002 = tpu.memref_slice %arg2[%select_n3A, %mul3A_32] : memref<4x2048xi32, #tpu.memory_space<hbm>> -> memref<1x256xi32, #tpu.memory_space<hbm>>
      %dma_wait3A_1003 = tpu.memref_squeeze %dma_wait3A_1002 : memref<1x256xi32, #tpu.memory_space<hbm>> -> memref<256xi32, #tpu.memory_space<hbm>>
      tpu.wait_dma2 semaphore(%run_scoped3A : memref<!tpu.dma_semaphore, #tpu.memory_space<semaphore_mem>>) src(%dma_wait3A_1003 : memref<256xi32, #tpu.memory_space<hbm>>) dst(%arg6 : memref<256xi32, #tpu.memory_space<vmem>>)
      tpu.yield
    }) : () -> ()
    %dma_start3A = arith.constant 0 : i32
    %dma_start3A_33 = arith.constant 0 : i32
    %dma_start3A_34 = arith.constant 0 : i32
    %dma_start3A_35 = tpu.memref_slice %arg9[%dma_start3A, %dma_start3A_33, %dma_start3A_34] : memref<5x16x1024xf32, #tpu.memory_space<vmem>> -> memref<1x16x1024xf32, #tpu.memory_space<vmem>>
    %dma_start3A_36 = tpu.memref_squeeze %dma_start3A_35 : memref<1x16x1024xf32, #tpu.memory_space<vmem>> -> memref<16x1024xf32, #tpu.memory_space<vmem>>
    %dma_start3A_37 = arith.constant 0 : i32
    %dma_start3A_38 = tpu.memref_slice %arg6[%dma_start3A_37] : memref<256xi32, #tpu.memory_space<vmem>> -> memref<16xi32, #tpu.memory_space<vmem>>
    %dma_start3A_39 = arith.constant 0 : i32
    %dma_start3A_40 = arith.constant 0 : i32
    %dma_start3A_41 = tpu.memref_slice %arg4[%dma_start3A_39, %dma_start3A_40] : memref<151936x1024xf32, #tpu.memory_space<hbm>> -> memref<151936x1024xf32, #tpu.memory_space<hbm>>
    tpu.enqueue_indirect_dma source(%dma_start3A_41 : memref<151936x1024xf32, #tpu.memory_space<hbm>>) target(%dma_start3A_36 : memref<16x1024xf32, #tpu.memory_space<vmem>>) offsets(%dma_start3A_38 : memref<16xi32, #tpu.memory_space<vmem>>) semaphore(%arg10 : memref<!tpu.dma_semaphore, #tpu.memory_space<semaphore_mem>>)
    %dma_start3A_42 = arith.constant 1 : i32
    %dma_start3A_43 = arith.constant 0 : i32
    %dma_start3A_44 = arith.constant 0 : i32
    %dma_start3A_45 = tpu.memref_slice %arg9[%dma_start3A_42, %dma_start3A_43, %dma_start3A_44] : memref<5x16x1024xf32, #tpu.memory_space<vmem>> -> memref<1x16x1024xf32, #tpu.memory_space<vmem>>
    %dma_start3A_46 = tpu.memref_squeeze %dma_start3A_45 : memref<1x16x1024xf32, #tpu.memory_space<vmem>> -> memref<16x1024xf32, #tpu.memory_space<vmem>>
    %dma_start3A_47 = arith.constant 16 : i32
    %dma_start3A_48 = tpu.memref_slice %arg6[%dma_start3A_47] : memref<256xi32, #tpu.memory_space<vmem>> -> memref<16xi32, #tpu.memory_space<vmem>>
    %dma_start3A_49 = arith.constant 0 : i32
    %dma_start3A_50 = arith.constant 0 : i32
    %dma_start3A_51 = tpu.memref_slice %arg4[%dma_start3A_49, %dma_start3A_50] : memref<151936x1024xf32, #tpu.memory_space<hbm>> -> memref<151936x1024xf32, #tpu.memory_space<hbm>>
    tpu.enqueue_indirect_dma source(%dma_start3A_51 : memref<151936x1024xf32, #tpu.memory_space<hbm>>) target(%dma_start3A_46 : memref<16x1024xf32, #tpu.memory_space<vmem>>) offsets(%dma_start3A_48 : memref<16xi32, #tpu.memory_space<vmem>>) semaphore(%arg11 : memref<!tpu.dma_semaphore, #tpu.memory_space<semaphore_mem>>)
    %dma_start3A_52 = arith.constant 2 : i32
    %dma_start3A_53 = arith.constant 0 : i32
    %dma_start3A_54 = arith.constant 0 : i32
    %dma_start3A_55 = tpu.memref_slice %arg9[%dma_start3A_52, %dma_start3A_53, %dma_start3A_54] : memref<5x16x1024xf32, #tpu.memory_space<vmem>> -> memref<1x16x1024xf32, #tpu.memory_space<vmem>>
    %dma_start3A_56 = tpu.memref_squeeze %dma_start3A_55 : memref<1x16x1024xf32, #tpu.memory_space<vmem>> -> memref<16x1024xf32, #tpu.memory_space<vmem>>
    %dma_start3A_57 = arith.constant 32 : i32
    %dma_start3A_58 = tpu.memref_slice %arg6[%dma_start3A_57] : memref<256xi32, #tpu.memory_space<vmem>> -> memref<16xi32, #tpu.memory_space<vmem>>
    %dma_start3A_59 = arith.constant 0 : i32
    %dma_start3A_60 = arith.constant 0 : i32
    %dma_start3A_61 = tpu.memref_slice %arg4[%dma_start3A_59, %dma_start3A_60] : memref<151936x1024xf32, #tpu.memory_space<hbm>> -> memref<151936x1024xf32, #tpu.memory_space<hbm>>
    tpu.enqueue_indirect_dma source(%dma_start3A_61 : memref<151936x1024xf32, #tpu.memory_space<hbm>>) target(%dma_start3A_56 : memref<16x1024xf32, #tpu.memory_space<vmem>>) offsets(%dma_start3A_58 : memref<16xi32, #tpu.memory_space<vmem>>) semaphore(%arg12 : memref<!tpu.dma_semaphore, #tpu.memory_space<semaphore_mem>>)
    %dma_start3A_62 = arith.constant 3 : i32
    %dma_start3A_63 = arith.constant 0 : i32
    %dma_start3A_64 = arith.constant 0 : i32
    %dma_start3A_65 = tpu.memref_slice %arg9[%dma_start3A_62, %dma_start3A_63, %dma_start3A_64] : memref<5x16x1024xf32, #tpu.memory_space<vmem>> -> memref<1x16x1024xf32, #tpu.memory_space<vmem>>
    %dma_start3A_66 = tpu.memref_squeeze %dma_start3A_65 : memref<1x16x1024xf32, #tpu.memory_space<vmem>> -> memref<16x1024xf32, #tpu.memory_space<vmem>>
    %dma_start3A_67 = arith.constant 48 : i32
    %dma_start3A_68 = tpu.memref_slice %arg6[%dma_start3A_67] : memref<256xi32, #tpu.memory_space<vmem>> -> memref<16xi32, #tpu.memory_space<vmem>>
    %dma_start3A_69 = arith.constant 0 : i32
    %dma_start3A_70 = arith.constant 0 : i32
    %dma_start3A_71 = tpu.memref_slice %arg4[%dma_start3A_69, %dma_start3A_70] : memref<151936x1024xf32, #tpu.memory_space<hbm>> -> memref<151936x1024xf32, #tpu.memory_space<hbm>>
    tpu.enqueue_indirect_dma source(%dma_start3A_71 : memref<151936x1024xf32, #tpu.memory_space<hbm>>) target(%dma_start3A_66 : memref<16x1024xf32, #tpu.memory_space<vmem>>) offsets(%dma_start3A_68 : memref<16xi32, #tpu.memory_space<vmem>>) semaphore(%arg13 : memref<!tpu.dma_semaphore, #tpu.memory_space<semaphore_mem>>)
    %dma_start3A_72 = arith.constant 4 : i32
    %dma_start3A_73 = arith.constant 0 : i32
    %dma_start3A_74 = arith.constant 0 : i32
    %dma_start3A_75 = tpu.memref_slice %arg9[%dma_start3A_72, %dma_start3A_73, %dma_start3A_74] : memref<5x16x1024xf32, #tpu.memory_space<vmem>> -> memref<1x16x1024xf32, #tpu.memory_space<vmem>>
    %dma_start3A_76 = tpu.memref_squeeze %dma_start3A_75 : memref<1x16x1024xf32, #tpu.memory_space<vmem>> -> memref<16x1024xf32, #tpu.memory_space<vmem>>
    %dma_start3A_77 = arith.constant 64 : i32
    %dma_start3A_78 = tpu.memref_slice %arg6[%dma_start3A_77] : memref<256xi32, #tpu.memory_space<vmem>> -> memref<16xi32, #tpu.memory_space<vmem>>
    %dma_start3A_79 = arith.constant 0 : i32
    %dma_start3A_80 = arith.constant 0 : i32
    %dma_start3A_81 = tpu.memref_slice %arg4[%dma_start3A_79, %dma_start3A_80] : memref<151936x1024xf32, #tpu.memory_space<hbm>> -> memref<151936x1024xf32, #tpu.memory_space<hbm>>
    tpu.enqueue_indirect_dma source(%dma_start3A_81 : memref<151936x1024xf32, #tpu.memory_space<hbm>>) target(%dma_start3A_76 : memref<16x1024xf32, #tpu.memory_space<vmem>>) offsets(%dma_start3A_78 : memref<16xi32, #tpu.memory_space<vmem>>) semaphore(%arg14 : memref<!tpu.dma_semaphore, #tpu.memory_space<semaphore_mem>>)
    "tpu.region"() ({
      %run_scoped3A = tpu.sem_alloc : memref<!tpu.dma_semaphore, #tpu.memory_space<semaphore_mem>>
      %dma_start3A_996 = tpu.memref_slice %arg3[%select_n3A, %mul3A_32] : memref<4x2048xi32, #tpu.memory_space<hbm>> -> memref<1x256xi32, #tpu.memory_space<hbm>>
      %dma_start3A_997 = tpu.memref_squeeze %dma_start3A_996 : memref<1x256xi32, #tpu.memory_space<hbm>> -> memref<256xi32, #tpu.memory_space<hbm>>
      %dma_start3A_998 = tpu.memref_slice %arg3[%select_n3A, %mul3A_32] : memref<4x2048xi32, #tpu.memory_space<hbm>> -> memref<1x256xi32, #tpu.memory_space<hbm>>
      %dma_start3A_999 = tpu.memref_squeeze %dma_start3A_998 : memref<1x256xi32, #tpu.memory_space<hbm>> -> memref<256xi32, #tpu.memory_space<hbm>>
      tpu.enqueue_dma source(%dma_start3A_999 : memref<256xi32, #tpu.memory_space<hbm>>) target(%arg7 : memref<256xi32, #tpu.memory_space<vmem>>) target_semaphore(%run_scoped3A : memref<!tpu.dma_semaphore, #tpu.memory_space<semaphore_mem>>)
      %dma_wait3A_1000 = tpu.memref_slice %arg3[%select_n3A, %mul3A_32] : memref<4x2048xi32, #tpu.memory_space<hbm>> -> memref<1x256xi32, #tpu.memory_space<hbm>>
      %dma_wait3A_1001 = tpu.memref_squeeze %dma_wait3A_1000 : memref<1x256xi32, #tpu.memory_space<hbm>> -> memref<256xi32, #tpu.memory_space<hbm>>
      %dma_wait3A_1002 = tpu.memref_slice %arg3[%select_n3A, %mul3A_32] : memref<4x2048xi32, #tpu.memory_space<hbm>> -> memref<1x256xi32, #tpu.memory_space<hbm>>
      %dma_wait3A_1003 = tpu.memref_squeeze %dma_wait3A_1002 : memref<1x256xi32, #tpu.memory_space<hbm>> -> memref<256xi32, #tpu.memory_space<hbm>>
      tpu.wait_dma2 semaphore(%run_scoped3A : memref<!tpu.dma_semaphore, #tpu.memory_space<semaphore_mem>>) src(%dma_wait3A_1003 : memref<256xi32, #tpu.memory_space<hbm>>) dst(%arg7 : memref<256xi32, #tpu.memory_space<vmem>>)
      tpu.yield
    }) : () -> ()
    %broadcast_in_dim3A = arith.constant 0 : i32
    %broadcast_in_dim3A_82 = vector.broadcast %broadcast_in_dim3A : i32 to vector<16xi32>
    %scan3A = arith.constant 0 : i32
    %scan3A_83 = arith.constant 16 : i32
    %scan3A_84 = arith.addi %scan3A, %scan3A_83 : i32
    %scan3A_85 = arith.constant 1 : i32
    %scan3A_86 = scf.for %scan3A_996 = %scan3A to %scan3A_84 step %scan3A_85 iter_args(%scan3A_997 = %broadcast_in_dim3A_82) -> (vector<16xi32>)  : i32 {
      %mul3A_998 = arith.constant 16 : i32
      %mul3A_999 = arith.muli %scan3A_996, %mul3A_998 : i32
      %get3A = arith.index_cast %mul3A_999 : i32 to index
      %get3A_1000 = tpu.vector_load %arg7[%get3A] {strides = array<i32>} : memref<256xi32, #tpu.memory_space<vmem>>, vector<16xi32>,
      %get3A_1001 = vector.shape_cast %get3A_1000 : vector<16xi32> to vector<16xi32>
      %xor3A = arith.constant 1 : i32
      %xor3A_1002 = vector.broadcast %xor3A : i32 to vector<16xi32>
      %xor3A_1003 = arith.xori %get3A_1001, %xor3A_1002 : vector<16xi32>
      %or3A_1004 = arith.ori %scan3A_997, %xor3A_1003 : vector<16xi32>
      scf.yield %or3A_1004 : vector<16xi32>
    }
    %scan3A_87 = arith.constant 16 : i32
    %slice3A = vector.extract_strided_slice %scan3A_86 {offsets = [0], sizes = [1], strides = [1]} : vector<16xi32> to vector<1xi32>
    %squeeze3A = vector.extract %slice3A[0] : i32 from vector<1xi32>
    %slice3A_88 = vector.extract_strided_slice %scan3A_86 {offsets = [1], sizes = [1], strides = [1]} : vector<16xi32> to vector<1xi32>
    %squeeze3A_89 = vector.extract %slice3A_88[0] : i32 from vector<1xi32>
    %or3A = arith.ori %squeeze3A, %squeeze3A_89 : i32
    %slice3A_90 = vector.extract_strided_slice %scan3A_86 {offsets = [2], sizes = [1], strides = [1]} : vector<16xi32> to vector<1xi32>
    %squeeze3A_91 = vector.extract %slice3A_90[0] : i32 from vector<1xi32>
    %or3A_92 = arith.ori %or3A, %squeeze3A_91 : i32
    %slice3A_93 = vector.extract_strided_slice %scan3A_86 {offsets = [3], sizes = [1], strides = [1]} : vector<16xi32> to vector<1xi32>
    %squeeze3A_94 = vector.extract %slice3A_93[0] : i32 from vector<1xi32>
    %or3A_95 = arith.ori %or3A_92, %squeeze3A_94 : i32
    %slice3A_96 = vector.extract_strided_slice %scan3A_86 {offsets = [4], sizes = [1], strides = [1]} : vector<16xi32> to vector<1xi32>
    %squeeze3A_97 = vector.extract %slice3A_96[0] : i32 from vector<1xi32>
    %or3A_98 = arith.ori %or3A_95, %squeeze3A_97 : i32
    %slice3A_99 = vector.extract_strided_slice %scan3A_86 {offsets = [5], sizes = [1], strides = [1]} : vector<16xi32> to vector<1xi32>
    %squeeze3A_100 = vector.extract %slice3A_99[0] : i32 from vector<1xi32>
    %or3A_101 = arith.ori %or3A_98, %squeeze3A_100 : i32
    %slice3A_102 = vector.extract_strided_slice %scan3A_86 {offsets = [6], sizes = [1], strides = [1]} : vector<16xi32> to vector<1xi32>
    %squeeze3A_103 = vector.extract %slice3A_102[0] : i32 from vector<1xi32>
    %or3A_104 = arith.ori %or3A_101, %squeeze3A_103 : i32
    %slice3A_105 = vector.extract_strided_slice %scan3A_86 {offsets = [7], sizes = [1], strides = [1]} : vector<16xi32> to vector<1xi32>
    %squeeze3A_106 = vector.extract %slice3A_105[0] : i32 from vector<1xi32>
    %or3A_107 = arith.ori %or3A_104, %squeeze3A_106 : i32
    %slice3A_108 = vector.extract_strided_slice %scan3A_86 {offsets = [8], sizes = [1], strides = [1]} : vector<16xi32> to vector<1xi32>
    %squeeze3A_109 = vector.extract %slice3A_108[0] : i32 from vector<1xi32>
    %or3A_110 = arith.ori %or3A_107, %squeeze3A_109 : i32
    %slice3A_111 = vector.extract_strided_slice %scan3A_86 {offsets = [9], sizes = [1], strides = [1]} : vector<16xi32> to vector<1xi32>
    %squeeze3A_112 = vector.extract %slice3A_111[0] : i32 from vector<1xi32>
    %or3A_113 = arith.ori %or3A_110, %squeeze3A_112 : i32
    %slice3A_114 = vector.extract_strided_slice %scan3A_86 {offsets = [10], sizes = [1], strides = [1]} : vector<16xi32> to vector<1xi32>
    %squeeze3A_115 = vector.extract %slice3A_114[0] : i32 from vector<1xi32>
    %or3A_116 = arith.ori %or3A_113, %squeeze3A_115 : i32
    %slice3A_117 = vector.extract_strided_slice %scan3A_86 {offsets = [11], sizes = [1], strides = [1]} : vector<16xi32> to vector<1xi32>
    %squeeze3A_118 = vector.extract %slice3A_117[0] : i32 from vector<1xi32>
    %or3A_119 = arith.ori %or3A_116, %squeeze3A_118 : i32
    %slice3A_120 = vector.extract_strided_slice %scan3A_86 {offsets = [12], sizes = [1], strides = [1]} : vector<16xi32> to vector<1xi32>
    %squeeze3A_121 = vector.extract %slice3A_120[0] : i32 from vector<1xi32>
    %or3A_122 = arith.ori %or3A_119, %squeeze3A_121 : i32
    %slice3A_123 = vector.extract_strided_slice %scan3A_86 {offsets = [13], sizes = [1], strides = [1]} : vector<16xi32> to vector<1xi32>
    %squeeze3A_124 = vector.extract %slice3A_123[0] : i32 from vector<1xi32>
    %or3A_125 = arith.ori %or3A_122, %squeeze3A_124 : i32
    %slice3A_126 = vector.extract_strided_slice %scan3A_86 {offsets = [14], sizes = [1], strides = [1]} : vector<16xi32> to vector<1xi32>
    %squeeze3A_127 = vector.extract %slice3A_126[0] : i32 from vector<1xi32>
    %or3A_128 = arith.ori %or3A_125, %squeeze3A_127 : i32
    %slice3A_129 = vector.extract_strided_slice %scan3A_86 {offsets = [15], sizes = [1], strides = [1]} : vector<16xi32> to vector<1xi32>
    %squeeze3A_130 = vector.extract %slice3A_129[0] : i32 from vector<1xi32>
    %or3A_131 = arith.ori %or3A_128, %squeeze3A_130 : i32
    %ne3A_132 = arith.constant 0 : i32
    %ne3A_133 = arith.cmpi ne, %or3A_131, %ne3A_132 : i32
    %convert_element_type3A = arith.extui %ne3A_133 : i1 to i32
    %cond3A = arith.constant 0 : i32
    %cond3A_134 = arith.cmpi ne, %convert_element_type3A, %cond3A : i32
    scf.if %cond3A_134 {
      %scan3A_996 = arith.constant 0 : i32
      %scan3A_997 = arith.constant 0 : i32
      %scan3A_998 = arith.constant 16 : i32
      %scan3A_999 = arith.addi %scan3A_997, %scan3A_998 : i32
      %scan3A_1000 = arith.constant 1 : i32
      %scan3A_1001 = scf.for %scan3A_1003 = %scan3A_997 to %scan3A_999 step %scan3A_1000 iter_args(%scan3A_1004 = %scan3A_996) -> (i32)  : i32 {
        %mul3A_1005 = arith.constant 16 : i32
        %mul3A_1006 = arith.muli %scan3A_1003, %mul3A_1005 : i32
        %get3A = arith.index_cast %mul3A_1006 : i32 to index
        %get3A_1007 = tpu.vector_load %arg7[%get3A] {strides = array<i32>} : memref<256xi32, #tpu.memory_space<vmem>>, vector<16xi32>,
        %get3A_1008 = vector.shape_cast %get3A_1007 : vector<16xi32> to vector<16xi32>
        %convert_element_type3A_1009 = arith.sitofp %get3A_1008 : vector<16xi32> to vector<16xf32>
        %slice3A_1010 = vector.extract_strided_slice %convert_element_type3A_1009 {offsets = [0], sizes = [1], strides = [1]} : vector<16xf32> to vector<1xf32>
        %squeeze3A_1011 = vector.extract %slice3A_1010[0] : f32 from vector<1xf32>
        %broadcast_in_dim3A_1012 = vector.broadcast %squeeze3A_1011 : f32 to vector<16xf32>
        %mul3A_1013 = arith.constant 16 : i32
        %mul3A_1014 = arith.muli %scan3A_1003, %mul3A_1013 : i32
        %add3A_1015 = arith.constant 0 : i32
        %add3A_1016 = arith.addi %mul3A_1014, %add3A_1015 : i32
        %swap3A = arith.index_cast %add3A_1016 : i32 to index
        %swap3A_1017 = arith.constant 0 : index
        %swap3A_1018 = tpu.vector_load %arg8[%swap3A, %swap3A_1017] {strides = array<i32>} : memref<256x16xf32, #tpu.memory_space<vmem>>, vector<1x16xf32>,
        %swap3A_1019 = vector.shape_cast %swap3A_1018 : vector<1x16xf32> to vector<16xf32>
        %swap3A_1020 = vector.shape_cast %broadcast_in_dim3A_1012 : vector<16xf32> to vector<1x16xf32>
        tpu.vector_store %arg8[%swap3A, %swap3A_1017], %swap3A_1020 {strides = array<i32>} : memref<256x16xf32, #tpu.memory_space<vmem>>, vector<1x16xf32>,
        %slice3A_1021 = vector.extract_strided_slice %convert_element_type3A_1009 {offsets = [1], sizes = [1], strides = [1]} : vector<16xf32> to vector<1xf32>
        %squeeze3A_1022 = vector.extract %slice3A_1021[0] : f32 from vector<1xf32>
        %broadcast_in_dim3A_1023 = vector.broadcast %squeeze3A_1022 : f32 to vector<16xf32>
        %mul3A_1024 = arith.constant 16 : i32
        %mul3A_1025 = arith.muli %scan3A_1003, %mul3A_1024 : i32
        %add3A_1026 = arith.constant 1 : i32
        %add3A_1027 = arith.addi %mul3A_1025, %add3A_1026 : i32
        %swap3A_1028 = arith.index_cast %add3A_1027 : i32 to index
        %swap3A_1029 = arith.constant 0 : index
        %swap3A_1030 = tpu.vector_load %arg8[%swap3A_1028, %swap3A_1029] {strides = array<i32>} : memref<256x16xf32, #tpu.memory_space<vmem>>, vector<1x16xf32>,
        %swap3A_1031 = vector.shape_cast %swap3A_1030 : vector<1x16xf32> to vector<16xf32>
        %swap3A_1032 = vector.shape_cast %broadcast_in_dim3A_1023 : vector<16xf32> to vector<1x16xf32>
        tpu.vector_store %arg8[%swap3A_1028, %swap3A_1029], %swap3A_1032 {strides = array<i32>} : memref<256x16xf32, #tpu.memory_space<vmem>>, vector<1x16xf32>,
        %slice3A_1033 = vector.extract_strided_slice %convert_element_type3A_1009 {offsets = [2], sizes = [1], strides = [1]} : vector<16xf32> to vector<1xf32>
        %squeeze3A_1034 = vector.extract %slice3A_1033[0] : f32 from vector<1xf32>
        %broadcast_in_dim3A_1035 = vector.broadcast %squeeze3A_1034 : f32 to vector<16xf32>
        %mul3A_1036 = arith.constant 16 : i32
        %mul3A_1037 = arith.muli %scan3A_1003, %mul3A_1036 : i32
        %add3A_1038 = arith.constant 2 : i32
        %add3A_1039 = arith.addi %mul3A_1037, %add3A_1038 : i32
        %swap3A_1040 = arith.index_cast %add3A_1039 : i32 to index
        %swap3A_1041 = arith.constant 0 : index
        %swap3A_1042 = tpu.vector_load %arg8[%swap3A_1040, %swap3A_1041] {strides = array<i32>} : memref<256x16xf32, #tpu.memory_space<vmem>>, vector<1x16xf32>,
        %swap3A_1043 = vector.shape_cast %swap3A_1042 : vector<1x16xf32> to vector<16xf32>
        %swap3A_1044 = vector.shape_cast %broadcast_in_dim3A_1035 : vector<16xf32> to vector<1x16xf32>
        tpu.vector_store %arg8[%swap3A_1040, %swap3A_1041], %swap3A_1044 {strides = array<i32>} : memref<256x16xf32, #tpu.memory_space<vmem>>, vector<1x16xf32>,
        %slice3A_1045 = vector.extract_strided_slice %convert_element_type3A_1009 {offsets = [3], sizes = [1], strides = [1]} : vector<16xf32> to vector<1xf32>
        %squeeze3A_1046 = vector.extract %slice3A_1045[0] : f32 from vector<1xf32>
        %broadcast_in_dim3A_1047 = vector.broadcast %squeeze3A_1046 : f32 to vector<16xf32>
        %mul3A_1048 = arith.constant 16 : i32
        %mul3A_1049 = arith.muli %scan3A_1003, %mul3A_1048 : i32
        %add3A_1050 = arith.constant 3 : i32
        %add3A_1051 = arith.addi %mul3A_1049, %add3A_1050 : i32
        %swap3A_1052 = arith.index_cast %add3A_1051 : i32 to index
        %swap3A_1053 = arith.constant 0 : index
        %swap3A_1054 = tpu.vector_load %arg8[%swap3A_1052, %swap3A_1053] {strides = array<i32>} : memref<256x16xf32, #tpu.memory_space<vmem>>, vector<1x16xf32>,
        %swap3A_1055 = vector.shape_cast %swap3A_1054 : vector<1x16xf32> to vector<16xf32>
        %swap3A_1056 = vector.shape_cast %broadcast_in_dim3A_1047 : vector<16xf32> to vector<1x16xf32>
        tpu.vector_store %arg8[%swap3A_1052, %swap3A_1053], %swap3A_1056 {strides = array<i32>} : memref<256x16xf32, #tpu.memory_space<vmem>>, vector<1x16xf32>,
        %slice3A_1057 = vector.extract_strided_slice %convert_element_type3A_1009 {offsets = [4], sizes = [1], strides = [1]} : vector<16xf32> to vector<1xf32>
        %squeeze3A_1058 = vector.extract %slice3A_1057[0] : f32 from vector<1xf32>
        %broadcast_in_dim3A_1059 = vector.broadcast %squeeze3A_1058 : f32 to vector<16xf32>
        %mul3A_1060 = arith.constant 16 : i32
        %mul3A_1061 = arith.muli %scan3A_1003, %mul3A_1060 : i32
        %add3A_1062 = arith.constant 4 : i32
        %add3A_1063 = arith.addi %mul3A_1061, %add3A_1062 : i32
        %swap3A_1064 = arith.index_cast %add3A_1063 : i32 to index
        %swap3A_1065 = arith.constant 0 : index
        %swap3A_1066 = tpu.vector_load %arg8[%swap3A_1064, %swap3A_1065] {strides = array<i32>} : memref<256x16xf32, #tpu.memory_space<vmem>>, vector<1x16xf32>,
        %swap3A_1067 = vector.shape_cast %swap3A_1066 : vector<1x16xf32> to vector<16xf32>
        %swap3A_1068 = vector.shape_cast %broadcast_in_dim3A_1059 : vector<16xf32> to vector<1x16xf32>
        tpu.vector_store %arg8[%swap3A_1064, %swap3A_1065], %swap3A_1068 {strides = array<i32>} : memref<256x16xf32, #tpu.memory_space<vmem>>, vector<1x16xf32>,
        %slice3A_1069 = vector.extract_strided_slice %convert_element_type3A_1009 {offsets = [5], sizes = [1], strides = [1]} : vector<16xf32> to vector<1xf32>
        %squeeze3A_1070 = vector.extract %slice3A_1069[0] : f32 from vector<1xf32>
        %broadcast_in_dim3A_1071 = vector.broadcast %squeeze3A_1070 : f32 to vector<16xf32>
        %mul3A_1072 = arith.constant 16 : i32
        %mul3A_1073 = arith.muli %scan3A_1003, %mul3A_1072 : i32
        %add3A_1074 = arith.constant 5 : i32
        %add3A_1075 = arith.addi %mul3A_1073, %add3A_1074 : i32
        %swap3A_1076 = arith.index_cast %add3A_1075 : i32 to index
        %swap3A_1077 = arith.constant 0 : index
        %swap3A_1078 = tpu.vector_load %arg8[%swap3A_1076, %swap3A_1077] {strides = array<i32>} : memref<256x16xf32, #tpu.memory_space<vmem>>, vector<1x16xf32>,
        %swap3A_1079 = vector.shape_cast %swap3A_1078 : vector<1x16xf32> to vector<16xf32>
        %swap3A_1080 = vector.shape_cast %broadcast_in_dim3A_1071 : vector<16xf32> to vector<1x16xf32>
        tpu.vector_store %arg8[%swap3A_1076, %swap3A_1077], %swap3A_1080 {strides = array<i32>} : memref<256x16xf32, #tpu.memory_space<vmem>>, vector<1x16xf32>,
        %slice3A_1081 = vector.extract_strided_slice %convert_element_type3A_1009 {offsets = [6], sizes = [1], strides = [1]} : vector<16xf32> to vector<1xf32>
        %squeeze3A_1082 = vector.extract %slice3A_1081[0] : f32 from vector<1xf32>
        %broadcast_in_dim3A_1083 = vector.broadcast %squeeze3A_1082 : f32 to vector<16xf32>
        %mul3A_1084 = arith.constant 16 : i32
        %mul3A_1085 = arith.muli %scan3A_1003, %mul3A_1084 : i32
        %add3A_1086 = arith.constant 6 : i32
        %add3A_1087 = arith.addi %mul3A_1085, %add3A_1086 : i32
        %swap3A_1088 = arith.index_cast %add3A_1087 : i32 to index
        %swap3A_1089 = arith.constant 0 : index
        %swap3A_1090 = tpu.vector_load %arg8[%swap3A_1088, %swap3A_1089] {strides = array<i32>} : memref<256x16xf32, #tpu.memory_space<vmem>>, vector<1x16xf32>,
        %swap3A_1091 = vector.shape_cast %swap3A_1090 : vector<1x16xf32> to vector<16xf32>
        %swap3A_1092 = vector.shape_cast %broadcast_in_dim3A_1083 : vector<16xf32> to vector<1x16xf32>
        tpu.vector_store %arg8[%swap3A_1088, %swap3A_1089], %swap3A_1092 {strides = array<i32>} : memref<256x16xf32, #tpu.memory_space<vmem>>, vector<1x16xf32>,
        %slice3A_1093 = vector.extract_strided_slice %convert_element_type3A_1009 {offsets = [7], sizes = [1], strides = [1]} : vector<16xf32> to vector<1xf32>
        %squeeze3A_1094 = vector.extract %slice3A_1093[0] : f32 from vector<1xf32>
        %broadcast_in_dim3A_1095 = vector.broadcast %squeeze3A_1094 : f32 to vector<16xf32>
        %mul3A_1096 = arith.constant 16 : i32
        %mul3A_1097 = arith.muli %scan3A_1003, %mul3A_1096 : i32
        %add3A_1098 = arith.constant 7 : i32
        %add3A_1099 = arith.addi %mul3A_1097, %add3A_1098 : i32
        %swap3A_1100 = arith.index_cast %add3A_1099 : i32 to index
        %swap3A_1101 = arith.constant 0 : index
        %swap3A_1102 = tpu.vector_load %arg8[%swap3A_1100, %swap3A_1101] {strides = array<i32>} : memref<256x16xf32, #tpu.memory_space<vmem>>, vector<1x16xf32>,
        %swap3A_1103 = vector.shape_cast %swap3A_1102 : vector<1x16xf32> to vector<16xf32>
        %swap3A_1104 = vector.shape_cast %broadcast_in_dim3A_1095 : vector<16xf32> to vector<1x16xf32>
        tpu.vector_store %arg8[%swap3A_1100, %swap3A_1101], %swap3A_1104 {strides = array<i32>} : memref<256x16xf32, #tpu.memory_space<vmem>>, vector<1x16xf32>,
        %slice3A_1105 = vector.extract_strided_slice %convert_element_type3A_1009 {offsets = [8], sizes = [1], strides = [1]} : vector<16xf32> to vector<1xf32>
        %squeeze3A_1106 = vector.extract %slice3A_1105[0] : f32 from vector<1xf32>
        %broadcast_in_dim3A_1107 = vector.broadcast %squeeze3A_1106 : f32 to vector<16xf32>
        %mul3A_1108 = arith.constant 16 : i32
        %mul3A_1109 = arith.muli %scan3A_1003, %mul3A_1108 : i32
        %add3A_1110 = arith.constant 8 : i32
        %add3A_1111 = arith.addi %mul3A_1109, %add3A_1110 : i32
        %swap3A_1112 = arith.index_cast %add3A_1111 : i32 to index
        %swap3A_1113 = arith.constant 0 : index
        %swap3A_1114 = tpu.vector_load %arg8[%swap3A_1112, %swap3A_1113] {strides = array<i32>} : memref<256x16xf32, #tpu.memory_space<vmem>>, vector<1x16xf32>,
        %swap3A_1115 = vector.shape_cast %swap3A_1114 : vector<1x16xf32> to vector<16xf32>
        %swap3A_1116 = vector.shape_cast %broadcast_in_dim3A_1107 : vector<16xf32> to vector<1x16xf32>
        tpu.vector_store %arg8[%swap3A_1112, %swap3A_1113], %swap3A_1116 {strides = array<i32>} : memref<256x16xf32, #tpu.memory_space<vmem>>, vector<1x16xf32>,
        %slice3A_1117 = vector.extract_strided_slice %convert_element_type3A_1009 {offsets = [9], sizes = [1], strides = [1]} : vector<16xf32> to vector<1xf32>
        %squeeze3A_1118 = vector.extract %slice3A_1117[0] : f32 from vector<1xf32>
        %broadcast_in_dim3A_1119 = vector.broadcast %squeeze3A_1118 : f32 to vector<16xf32>
        %mul3A_1120 = arith.constant 16 : i32
        %mul3A_1121 = arith.muli %scan3A_1003, %mul3A_1120 : i32
        %add3A_1122 = arith.constant 9 : i32
        %add3A_1123 = arith.addi %mul3A_1121, %add3A_1122 : i32
        %swap3A_1124 = arith.index_cast %add3A_1123 : i32 to index
        %swap3A_1125 = arith.constant 0 : index
        %swap3A_1126 = tpu.vector_load %arg8[%swap3A_1124, %swap3A_1125] {strides = array<i32>} : memref<256x16xf32, #tpu.memory_space<vmem>>, vector<1x16xf32>,
        %swap3A_1127 = vector.shape_cast %swap3A_1126 : vector<1x16xf32> to vector<16xf32>
        %swap3A_1128 = vector.shape_cast %broadcast_in_dim3A_1119 : vector<16xf32> to vector<1x16xf32>
        tpu.vector_store %arg8[%swap3A_1124, %swap3A_1125], %swap3A_1128 {strides = array<i32>} : memref<256x16xf32, #tpu.memory_space<vmem>>, vector<1x16xf32>,
        %slice3A_1129 = vector.extract_strided_slice %convert_element_type3A_1009 {offsets = [10], sizes = [1], strides = [1]} : vector<16xf32> to vector<1xf32>
        %squeeze3A_1130 = vector.extract %slice3A_1129[0] : f32 from vector<1xf32>
        %broadcast_in_dim3A_1131 = vector.broadcast %squeeze3A_1130 : f32 to vector<16xf32>
        %mul3A_1132 = arith.constant 16 : i32
        %mul3A_1133 = arith.muli %scan3A_1003, %mul3A_1132 : i32
        %add3A_1134 = arith.constant 10 : i32
        %add3A_1135 = arith.addi %mul3A_1133, %add3A_1134 : i32
        %swap3A_1136 = arith.index_cast %add3A_1135 : i32 to index
        %swap3A_1137 = arith.constant 0 : index
        %swap3A_1138 = tpu.vector_load %arg8[%swap3A_1136, %swap3A_1137] {strides = array<i32>} : memref<256x16xf32, #tpu.memory_space<vmem>>, vector<1x16xf32>,
        %swap3A_1139 = vector.shape_cast %swap3A_1138 : vector<1x16xf32> to vector<16xf32>
        %swap3A_1140 = vector.shape_cast %broadcast_in_dim3A_1131 : vector<16xf32> to vector<1x16xf32>
        tpu.vector_store %arg8[%swap3A_1136, %swap3A_1137], %swap3A_1140 {strides = array<i32>} : memref<256x16xf32, #tpu.memory_space<vmem>>, vector<1x16xf32>,
        %slice3A_1141 = vector.extract_strided_slice %convert_element_type3A_1009 {offsets = [11], sizes = [1], strides = [1]} : vector<16xf32> to vector<1xf32>
        %squeeze3A_1142 = vector.extract %slice3A_1141[0] : f32 from vector<1xf32>
        %broadcast_in_dim3A_1143 = vector.broadcast %squeeze3A_1142 : f32 to vector<16xf32>
        %mul3A_1144 = arith.constant 16 : i32
        %mul3A_1145 = arith.muli %scan3A_1003, %mul3A_1144 : i32
        %add3A_1146 = arith.constant 11 : i32
        %add3A_1147 = arith.addi %mul3A_1145, %add3A_1146 : i32
        %swap3A_1148 = arith.index_cast %add3A_1147 : i32 to index
        %swap3A_1149 = arith.constant 0 : index
        %swap3A_1150 = tpu.vector_load %arg8[%swap3A_1148, %swap3A_1149] {strides = array<i32>} : memref<256x16xf32, #tpu.memory_space<vmem>>, vector<1x16xf32>,
        %swap3A_1151 = vector.shape_cast %swap3A_1150 : vector<1x16xf32> to vector<16xf32>
        %swap3A_1152 = vector.shape_cast %broadcast_in_dim3A_1143 : vector<16xf32> to vector<1x16xf32>
        tpu.vector_store %arg8[%swap3A_1148, %swap3A_1149], %swap3A_1152 {strides = array<i32>} : memref<256x16xf32, #tpu.memory_space<vmem>>, vector<1x16xf32>,
        %slice3A_1153 = vector.extract_strided_slice %convert_element_type3A_1009 {offsets = [12], sizes = [1], strides = [1]} : vector<16xf32> to vector<1xf32>
        %squeeze3A_1154 = vector.extract %slice3A_1153[0] : f32 from vector<1xf32>
        %broadcast_in_dim3A_1155 = vector.broadcast %squeeze3A_1154 : f32 to vector<16xf32>
        %mul3A_1156 = arith.constant 16 : i32
        %mul3A_1157 = arith.muli %scan3A_1003, %mul3A_1156 : i32
        %add3A_1158 = arith.constant 12 : i32
        %add3A_1159 = arith.addi %mul3A_1157, %add3A_1158 : i32
        %swap3A_1160 = arith.index_cast %add3A_1159 : i32 to index
        %swap3A_1161 = arith.constant 0 : index
        %swap3A_1162 = tpu.vector_load %arg8[%swap3A_1160, %swap3A_1161] {strides = array<i32>} : memref<256x16xf32, #tpu.memory_space<vmem>>, vector<1x16xf32>,
        %swap3A_1163 = vector.shape_cast %swap3A_1162 : vector<1x16xf32> to vector<16xf32>
        %swap3A_1164 = vector.shape_cast %broadcast_in_dim3A_1155 : vector<16xf32> to vector<1x16xf32>
        tpu.vector_store %arg8[%swap3A_1160, %swap3A_1161], %swap3A_1164 {strides = array<i32>} : memref<256x16xf32, #tpu.memory_space<vmem>>, vector<1x16xf32>,
        %slice3A_1165 = vector.extract_strided_slice %convert_element_type3A_1009 {offsets = [13], sizes = [1], strides = [1]} : vector<16xf32> to vector<1xf32>
        %squeeze3A_1166 = vector.extract %slice3A_1165[0] : f32 from vector<1xf32>
        %broadcast_in_dim3A_1167 = vector.broadcast %squeeze3A_1166 : f32 to vector<16xf32>
        %mul3A_1168 = arith.constant 16 : i32
        %mul3A_1169 = arith.muli %scan3A_1003, %mul3A_1168 : i32
        %add3A_1170 = arith.constant 13 : i32
        %add3A_1171 = arith.addi %mul3A_1169, %add3A_1170 : i32
        %swap3A_1172 = arith.index_cast %add3A_1171 : i32 to index
        %swap3A_1173 = arith.constant 0 : index
        %swap3A_1174 = tpu.vector_load %arg8[%swap3A_1172, %swap3A_1173] {strides = array<i32>} : memref<256x16xf32, #tpu.memory_space<vmem>>, vector<1x16xf32>,
        %swap3A_1175 = vector.shape_cast %swap3A_1174 : vector<1x16xf32> to vector<16xf32>
        %swap3A_1176 = vector.shape_cast %broadcast_in_dim3A_1167 : vector<16xf32> to vector<1x16xf32>
        tpu.vector_store %arg8[%swap3A_1172, %swap3A_1173], %swap3A_1176 {strides = array<i32>} : memref<256x16xf32, #tpu.memory_space<vmem>>, vector<1x16xf32>,
        %slice3A_1177 = vector.extract_strided_slice %convert_element_type3A_1009 {offsets = [14], sizes = [1], strides = [1]} : vector<16xf32> to vector<1xf32>
        %squeeze3A_1178 = vector.extract %slice3A_1177[0] : f32 from vector<1xf32>
        %broadcast_in_dim3A_1179 = vector.broadcast %squeeze3A_1178 : f32 to vector<16xf32>
        %mul3A_1180 = arith.constant 16 : i32
        %mul3A_1181 = arith.muli %scan3A_1003, %mul3A_1180 : i32
        %add3A_1182 = arith.constant 14 : i32
        %add3A_1183 = arith.addi %mul3A_1181, %add3A_1182 : i32
        %swap3A_1184 = arith.index_cast %add3A_1183 : i32 to index
        %swap3A_1185 = arith.constant 0 : index
        %swap3A_1186 = tpu.vector_load %arg8[%swap3A_1184, %swap3A_1185] {strides = array<i32>} : memref<256x16xf32, #tpu.memory_space<vmem>>, vector<1x16xf32>,
        %swap3A_1187 = vector.shape_cast %swap3A_1186 : vector<1x16xf32> to vector<16xf32>
        %swap3A_1188 = vector.shape_cast %broadcast_in_dim3A_1179 : vector<16xf32> to vector<1x16xf32>
        tpu.vector_store %arg8[%swap3A_1184, %swap3A_1185], %swap3A_1188 {strides = array<i32>} : memref<256x16xf32, #tpu.memory_space<vmem>>, vector<1x16xf32>,
        %slice3A_1189 = vector.extract_strided_slice %convert_element_type3A_1009 {offsets = [15], sizes = [1], strides = [1]} : vector<16xf32> to vector<1xf32>
        %squeeze3A_1190 = vector.extract %slice3A_1189[0] : f32 from vector<1xf32>
        %broadcast_in_dim3A_1191 = vector.broadcast %squeeze3A_1190 : f32 to vector<16xf32>
        %mul3A_1192 = arith.constant 16 : i32
        %mul3A_1193 = arith.muli %scan3A_1003, %mul3A_1192 : i32
        %add3A_1194 = arith.constant 15 : i32
        %add3A_1195 = arith.addi %mul3A_1193, %add3A_1194 : i32
        %swap3A_1196 = arith.index_cast %add3A_1195 : i32 to index
        %swap3A_1197 = arith.constant 0 : index
        %swap3A_1198 = tpu.vector_load %arg8[%swap3A_1196, %swap3A_1197] {strides = array<i32>} : memref<256x16xf32, #tpu.memory_space<vmem>>, vector<1x16xf32>,
        %swap3A_1199 = vector.shape_cast %swap3A_1198 : vector<1x16xf32> to vector<16xf32>
        %swap3A_1200 = vector.shape_cast %broadcast_in_dim3A_1191 : vector<16xf32> to vector<1x16xf32>
        tpu.vector_store %arg8[%swap3A_1196, %swap3A_1197], %swap3A_1200 {strides = array<i32>} : memref<256x16xf32, #tpu.memory_space<vmem>>, vector<1x16xf32>,
        %scan3A_1201 = arith.constant 0 : i32
        scf.yield %scan3A_1201 : i32
      }
      %scan3A_1002 = arith.constant 16 : i32
    } else {
    }
    %dma_wait3A = arith.constant 0 : i32
    %dma_wait3A_135 = arith.constant 0 : i32
    %dma_wait3A_136 = arith.constant 0 : i32
    %dma_wait3A_137 = tpu.memref_slice %arg9[%dma_wait3A, %dma_wait3A_135, %dma_wait3A_136] : memref<5x16x1024xf32, #tpu.memory_space<vmem>> -> memref<1x16x1024xf32, #tpu.memory_space<vmem>>
    %dma_wait3A_138 = tpu.memref_squeeze %dma_wait3A_137 : memref<1x16x1024xf32, #tpu.memory_space<vmem>> -> memref<16x1024xf32, #tpu.memory_space<vmem>>
    %dma_wait3A_139 = arith.constant 0 : i32
    %dma_wait3A_140 = tpu.memref_slice %arg6[%dma_wait3A_139] : memref<256xi32, #tpu.memory_space<vmem>> -> memref<16xi32, #tpu.memory_space<vmem>>
    %dma_wait3A_141 = arith.constant 0 : i32
    %dma_wait3A_142 = arith.constant 0 : i32
    %dma_wait3A_143 = tpu.memref_slice %arg4[%dma_wait3A_141, %dma_wait3A_142] : memref<151936x1024xf32, #tpu.memory_space<hbm>> -> memref<151936x1024xf32, #tpu.memory_space<hbm>>
    tpu.wait_indirect_dma semaphore(%arg10 : memref<!tpu.dma_semaphore, #tpu.memory_space<semaphore_mem>>) src(%dma_wait3A_143 : memref<151936x1024xf32, #tpu.memory_space<hbm>>) dst(%dma_wait3A_138 : memref<16x1024xf32, #tpu.memory_space<vmem>>)
    %convert_element_type3A_144 = arith.extui %ne3A_133 : i1 to i32
    %cond3A_145 = arith.constant 0 : i32
    %cond3A_146 = arith.cmpi ne, %convert_element_type3A_144, %cond3A_145 : i32
    scf.if %cond3A_146 {
      %scan3A_996 = arith.constant 0 : i32
      %scan3A_997 = arith.constant 0 : i32
      %scan3A_998 = arith.constant 16 : i32
      %scan3A_999 = arith.addi %scan3A_997, %scan3A_998 : i32
      %scan3A_1000 = arith.constant 1 : i32
      %scan3A_1001 = scf.for %scan3A_1003 = %scan3A_997 to %scan3A_999 step %scan3A_1000 iter_args(%scan3A_1004 = %scan3A_996) -> (i32)  : i32 {
        %add3A_1005 = arith.constant 0 : i32
        %add3A_1006 = arith.addi %add3A_1005, %scan3A_1003 : i32
        %get3A = arith.index_cast %add3A_1006 : i32 to index
        %get3A_1007 = arith.constant 0 : index
        %get3A_1008 = tpu.vector_load %arg8[%get3A, %get3A_1007] {strides = array<i32>} : memref<256x16xf32, #tpu.memory_space<vmem>>, vector<1x16xf32>,
        %get3A_1009 = vector.shape_cast %get3A_1008 : vector<1x16xf32> to vector<16xf32>
        %scan3A_1010 = arith.constant 0 : i32
        %scan3A_1011 = arith.constant 0 : i32
        %scan3A_1012 = arith.constant 64 : i32
        %scan3A_1013 = arith.addi %scan3A_1011, %scan3A_1012 : i32
        %scan3A_1014 = arith.constant 1 : i32
        %scan3A_1015 = scf.for %scan3A_1018 = %scan3A_1011 to %scan3A_1013 step %scan3A_1014 iter_args(%scan3A_1019 = %scan3A_1010) -> (i32)  : i32 {
          %mul3A_1020 = arith.constant 16 : i32
          %mul3A_1021 = arith.muli %scan3A_1018, %mul3A_1020 : i32
          %get3A_1022 = arith.constant 0 : i32
          %get3A_1023 = arith.index_cast %get3A_1022 : i32 to index
          %get3A_1024 = arith.index_cast %scan3A_1003 : i32 to index
          %get3A_1025 = arith.index_cast %mul3A_1021 : i32 to index
          %get3A_1026 = tpu.vector_load %arg9[%get3A_1023, %get3A_1024, %get3A_1025] {strides = array<i32>} : memref<5x16x1024xf32, #tpu.memory_space<vmem>>, vector<1x1x16xf32>,
          %get3A_1027 = vector.shape_cast %get3A_1026 : vector<1x1x16xf32> to vector<16xf32>
          %mul3A_1028 = arith.mulf %get3A_1027, %get3A_1009 : vector<16xf32>
          %swap3A = arith.constant 0 : i32
          %swap3A_1029 = arith.index_cast %swap3A : i32 to index
          %swap3A_1030 = arith.index_cast %scan3A_1003 : i32 to index
          %swap3A_1031 = arith.index_cast %mul3A_1021 : i32 to index
          %swap3A_1032 = tpu.vector_load %arg9[%swap3A_1029, %swap3A_1030, %swap3A_1031] {strides = array<i32>} : memref<5x16x1024xf32, #tpu.memory_space<vmem>>, vector<1x1x16xf32>,
          %swap3A_1033 = vector.shape_cast %swap3A_1032 : vector<1x1x16xf32> to vector<16xf32>
          %swap3A_1034 = vector.shape_cast %mul3A_1028 : vector<16xf32> to vector<1x1x16xf32>
          tpu.vector_store %arg9[%swap3A_1029, %swap3A_1030, %swap3A_1031], %swap3A_1034 {strides = array<i32>} : memref<5x16x1024xf32, #tpu.memory_space<vmem>>, vector<1x1x16xf32>,
          %scan3A_1035 = arith.constant 0 : i32
          scf.yield %scan3A_1035 : i32
        }
        %scan3A_1016 = arith.constant 64 : i32
        %scan3A_1017 = arith.constant 0 : i32
        scf.yield %scan3A_1017 : i32
      }
      %scan3A_1002 = arith.constant 16 : i32
    } else {
    }
    %add3A_147 = arith.constant 0 : i32
    %add3A_148 = arith.addi %mul3A_32, %add3A_147 : i32
    %dma_start3A_149 = arith.constant 0 : i32
    %dma_start3A_150 = arith.constant 0 : i32
    %dma_start3A_151 = arith.constant 0 : i32
    %dma_start3A_152 = tpu.memref_slice %arg9[%dma_start3A_149, %dma_start3A_150, %dma_start3A_151] : memref<5x16x1024xf32, #tpu.memory_space<vmem>> -> memref<1x16x1024xf32, #tpu.memory_space<vmem>>
    %dma_start3A_153 = tpu.memref_squeeze %dma_start3A_152 : memref<1x16x1024xf32, #tpu.memory_space<vmem>> -> memref<16x1024xf32, #tpu.memory_space<vmem>>
    %dma_start3A_154 = arith.constant 0 : i32
    %dma_start3A_155 = tpu.memref_slice %arg5[%select_n3A, %add3A_148, %dma_start3A_154] : memref<4x2048x1024xf32, #tpu.memory_space<hbm>> -> memref<1x16x1024xf32, #tpu.memory_space<hbm>>
    %dma_start3A_156 = tpu.memref_squeeze %dma_start3A_155 : memref<1x16x1024xf32, #tpu.memory_space<hbm>> -> memref<16x1024xf32, #tpu.memory_space<hbm>>
    %dma_start3A_157 = arith.constant 0 : i32
    %dma_start3A_158 = tpu.memref_slice %arg5[%select_n3A, %add3A_148, %dma_start3A_157] : memref<4x2048x1024xf32, #tpu.memory_space<hbm>> -> memref<1x16x1024xf32, #tpu.memory_space<hbm>>
    %dma_start3A_159 = tpu.memref_squeeze %dma_start3A_158 : memref<1x16x1024xf32, #tpu.memory_space<hbm>> -> memref<16x1024xf32, #tpu.memory_space<hbm>>
    %dma_start3A_160 = arith.constant 0 : i32
    %dma_start3A_161 = arith.constant 0 : i32
    %dma_start3A_162 = tpu.memref_slice %arg9[%dma_start3A_149, %dma_start3A_160, %dma_start3A_161] : memref<5x16x1024xf32, #tpu.memory_space<vmem>> -> memref<1x16x1024xf32, #tpu.memory_space<vmem>>
    %dma_start3A_163 = tpu.memref_squeeze %dma_start3A_162 : memref<1x16x1024xf32, #tpu.memory_space<vmem>> -> memref<16x1024xf32, #tpu.memory_space<vmem>>
    tpu.enqueue_dma source(%dma_start3A_163 : memref<16x1024xf32, #tpu.memory_space<vmem>>) target(%dma_start3A_159 : memref<16x1024xf32, #tpu.memory_space<hbm>>) target_semaphore(%arg15 : memref<!tpu.dma_semaphore, #tpu.memory_space<semaphore_mem>>)
    %dma_wait3A_164 = arith.constant 1 : i32
    %dma_wait3A_165 = arith.constant 0 : i32
    %dma_wait3A_166 = arith.constant 0 : i32
    %dma_wait3A_167 = tpu.memref_slice %arg9[%dma_wait3A_164, %dma_wait3A_165, %dma_wait3A_166] : memref<5x16x1024xf32, #tpu.memory_space<vmem>> -> memref<1x16x1024xf32, #tpu.memory_space<vmem>>
    %dma_wait3A_168 = tpu.memref_squeeze %dma_wait3A_167 : memref<1x16x1024xf32, #tpu.memory_space<vmem>> -> memref<16x1024xf32, #tpu.memory_space<vmem>>
    %dma_wait3A_169 = arith.constant 16 : i32
    %dma_wait3A_170 = tpu.memref_slice %arg6[%dma_wait3A_169] : memref<256xi32, #tpu.memory_space<vmem>> -> memref<16xi32, #tpu.memory_space<vmem>>
    %dma_wait3A_171 = arith.constant 0 : i32
    %dma_wait3A_172 = arith.constant 0 : i32
    %dma_wait3A_173 = tpu.memref_slice %arg4[%dma_wait3A_171, %dma_wait3A_172] : memref<151936x1024xf32, #tpu.memory_space<hbm>> -> memref<151936x1024xf32, #tpu.memory_space<hbm>>
    tpu.wait_indirect_dma semaphore(%arg11 : memref<!tpu.dma_semaphore, #tpu.memory_space<semaphore_mem>>) src(%dma_wait3A_173 : memref<151936x1024xf32, #tpu.memory_space<hbm>>) dst(%dma_wait3A_168 : memref<16x1024xf32, #tpu.memory_space<vmem>>)
    %convert_element_type3A_174 = arith.extui %ne3A_133 : i1 to i32
    %cond3A_175 = arith.constant 0 : i32
    %cond3A_176 = arith.cmpi ne, %convert_element_type3A_174, %cond3A_175 : i32
    scf.if %cond3A_176 {
      %scan3A_996 = arith.constant 0 : i32
      %scan3A_997 = arith.constant 0 : i32
      %scan3A_998 = arith.constant 16 : i32
      %scan3A_999 = arith.addi %scan3A_997, %scan3A_998 : i32
      %scan3A_1000 = arith.constant 1 : i32
      %scan3A_1001 = scf.for %scan3A_1003 = %scan3A_997 to %scan3A_999 step %scan3A_1000 iter_args(%scan3A_1004 = %scan3A_996) -> (i32)  : i32 {
        %add3A_1005 = arith.constant 16 : i32
        %add3A_1006 = arith.addi %add3A_1005, %scan3A_1003 : i32
        %get3A = arith.index_cast %add3A_1006 : i32 to index
        %get3A_1007 = arith.constant 0 : index
        %get3A_1008 = tpu.vector_load %arg8[%get3A, %get3A_1007] {strides = array<i32>} : memref<256x16xf32, #tpu.memory_space<vmem>>, vector<1x16xf32>,
        %get3A_1009 = vector.shape_cast %get3A_1008 : vector<1x16xf32> to vector<16xf32>
        %scan3A_1010 = arith.constant 0 : i32
        %scan3A_1011 = arith.constant 0 : i32
        %scan3A_1012 = arith.constant 64 : i32
        %scan3A_1013 = arith.addi %scan3A_1011, %scan3A_1012 : i32
        %scan3A_1014 = arith.constant 1 : i32
        %scan3A_1015 = scf.for %scan3A_1018 = %scan3A_1011 to %scan3A_1013 step %scan3A_1014 iter_args(%scan3A_1019 = %scan3A_1010) -> (i32)  : i32 {
          %mul3A_1020 = arith.constant 16 : i32
          %mul3A_1021 = arith.muli %scan3A_1018, %mul3A_1020 : i32
          %get3A_1022 = arith.constant 1 : i32
          %get3A_1023 = arith.index_cast %get3A_1022 : i32 to index
          %get3A_1024 = arith.index_cast %scan3A_1003 : i32 to index
          %get3A_1025 = arith.index_cast %mul3A_1021 : i32 to index
          %get3A_1026 = tpu.vector_load %arg9[%get3A_1023, %get3A_1024, %get3A_1025] {strides = array<i32>} : memref<5x16x1024xf32, #tpu.memory_space<vmem>>, vector<1x1x16xf32>,
          %get3A_1027 = vector.shape_cast %get3A_1026 : vector<1x1x16xf32> to vector<16xf32>
          %mul3A_1028 = arith.mulf %get3A_1027, %get3A_1009 : vector<16xf32>
          %swap3A = arith.constant 1 : i32
          %swap3A_1029 = arith.index_cast %swap3A : i32 to index
          %swap3A_1030 = arith.index_cast %scan3A_1003 : i32 to index
          %swap3A_1031 = arith.index_cast %mul3A_1021 : i32 to index
          %swap3A_1032 = tpu.vector_load %arg9[%swap3A_1029, %swap3A_1030, %swap3A_1031] {strides = array<i32>} : memref<5x16x1024xf32, #tpu.memory_space<vmem>>, vector<1x1x16xf32>,
          %swap3A_1033 = vector.shape_cast %swap3A_1032 : vector<1x1x16xf32> to vector<16xf32>
          %swap3A_1034 = vector.shape_cast %mul3A_1028 : vector<16xf32> to vector<1x1x16xf32>
          tpu.vector_store %arg9[%swap3A_1029, %swap3A_1030, %swap3A_1031], %swap3A_1034 {strides = array<i32>} : memref<5x16x1024xf32, #tpu.memory_space<vmem>>, vector<1x1x16xf32>,
          %scan3A_1035 = arith.constant 0 : i32
          scf.yield %scan3A_1035 : i32
        }
        %scan3A_1016 = arith.constant 64 : i32
        %scan3A_1017 = arith.constant 0 : i32
        scf.yield %scan3A_1017 : i32
      }
      %scan3A_1002 = arith.constant 16 : i32
    } else {
    }
    %add3A_177 = arith.constant 16 : i32
    %add3A_178 = arith.addi %mul3A_32, %add3A_177 : i32
    %dma_start3A_179 = arith.constant 1 : i32
    %dma_start3A_180 = arith.constant 0 : i32
    %dma_start3A_181 = arith.constant 0 : i32
    %dma_start3A_182 = tpu.memref_slice %arg9[%dma_start3A_179, %dma_start3A_180, %dma_start3A_181] : memref<5x16x1024xf32, #tpu.memory_space<vmem>> -> memref<1x16x1024xf32, #tpu.memory_space<vmem>>
    %dma_start3A_183 = tpu.memref_squeeze %dma_start3A_182 : memref<1x16x1024xf32, #tpu.memory_space<vmem>> -> memref<16x1024xf32, #tpu.memory_space<vmem>>
    %dma_start3A_184 = arith.constant 0 : i32
    %dma_start3A_185 = tpu.memref_slice %arg5[%select_n3A, %add3A_178, %dma_start3A_184] : memref<4x2048x1024xf32, #tpu.memory_space<hbm>> -> memref<1x16x1024xf32, #tpu.memory_space<hbm>>
    %dma_start3A_186 = tpu.memref_squeeze %dma_start3A_185 : memref<1x16x1024xf32, #tpu.memory_space<hbm>> -> memref<16x1024xf32, #tpu.memory_space<hbm>>
    %dma_start3A_187 = arith.constant 0 : i32
    %dma_start3A_188 = tpu.memref_slice %arg5[%select_n3A, %add3A_178, %dma_start3A_187] : memref<4x2048x1024xf32, #tpu.memory_space<hbm>> -> memref<1x16x1024xf32, #tpu.memory_space<hbm>>
    %dma_start3A_189 = tpu.memref_squeeze %dma_start3A_188 : memref<1x16x1024xf32, #tpu.memory_space<hbm>> -> memref<16x1024xf32, #tpu.memory_space<hbm>>
    %dma_start3A_190 = arith.constant 0 : i32
    %dma_start3A_191 = arith.constant 0 : i32
    %dma_start3A_192 = tpu.memref_slice %arg9[%dma_start3A_179, %dma_start3A_190, %dma_start3A_191] : memref<5x16x1024xf32, #tpu.memory_space<vmem>> -> memref<1x16x1024xf32, #tpu.memory_space<vmem>>
    %dma_start3A_193 = tpu.memref_squeeze %dma_start3A_192 : memref<1x16x1024xf32, #tpu.memory_space<vmem>> -> memref<16x1024xf32, #tpu.memory_space<vmem>>
    tpu.enqueue_dma source(%dma_start3A_193 : memref<16x1024xf32, #tpu.memory_space<vmem>>) target(%dma_start3A_189 : memref<16x1024xf32, #tpu.memory_space<hbm>>) target_semaphore(%arg16 : memref<!tpu.dma_semaphore, #tpu.memory_space<semaphore_mem>>)
    %add3A_194 = arith.constant 0 : i32
    %add3A_195 = arith.addi %mul3A_32, %add3A_194 : i32
    %dma_wait3A_196 = arith.constant 0 : i32
    %dma_wait3A_197 = arith.constant 0 : i32
    %dma_wait3A_198 = arith.constant 0 : i32
    %dma_wait3A_199 = tpu.memref_slice %arg9[%dma_wait3A_196, %dma_wait3A_197, %dma_wait3A_198] : memref<5x16x1024xf32, #tpu.memory_space<vmem>> -> memref<1x16x1024xf32, #tpu.memory_space<vmem>>
    %dma_wait3A_200 = tpu.memref_squeeze %dma_wait3A_199 : memref<1x16x1024xf32, #tpu.memory_space<vmem>> -> memref<16x1024xf32, #tpu.memory_space<vmem>>
    %dma_wait3A_201 = arith.constant 0 : i32
    %dma_wait3A_202 = tpu.memref_slice %arg5[%select_n3A, %add3A_195, %dma_wait3A_201] : memref<4x2048x1024xf32, #tpu.memory_space<hbm>> -> memref<1x16x1024xf32, #tpu.memory_space<hbm>>
    %dma_wait3A_203 = tpu.memref_squeeze %dma_wait3A_202 : memref<1x16x1024xf32, #tpu.memory_space<hbm>> -> memref<16x1024xf32, #tpu.memory_space<hbm>>
    %dma_wait3A_204 = arith.constant 0 : i32
    %dma_wait3A_205 = tpu.memref_slice %arg5[%select_n3A, %add3A_195, %dma_wait3A_204] : memref<4x2048x1024xf32, #tpu.memory_space<hbm>> -> memref<1x16x1024xf32, #tpu.memory_space<hbm>>
    %dma_wait3A_206 = tpu.memref_squeeze %dma_wait3A_205 : memref<1x16x1024xf32, #tpu.memory_space<hbm>> -> memref<16x1024xf32, #tpu.memory_space<hbm>>
    %dma_wait3A_207 = arith.constant 0 : i32
    %dma_wait3A_208 = arith.constant 0 : i32
    %dma_wait3A_209 = tpu.memref_slice %arg9[%dma_wait3A_196, %dma_wait3A_207, %dma_wait3A_208] : memref<5x16x1024xf32, #tpu.memory_space<vmem>> -> memref<1x16x1024xf32, #tpu.memory_space<vmem>>
    %dma_wait3A_210 = tpu.memref_squeeze %dma_wait3A_209 : memref<1x16x1024xf32, #tpu.memory_space<vmem>> -> memref<16x1024xf32, #tpu.memory_space<vmem>>
    tpu.wait_dma2 semaphore(%arg15 : memref<!tpu.dma_semaphore, #tpu.memory_space<semaphore_mem>>) src(%dma_wait3A_210 : memref<16x1024xf32, #tpu.memory_space<vmem>>) dst(%dma_wait3A_206 : memref<16x1024xf32, #tpu.memory_space<hbm>>)
    %dma_start3A_211 = arith.constant 0 : i32
    %dma_start3A_212 = arith.constant 0 : i32
    %dma_start3A_213 = arith.constant 0 : i32
    %dma_start3A_214 = tpu.memref_slice %arg9[%dma_start3A_211, %dma_start3A_212, %dma_start3A_213] : memref<5x16x1024xf32, #tpu.memory_space<vmem>> -> memref<1x16x1024xf32, #tpu.memory_space<vmem>>
    %dma_start3A_215 = tpu.memref_squeeze %dma_start3A_214 : memref<1x16x1024xf32, #tpu.memory_space<vmem>> -> memref<16x1024xf32, #tpu.memory_space<vmem>>
    %dma_start3A_216 = arith.constant 80 : i32
    %dma_start3A_217 = tpu.memref_slice %arg6[%dma_start3A_216] : memref<256xi32, #tpu.memory_space<vmem>> -> memref<16xi32, #tpu.memory_space<vmem>>
    %dma_start3A_218 = arith.constant 0 : i32
    %dma_start3A_219 = arith.constant 0 : i32
    %dma_start3A_220 = tpu.memref_slice %arg4[%dma_start3A_218, %dma_start3A_219] : memref<151936x1024xf32, #tpu.memory_space<hbm>> -> memref<151936x1024xf32, #tpu.memory_space<hbm>>
    tpu.enqueue_indirect_dma source(%dma_start3A_220 : memref<151936x1024xf32, #tpu.memory_space<hbm>>) target(%dma_start3A_215 : memref<16x1024xf32, #tpu.memory_space<vmem>>) offsets(%dma_start3A_217 : memref<16xi32, #tpu.memory_space<vmem>>) semaphore(%arg10 : memref<!tpu.dma_semaphore, #tpu.memory_space<semaphore_mem>>)
    %dma_wait3A_221 = arith.constant 2 : i32
    %dma_wait3A_222 = arith.constant 0 : i32
    %dma_wait3A_223 = arith.constant 0 : i32
    %dma_wait3A_224 = tpu.memref_slice %arg9[%dma_wait3A_221, %dma_wait3A_222, %dma_wait3A_223] : memref<5x16x1024xf32, #tpu.memory_space<vmem>> -> memref<1x16x1024xf32, #tpu.memory_space<vmem>>
    %dma_wait3A_225 = tpu.memref_squeeze %dma_wait3A_224 : memref<1x16x1024xf32, #tpu.memory_space<vmem>> -> memref<16x1024xf32, #tpu.memory_space<vmem>>
    %dma_wait3A_226 = arith.constant 32 : i32
    %dma_wait3A_227 = tpu.memref_slice %arg6[%dma_wait3A_226] : memref<256xi32, #tpu.memory_space<vmem>> -> memref<16xi32, #tpu.memory_space<vmem>>
    %dma_wait3A_228 = arith.constant 0 : i32
    %dma_wait3A_229 = arith.constant 0 : i32
    %dma_wait3A_230 = tpu.memref_slice %arg4[%dma_wait3A_228, %dma_wait3A_229] : memref<151936x1024xf32, #tpu.memory_space<hbm>> -> memref<151936x1024xf32, #tpu.memory_space<hbm>>
    tpu.wait_indirect_dma semaphore(%arg12 : memref<!tpu.dma_semaphore, #tpu.memory_space<semaphore_mem>>) src(%dma_wait3A_230 : memref<151936x1024xf32, #tpu.memory_space<hbm>>) dst(%dma_wait3A_225 : memref<16x1024xf32, #tpu.memory_space<vmem>>)
    %convert_element_type3A_231 = arith.extui %ne3A_133 : i1 to i32
    %cond3A_232 = arith.constant 0 : i32
    %cond3A_233 = arith.cmpi ne, %convert_element_type3A_231, %cond3A_232 : i32
    scf.if %cond3A_233 {
      %scan3A_996 = arith.constant 0 : i32
      %scan3A_997 = arith.constant 0 : i32
      %scan3A_998 = arith.constant 16 : i32
      %scan3A_999 = arith.addi %scan3A_997, %scan3A_998 : i32
      %scan3A_1000 = arith.constant 1 : i32
      %scan3A_1001 = scf.for %scan3A_1003 = %scan3A_997 to %scan3A_999 step %scan3A_1000 iter_args(%scan3A_1004 = %scan3A_996) -> (i32)  : i32 {
        %add3A_1005 = arith.constant 32 : i32
        %add3A_1006 = arith.addi %add3A_1005, %scan3A_1003 : i32
        %get3A = arith.index_cast %add3A_1006 : i32 to index
        %get3A_1007 = arith.constant 0 : index
        %get3A_1008 = tpu.vector_load %arg8[%get3A, %get3A_1007] {strides = array<i32>} : memref<256x16xf32, #tpu.memory_space<vmem>>, vector<1x16xf32>,
        %get3A_1009 = vector.shape_cast %get3A_1008 : vector<1x16xf32> to vector<16xf32>
        %scan3A_1010 = arith.constant 0 : i32
        %scan3A_1011 = arith.constant 0 : i32
        %scan3A_1012 = arith.constant 64 : i32
        %scan3A_1013 = arith.addi %scan3A_1011, %scan3A_1012 : i32
        %scan3A_1014 = arith.constant 1 : i32
        %scan3A_1015 = scf.for %scan3A_1018 = %scan3A_1011 to %scan3A_1013 step %scan3A_1014 iter_args(%scan3A_1019 = %scan3A_1010) -> (i32)  : i32 {
          %mul3A_1020 = arith.constant 16 : i32
          %mul3A_1021 = arith.muli %scan3A_1018, %mul3A_1020 : i32
          %get3A_1022 = arith.constant 2 : i32
          %get3A_1023 = arith.index_cast %get3A_1022 : i32 to index
          %get3A_1024 = arith.index_cast %scan3A_1003 : i32 to index
          %get3A_1025 = arith.index_cast %mul3A_1021 : i32 to index
          %get3A_1026 = tpu.vector_load %arg9[%get3A_1023, %get3A_1024, %get3A_1025] {strides = array<i32>} : memref<5x16x1024xf32, #tpu.memory_space<vmem>>, vector<1x1x16xf32>,
          %get3A_1027 = vector.shape_cast %get3A_1026 : vector<1x1x16xf32> to vector<16xf32>
          %mul3A_1028 = arith.mulf %get3A_1027, %get3A_1009 : vector<16xf32>
          %swap3A = arith.constant 2 : i32
          %swap3A_1029 = arith.index_cast %swap3A : i32 to index
          %swap3A_1030 = arith.index_cast %scan3A_1003 : i32 to index
          %swap3A_1031 = arith.index_cast %mul3A_1021 : i32 to index
          %swap3A_1032 = tpu.vector_load %arg9[%swap3A_1029, %swap3A_1030, %swap3A_1031] {strides = array<i32>} : memref<5x16x1024xf32, #tpu.memory_space<vmem>>, vector<1x1x16xf32>,
          %swap3A_1033 = vector.shape_cast %swap3A_1032 : vector<1x1x16xf32> to vector<16xf32>
          %swap3A_1034 = vector.shape_cast %mul3A_1028 : vector<16xf32> to vector<1x1x16xf32>
          tpu.vector_store %arg9[%swap3A_1029, %swap3A_1030, %swap3A_1031], %swap3A_1034 {strides = array<i32>} : memref<5x16x1024xf32, #tpu.memory_space<vmem>>, vector<1x1x16xf32>,
          %scan3A_1035 = arith.constant 0 : i32
          scf.yield %scan3A_1035 : i32
        }
        %scan3A_1016 = arith.constant 64 : i32
        %scan3A_1017 = arith.constant 0 : i32
        scf.yield %scan3A_1017 : i32
      }
      %scan3A_1002 = arith.constant 16 : i32
    } else {
    }
    %add3A_234 = arith.constant 32 : i32
    %add3A_235 = arith.addi %mul3A_32, %add3A_234 : i32
    %dma_start3A_236 = arith.constant 2 : i32
    %dma_start3A_237 = arith.constant 0 : i32
    %dma_start3A_238 = arith.constant 0 : i32
    %dma_start3A_239 = tpu.memref_slice %arg9[%dma_start3A_236, %dma_start3A_237, %dma_start3A_238] : memref<5x16x1024xf32, #tpu.memory_space<vmem>> -> memref<1x16x1024xf32, #tpu.memory_space<vmem>>
    %dma_start3A_240 = tpu.memref_squeeze %dma_start3A_239 : memref<1x16x1024xf32, #tpu.memory_space<vmem>> -> memref<16x1024xf32, #tpu.memory_space<vmem>>
    %dma_start3A_241 = arith.constant 0 : i32
    %dma_start3A_242 = tpu.memref_slice %arg5[%select_n3A, %add3A_235, %dma_start3A_241] : memref<4x2048x1024xf32, #tpu.memory_space<hbm>> -> memref<1x16x1024xf32, #tpu.memory_space<hbm>>
    %dma_start3A_243 = tpu.memref_squeeze %dma_start3A_242 : memref<1x16x1024xf32, #tpu.memory_space<hbm>> -> memref<16x1024xf32, #tpu.memory_space<hbm>>
    %dma_start3A_244 = arith.constant 0 : i32
    %dma_start3A_245 = tpu.memref_slice %arg5[%select_n3A, %add3A_235, %dma_start3A_244] : memref<4x2048x1024xf32, #tpu.memory_space<hbm>> -> memref<1x16x1024xf32, #tpu.memory_space<hbm>>
    %dma_start3A_246 = tpu.memref_squeeze %dma_start3A_245 : memref<1x16x1024xf32, #tpu.memory_space<hbm>> -> memref<16x1024xf32, #tpu.memory_space<hbm>>
    %dma_start3A_247 = arith.constant 0 : i32
    %dma_start3A_248 = arith.constant 0 : i32
    %dma_start3A_249 = tpu.memref_slice %arg9[%dma_start3A_236, %dma_start3A_247, %dma_start3A_248] : memref<5x16x1024xf32, #tpu.memory_space<vmem>> -> memref<1x16x1024xf32, #tpu.memory_space<vmem>>
    %dma_start3A_250 = tpu.memref_squeeze %dma_start3A_249 : memref<1x16x1024xf32, #tpu.memory_space<vmem>> -> memref<16x1024xf32, #tpu.memory_space<vmem>>
    tpu.enqueue_dma source(%dma_start3A_250 : memref<16x1024xf32, #tpu.memory_space<vmem>>) target(%dma_start3A_246 : memref<16x1024xf32, #tpu.memory_space<hbm>>) target_semaphore(%arg17 : memref<!tpu.dma_semaphore, #tpu.memory_space<semaphore_mem>>)
    %add3A_251 = arith.constant 16 : i32
    %add3A_252 = arith.addi %mul3A_32, %add3A_251 : i32
    %dma_wait3A_253 = arith.constant 1 : i32
    %dma_wait3A_254 = arith.constant 0 : i32
    %dma_wait3A_255 = arith.constant 0 : i32
    %dma_wait3A_256 = tpu.memref_slice %arg9[%dma_wait3A_253, %dma_wait3A_254, %dma_wait3A_255] : memref<5x16x1024xf32, #tpu.memory_space<vmem>> -> memref<1x16x1024xf32, #tpu.memory_space<vmem>>
    %dma_wait3A_257 = tpu.memref_squeeze %dma_wait3A_256 : memref<1x16x1024xf32, #tpu.memory_space<vmem>> -> memref<16x1024xf32, #tpu.memory_space<vmem>>
    %dma_wait3A_258 = arith.constant 0 : i32
    %dma_wait3A_259 = tpu.memref_slice %arg5[%select_n3A, %add3A_252, %dma_wait3A_258] : memref<4x2048x1024xf32, #tpu.memory_space<hbm>> -> memref<1x16x1024xf32, #tpu.memory_space<hbm>>
    %dma_wait3A_260 = tpu.memref_squeeze %dma_wait3A_259 : memref<1x16x1024xf32, #tpu.memory_space<hbm>> -> memref<16x1024xf32, #tpu.memory_space<hbm>>
    %dma_wait3A_261 = arith.constant 0 : i32
    %dma_wait3A_262 = tpu.memref_slice %arg5[%select_n3A, %add3A_252, %dma_wait3A_261] : memref<4x2048x1024xf32, #tpu.memory_space<hbm>> -> memref<1x16x1024xf32, #tpu.memory_space<hbm>>
    %dma_wait3A_263 = tpu.memref_squeeze %dma_wait3A_262 : memref<1x16x1024xf32, #tpu.memory_space<hbm>> -> memref<16x1024xf32, #tpu.memory_space<hbm>>
    %dma_wait3A_264 = arith.constant 0 : i32
    %dma_wait3A_265 = arith.constant 0 : i32
    %dma_wait3A_266 = tpu.memref_slice %arg9[%dma_wait3A_253, %dma_wait3A_264, %dma_wait3A_265] : memref<5x16x1024xf32, #tpu.memory_space<vmem>> -> memref<1x16x1024xf32, #tpu.memory_space<vmem>>
    %dma_wait3A_267 = tpu.memref_squeeze %dma_wait3A_266 : memref<1x16x1024xf32, #tpu.memory_space<vmem>> -> memref<16x1024xf32, #tpu.memory_space<vmem>>
    tpu.wait_dma2 semaphore(%arg16 : memref<!tpu.dma_semaphore, #tpu.memory_space<semaphore_mem>>) src(%dma_wait3A_267 : memref<16x1024xf32, #tpu.memory_space<vmem>>) dst(%dma_wait3A_263 : memref<16x1024xf32, #tpu.memory_space<hbm>>)
    %dma_start3A_268 = arith.constant 1 : i32
    %dma_start3A_269 = arith.constant 0 : i32
    %dma_start3A_270 = arith.constant 0 : i32
    %dma_start3A_271 = tpu.memref_slice %arg9[%dma_start3A_268, %dma_start3A_269, %dma_start3A_270] : memref<5x16x1024xf32, #tpu.memory_space<vmem>> -> memref<1x16x1024xf32, #tpu.memory_space<vmem>>
    %dma_start3A_272 = tpu.memref_squeeze %dma_start3A_271 : memref<1x16x1024xf32, #tpu.memory_space<vmem>> -> memref<16x1024xf32, #tpu.memory_space<vmem>>
    %dma_start3A_273 = arith.constant 96 : i32
    %dma_start3A_274 = tpu.memref_slice %arg6[%dma_start3A_273] : memref<256xi32, #tpu.memory_space<vmem>> -> memref<16xi32, #tpu.memory_space<vmem>>
    %dma_start3A_275 = arith.constant 0 : i32
    %dma_start3A_276 = arith.constant 0 : i32
    %dma_start3A_277 = tpu.memref_slice %arg4[%dma_start3A_275, %dma_start3A_276] : memref<151936x1024xf32, #tpu.memory_space<hbm>> -> memref<151936x1024xf32, #tpu.memory_space<hbm>>
    tpu.enqueue_indirect_dma source(%dma_start3A_277 : memref<151936x1024xf32, #tpu.memory_space<hbm>>) target(%dma_start3A_272 : memref<16x1024xf32, #tpu.memory_space<vmem>>) offsets(%dma_start3A_274 : memref<16xi32, #tpu.memory_space<vmem>>) semaphore(%arg11 : memref<!tpu.dma_semaphore, #tpu.memory_space<semaphore_mem>>)
    %dma_wait3A_278 = arith.constant 3 : i32
    %dma_wait3A_279 = arith.constant 0 : i32
    %dma_wait3A_280 = arith.constant 0 : i32
    %dma_wait3A_281 = tpu.memref_slice %arg9[%dma_wait3A_278, %dma_wait3A_279, %dma_wait3A_280] : memref<5x16x1024xf32, #tpu.memory_space<vmem>> -> memref<1x16x1024xf32, #tpu.memory_space<vmem>>
    %dma_wait3A_282 = tpu.memref_squeeze %dma_wait3A_281 : memref<1x16x1024xf32, #tpu.memory_space<vmem>> -> memref<16x1024xf32, #tpu.memory_space<vmem>>
    %dma_wait3A_283 = arith.constant 48 : i32
    %dma_wait3A_284 = tpu.memref_slice %arg6[%dma_wait3A_283] : memref<256xi32, #tpu.memory_space<vmem>> -> memref<16xi32, #tpu.memory_space<vmem>>
    %dma_wait3A_285 = arith.constant 0 : i32
    %dma_wait3A_286 = arith.constant 0 : i32
    %dma_wait3A_287 = tpu.memref_slice %arg4[%dma_wait3A_285, %dma_wait3A_286] : memref<151936x1024xf32, #tpu.memory_space<hbm>> -> memref<151936x1024xf32, #tpu.memory_space<hbm>>
    tpu.wait_indirect_dma semaphore(%arg13 : memref<!tpu.dma_semaphore, #tpu.memory_space<semaphore_mem>>) src(%dma_wait3A_287 : memref<151936x1024xf32, #tpu.memory_space<hbm>>) dst(%dma_wait3A_282 : memref<16x1024xf32, #tpu.memory_space<vmem>>)
    %convert_element_type3A_288 = arith.extui %ne3A_133 : i1 to i32
    %cond3A_289 = arith.constant 0 : i32
    %cond3A_290 = arith.cmpi ne, %convert_element_type3A_288, %cond3A_289 : i32
    scf.if %cond3A_290 {
      %scan3A_996 = arith.constant 0 : i32
      %scan3A_997 = arith.constant 0 : i32
      %scan3A_998 = arith.constant 16 : i32
      %scan3A_999 = arith.addi %scan3A_997, %scan3A_998 : i32
      %scan3A_1000 = arith.constant 1 : i32
      %scan3A_1001 = scf.for %scan3A_1003 = %scan3A_997 to %scan3A_999 step %scan3A_1000 iter_args(%scan3A_1004 = %scan3A_996) -> (i32)  : i32 {
        %add3A_1005 = arith.constant 48 : i32
        %add3A_1006 = arith.addi %add3A_1005, %scan3A_1003 : i32
        %get3A = arith.index_cast %add3A_1006 : i32 to index
        %get3A_1007 = arith.constant 0 : index
        %get3A_1008 = tpu.vector_load %arg8[%get3A, %get3A_1007] {strides = array<i32>} : memref<256x16xf32, #tpu.memory_space<vmem>>, vector<1x16xf32>,
        %get3A_1009 = vector.shape_cast %get3A_1008 : vector<1x16xf32> to vector<16xf32>
        %scan3A_1010 = arith.constant 0 : i32
        %scan3A_1011 = arith.constant 0 : i32
        %scan3A_1012 = arith.constant 64 : i32
        %scan3A_1013 = arith.addi %scan3A_1011, %scan3A_1012 : i32
        %scan3A_1014 = arith.constant 1 : i32
        %scan3A_1015 = scf.for %scan3A_1018 = %scan3A_1011 to %scan3A_1013 step %scan3A_1014 iter_args(%scan3A_1019 = %scan3A_1010) -> (i32)  : i32 {
          %mul3A_1020 = arith.constant 16 : i32
          %mul3A_1021 = arith.muli %scan3A_1018, %mul3A_1020 : i32
          %get3A_1022 = arith.constant 3 : i32
          %get3A_1023 = arith.index_cast %get3A_1022 : i32 to index
          %get3A_1024 = arith.index_cast %scan3A_1003 : i32 to index
          %get3A_1025 = arith.index_cast %mul3A_1021 : i32 to index
          %get3A_1026 = tpu.vector_load %arg9[%get3A_1023, %get3A_1024, %get3A_1025] {strides = array<i32>} : memref<5x16x1024xf32, #tpu.memory_space<vmem>>, vector<1x1x16xf32>,
          %get3A_1027 = vector.shape_cast %get3A_1026 : vector<1x1x16xf32> to vector<16xf32>
          %mul3A_1028 = arith.mulf %get3A_1027, %get3A_1009 : vector<16xf32>
          %swap3A = arith.constant 3 : i32
          %swap3A_1029 = arith.index_cast %swap3A : i32 to index
          %swap3A_1030 = arith.index_cast %scan3A_1003 : i32 to index
          %swap3A_1031 = arith.index_cast %mul3A_1021 : i32 to index
          %swap3A_1032 = tpu.vector_load %arg9[%swap3A_1029, %swap3A_1030, %swap3A_1031] {strides = array<i32>} : memref<5x16x1024xf32, #tpu.memory_space<vmem>>, vector<1x1x16xf32>,
          %swap3A_1033 = vector.shape_cast %swap3A_1032 : vector<1x1x16xf32> to vector<16xf32>
          %swap3A_1034 = vector.shape_cast %mul3A_1028 : vector<16xf32> to vector<1x1x16xf32>
          tpu.vector_store %arg9[%swap3A_1029, %swap3A_1030, %swap3A_1031], %swap3A_1034 {strides = array<i32>} : memref<5x16x1024xf32, #tpu.memory_space<vmem>>, vector<1x1x16xf32>,
          %scan3A_1035 = arith.constant 0 : i32
          scf.yield %scan3A_1035 : i32
        }
        %scan3A_1016 = arith.constant 64 : i32
        %scan3A_1017 = arith.constant 0 : i32
        scf.yield %scan3A_1017 : i32
      }
      %scan3A_1002 = arith.constant 16 : i32
    } else {
    }
    %add3A_291 = arith.constant 48 : i32
    %add3A_292 = arith.addi %mul3A_32, %add3A_291 : i32
    %dma_start3A_293 = arith.constant 3 : i32
    %dma_start3A_294 = arith.constant 0 : i32
    %dma_start3A_295 = arith.constant 0 : i32
    %dma_start3A_296 = tpu.memref_slice %arg9[%dma_start3A_293, %dma_start3A_294, %dma_start3A_295] : memref<5x16x1024xf32, #tpu.memory_space<vmem>> -> memref<1x16x1024xf32, #tpu.memory_space<vmem>>
    %dma_start3A_297 = tpu.memref_squeeze %dma_start3A_296 : memref<1x16x1024xf32, #tpu.memory_space<vmem>> -> memref<16x1024xf32, #tpu.memory_space<vmem>>
    %dma_start3A_298 = arith.constant 0 : i32
    %dma_start3A_299 = tpu.memref_slice %arg5[%select_n3A, %add3A_292, %dma_start3A_298] : memref<4x2048x1024xf32, #tpu.memory_space<hbm>> -> memref<1x16x1024xf32, #tpu.memory_space<hbm>>
    %dma_start3A_300 = tpu.memref_squeeze %dma_start3A_299 : memref<1x16x1024xf32, #tpu.memory_space<hbm>> -> memref<16x1024xf32, #tpu.memory_space<hbm>>
    %dma_start3A_301 = arith.constant 0 : i32
    %dma_start3A_302 = tpu.memref_slice %arg5[%select_n3A, %add3A_292, %dma_start3A_301] : memref<4x2048x1024xf32, #tpu.memory_space<hbm>> -> memref<1x16x1024xf32, #tpu.memory_space<hbm>>
    %dma_start3A_303 = tpu.memref_squeeze %dma_start3A_302 : memref<1x16x1024xf32, #tpu.memory_space<hbm>> -> memref<16x1024xf32, #tpu.memory_space<hbm>>
    %dma_start3A_304 = arith.constant 0 : i32
    %dma_start3A_305 = arith.constant 0 : i32
    %dma_start3A_306 = tpu.memref_slice %arg9[%dma_start3A_293, %dma_start3A_304, %dma_start3A_305] : memref<5x16x1024xf32, #tpu.memory_space<vmem>> -> memref<1x16x1024xf32, #tpu.memory_space<vmem>>
    %dma_start3A_307 = tpu.memref_squeeze %dma_start3A_306 : memref<1x16x1024xf32, #tpu.memory_space<vmem>> -> memref<16x1024xf32, #tpu.memory_space<vmem>>
    tpu.enqueue_dma source(%dma_start3A_307 : memref<16x1024xf32, #tpu.memory_space<vmem>>) target(%dma_start3A_303 : memref<16x1024xf32, #tpu.memory_space<hbm>>) target_semaphore(%arg18 : memref<!tpu.dma_semaphore, #tpu.memory_space<semaphore_mem>>)
    %add3A_308 = arith.constant 32 : i32
    %add3A_309 = arith.addi %mul3A_32, %add3A_308 : i32
    %dma_wait3A_310 = arith.constant 2 : i32
    %dma_wait3A_311 = arith.constant 0 : i32
    %dma_wait3A_312 = arith.constant 0 : i32
    %dma_wait3A_313 = tpu.memref_slice %arg9[%dma_wait3A_310, %dma_wait3A_311, %dma_wait3A_312] : memref<5x16x1024xf32, #tpu.memory_space<vmem>> -> memref<1x16x1024xf32, #tpu.memory_space<vmem>>
    %dma_wait3A_314 = tpu.memref_squeeze %dma_wait3A_313 : memref<1x16x1024xf32, #tpu.memory_space<vmem>> -> memref<16x1024xf32, #tpu.memory_space<vmem>>
    %dma_wait3A_315 = arith.constant 0 : i32
    %dma_wait3A_316 = tpu.memref_slice %arg5[%select_n3A, %add3A_309, %dma_wait3A_315] : memref<4x2048x1024xf32, #tpu.memory_space<hbm>> -> memref<1x16x1024xf32, #tpu.memory_space<hbm>>
    %dma_wait3A_317 = tpu.memref_squeeze %dma_wait3A_316 : memref<1x16x1024xf32, #tpu.memory_space<hbm>> -> memref<16x1024xf32, #tpu.memory_space<hbm>>
    %dma_wait3A_318 = arith.constant 0 : i32
    %dma_wait3A_319 = tpu.memref_slice %arg5[%select_n3A, %add3A_309, %dma_wait3A_318] : memref<4x2048x1024xf32, #tpu.memory_space<hbm>> -> memref<1x16x1024xf32, #tpu.memory_space<hbm>>
    %dma_wait3A_320 = tpu.memref_squeeze %dma_wait3A_319 : memref<1x16x1024xf32, #tpu.memory_space<hbm>> -> memref<16x1024xf32, #tpu.memory_space<hbm>>
    %dma_wait3A_321 = arith.constant 0 : i32
    %dma_wait3A_322 = arith.constant 0 : i32
    %dma_wait3A_323 = tpu.memref_slice %arg9[%dma_wait3A_310, %dma_wait3A_321, %dma_wait3A_322] : memref<5x16x1024xf32, #tpu.memory_space<vmem>> -> memref<1x16x1024xf32, #tpu.memory_space<vmem>>
    %dma_wait3A_324 = tpu.memref_squeeze %dma_wait3A_323 : memref<1x16x1024xf32, #tpu.memory_space<vmem>> -> memref<16x1024xf32, #tpu.memory_space<vmem>>
    tpu.wait_dma2 semaphore(%arg17 : memref<!tpu.dma_semaphore, #tpu.memory_space<semaphore_mem>>) src(%dma_wait3A_324 : memref<16x1024xf32, #tpu.memory_space<vmem>>) dst(%dma_wait3A_320 : memref<16x1024xf32, #tpu.memory_space<hbm>>)
    %dma_start3A_325 = arith.constant 2 : i32
    %dma_start3A_326 = arith.constant 0 : i32
    %dma_start3A_327 = arith.constant 0 : i32
    %dma_start3A_328 = tpu.memref_slice %arg9[%dma_start3A_325, %dma_start3A_326, %dma_start3A_327] : memref<5x16x1024xf32, #tpu.memory_space<vmem>> -> memref<1x16x1024xf32, #tpu.memory_space<vmem>>
    %dma_start3A_329 = tpu.memref_squeeze %dma_start3A_328 : memref<1x16x1024xf32, #tpu.memory_space<vmem>> -> memref<16x1024xf32, #tpu.memory_space<vmem>>
    %dma_start3A_330 = arith.constant 112 : i32
    %dma_start3A_331 = tpu.memref_slice %arg6[%dma_start3A_330] : memref<256xi32, #tpu.memory_space<vmem>> -> memref<16xi32, #tpu.memory_space<vmem>>
    %dma_start3A_332 = arith.constant 0 : i32
    %dma_start3A_333 = arith.constant 0 : i32
    %dma_start3A_334 = tpu.memref_slice %arg4[%dma_start3A_332, %dma_start3A_333] : memref<151936x1024xf32, #tpu.memory_space<hbm>> -> memref<151936x1024xf32, #tpu.memory_space<hbm>>
    tpu.enqueue_indirect_dma source(%dma_start3A_334 : memref<151936x1024xf32, #tpu.memory_space<hbm>>) target(%dma_start3A_329 : memref<16x1024xf32, #tpu.memory_space<vmem>>) offsets(%dma_start3A_331 : memref<16xi32, #tpu.memory_space<vmem>>) semaphore(%arg12 : memref<!tpu.dma_semaphore, #tpu.memory_space<semaphore_mem>>)
    %dma_wait3A_335 = arith.constant 4 : i32
    %dma_wait3A_336 = arith.constant 0 : i32
    %dma_wait3A_337 = arith.constant 0 : i32
    %dma_wait3A_338 = tpu.memref_slice %arg9[%dma_wait3A_335, %dma_wait3A_336, %dma_wait3A_337] : memref<5x16x1024xf32, #tpu.memory_space<vmem>> -> memref<1x16x1024xf32, #tpu.memory_space<vmem>>
    %dma_wait3A_339 = tpu.memref_squeeze %dma_wait3A_338 : memref<1x16x1024xf32, #tpu.memory_space<vmem>> -> memref<16x1024xf32, #tpu.memory_space<vmem>>
    %dma_wait3A_340 = arith.constant 64 : i32
    %dma_wait3A_341 = tpu.memref_slice %arg6[%dma_wait3A_340] : memref<256xi32, #tpu.memory_space<vmem>> -> memref<16xi32, #tpu.memory_space<vmem>>
    %dma_wait3A_342 = arith.constant 0 : i32
    %dma_wait3A_343 = arith.constant 0 : i32
    %dma_wait3A_344 = tpu.memref_slice %arg4[%dma_wait3A_342, %dma_wait3A_343] : memref<151936x1024xf32, #tpu.memory_space<hbm>> -> memref<151936x1024xf32, #tpu.memory_space<hbm>>
    tpu.wait_indirect_dma semaphore(%arg14 : memref<!tpu.dma_semaphore, #tpu.memory_space<semaphore_mem>>) src(%dma_wait3A_344 : memref<151936x1024xf32, #tpu.memory_space<hbm>>) dst(%dma_wait3A_339 : memref<16x1024xf32, #tpu.memory_space<vmem>>)
    %convert_element_type3A_345 = arith.extui %ne3A_133 : i1 to i32
    %cond3A_346 = arith.constant 0 : i32
    %cond3A_347 = arith.cmpi ne, %convert_element_type3A_345, %cond3A_346 : i32
    scf.if %cond3A_347 {
      %scan3A_996 = arith.constant 0 : i32
      %scan3A_997 = arith.constant 0 : i32
      %scan3A_998 = arith.constant 16 : i32
      %scan3A_999 = arith.addi %scan3A_997, %scan3A_998 : i32
      %scan3A_1000 = arith.constant 1 : i32
      %scan3A_1001 = scf.for %scan3A_1003 = %scan3A_997 to %scan3A_999 step %scan3A_1000 iter_args(%scan3A_1004 = %scan3A_996) -> (i32)  : i32 {
        %add3A_1005 = arith.constant 64 : i32
        %add3A_1006 = arith.addi %add3A_1005, %scan3A_1003 : i32
        %get3A = arith.index_cast %add3A_1006 : i32 to index
        %get3A_1007 = arith.constant 0 : index
        %get3A_1008 = tpu.vector_load %arg8[%get3A, %get3A_1007] {strides = array<i32>} : memref<256x16xf32, #tpu.memory_space<vmem>>, vector<1x16xf32>,
        %get3A_1009 = vector.shape_cast %get3A_1008 : vector<1x16xf32> to vector<16xf32>
        %scan3A_1010 = arith.constant 0 : i32
        %scan3A_1011 = arith.constant 0 : i32
        %scan3A_1012 = arith.constant 64 : i32
        %scan3A_1013 = arith.addi %scan3A_1011, %scan3A_1012 : i32
        %scan3A_1014 = arith.constant 1 : i32
        %scan3A_1015 = scf.for %scan3A_1018 = %scan3A_1011 to %scan3A_1013 step %scan3A_1014 iter_args(%scan3A_1019 = %scan3A_1010) -> (i32)  : i32 {
          %mul3A_1020 = arith.constant 16 : i32
          %mul3A_1021 = arith.muli %scan3A_1018, %mul3A_1020 : i32
          %get3A_1022 = arith.constant 4 : i32
          %get3A_1023 = arith.index_cast %get3A_1022 : i32 to index
          %get3A_1024 = arith.index_cast %scan3A_1003 : i32 to index
          %get3A_1025 = arith.index_cast %mul3A_1021 : i32 to index
          %get3A_1026 = tpu.vector_load %arg9[%get3A_1023, %get3A_1024, %get3A_1025] {strides = array<i32>} : memref<5x16x1024xf32, #tpu.memory_space<vmem>>, vector<1x1x16xf32>,
          %get3A_1027 = vector.shape_cast %get3A_1026 : vector<1x1x16xf32> to vector<16xf32>
          %mul3A_1028 = arith.mulf %get3A_1027, %get3A_1009 : vector<16xf32>
          %swap3A = arith.constant 4 : i32
          %swap3A_1029 = arith.index_cast %swap3A : i32 to index
          %swap3A_1030 = arith.index_cast %scan3A_1003 : i32 to index
          %swap3A_1031 = arith.index_cast %mul3A_1021 : i32 to index
          %swap3A_1032 = tpu.vector_load %arg9[%swap3A_1029, %swap3A_1030, %swap3A_1031] {strides = array<i32>} : memref<5x16x1024xf32, #tpu.memory_space<vmem>>, vector<1x1x16xf32>,
          %swap3A_1033 = vector.shape_cast %swap3A_1032 : vector<1x1x16xf32> to vector<16xf32>
          %swap3A_1034 = vector.shape_cast %mul3A_1028 : vector<16xf32> to vector<1x1x16xf32>
          tpu.vector_store %arg9[%swap3A_1029, %swap3A_1030, %swap3A_1031], %swap3A_1034 {strides = array<i32>} : memref<5x16x1024xf32, #tpu.memory_space<vmem>>, vector<1x1x16xf32>,
          %scan3A_1035 = arith.constant 0 : i32
          scf.yield %scan3A_1035 : i32
        }
        %scan3A_1016 = arith.constant 64 : i32
        %scan3A_1017 = arith.constant 0 : i32
        scf.yield %scan3A_1017 : i32
      }
      %scan3A_1002 = arith.constant 16 : i32
    } else {
    }
    %add3A_348 = arith.constant 64 : i32
    %add3A_349 = arith.addi %mul3A_32, %add3A_348 : i32
    %dma_start3A_350 = arith.constant 4 : i32
    %dma_start3A_351 = arith.constant 0 : i32
    %dma_start3A_352 = arith.constant 0 : i32
    %dma_start3A_353 = tpu.memref_slice %arg9[%dma_start3A_350, %dma_start3A_351, %dma_start3A_352] : memref<5x16x1024xf32, #tpu.memory_space<vmem>> -> memref<1x16x1024xf32, #tpu.memory_space<vmem>>
    %dma_start3A_354 = tpu.memref_squeeze %dma_start3A_353 : memref<1x16x1024xf32, #tpu.memory_space<vmem>> -> memref<16x1024xf32, #tpu.memory_space<vmem>>
    %dma_start3A_355 = arith.constant 0 : i32
    %dma_start3A_356 = tpu.memref_slice %arg5[%select_n3A, %add3A_349, %dma_start3A_355] : memref<4x2048x1024xf32, #tpu.memory_space<hbm>> -> memref<1x16x1024xf32, #tpu.memory_space<hbm>>
    %dma_start3A_357 = tpu.memref_squeeze %dma_start3A_356 : memref<1x16x1024xf32, #tpu.memory_space<hbm>> -> memref<16x1024xf32, #tpu.memory_space<hbm>>
    %dma_start3A_358 = arith.constant 0 : i32
    %dma_start3A_359 = tpu.memref_slice %arg5[%select_n3A, %add3A_349, %dma_start3A_358] : memref<4x2048x1024xf32, #tpu.memory_space<hbm>> -> memref<1x16x1024xf32, #tpu.memory_space<hbm>>
    %dma_start3A_360 = tpu.memref_squeeze %dma_start3A_359 : memref<1x16x1024xf32, #tpu.memory_space<hbm>> -> memref<16x1024xf32, #tpu.memory_space<hbm>>
    %dma_start3A_361 = arith.constant 0 : i32
    %dma_start3A_362 = arith.constant 0 : i32
    %dma_start3A_363 = tpu.memref_slice %arg9[%dma_start3A_350, %dma_start3A_361, %dma_start3A_362] : memref<5x16x1024xf32, #tpu.memory_space<vmem>> -> memref<1x16x1024xf32, #tpu.memory_space<vmem>>
    %dma_start3A_364 = tpu.memref_squeeze %dma_start3A_363 : memref<1x16x1024xf32, #tpu.memory_space<vmem>> -> memref<16x1024xf32, #tpu.memory_space<vmem>>
    tpu.enqueue_dma source(%dma_start3A_364 : memref<16x1024xf32, #tpu.memory_space<vmem>>) target(%dma_start3A_360 : memref<16x1024xf32, #tpu.memory_space<hbm>>) target_semaphore(%arg19 : memref<!tpu.dma_semaphore, #tpu.memory_space<semaphore_mem>>)
    %add3A_365 = arith.constant 48 : i32
    %add3A_366 = arith.addi %mul3A_32, %add3A_365 : i32
    %dma_wait3A_367 = arith.constant 3 : i32
    %dma_wait3A_368 = arith.constant 0 : i32
    %dma_wait3A_369 = arith.constant 0 : i32
    %dma_wait3A_370 = tpu.memref_slice %arg9[%dma_wait3A_367, %dma_wait3A_368, %dma_wait3A_369] : memref<5x16x1024xf32, #tpu.memory_space<vmem>> -> memref<1x16x1024xf32, #tpu.memory_space<vmem>>
    %dma_wait3A_371 = tpu.memref_squeeze %dma_wait3A_370 : memref<1x16x1024xf32, #tpu.memory_space<vmem>> -> memref<16x1024xf32, #tpu.memory_space<vmem>>
    %dma_wait3A_372 = arith.constant 0 : i32
    %dma_wait3A_373 = tpu.memref_slice %arg5[%select_n3A, %add3A_366, %dma_wait3A_372] : memref<4x2048x1024xf32, #tpu.memory_space<hbm>> -> memref<1x16x1024xf32, #tpu.memory_space<hbm>>
    %dma_wait3A_374 = tpu.memref_squeeze %dma_wait3A_373 : memref<1x16x1024xf32, #tpu.memory_space<hbm>> -> memref<16x1024xf32, #tpu.memory_space<hbm>>
    %dma_wait3A_375 = arith.constant 0 : i32
    %dma_wait3A_376 = tpu.memref_slice %arg5[%select_n3A, %add3A_366, %dma_wait3A_375] : memref<4x2048x1024xf32, #tpu.memory_space<hbm>> -> memref<1x16x1024xf32, #tpu.memory_space<hbm>>
    %dma_wait3A_377 = tpu.memref_squeeze %dma_wait3A_376 : memref<1x16x1024xf32, #tpu.memory_space<hbm>> -> memref<16x1024xf32, #tpu.memory_space<hbm>>
    %dma_wait3A_378 = arith.constant 0 : i32
    %dma_wait3A_379 = arith.constant 0 : i32
    %dma_wait3A_380 = tpu.memref_slice %arg9[%dma_wait3A_367, %dma_wait3A_378, %dma_wait3A_379] : memref<5x16x1024xf32, #tpu.memory_space<vmem>> -> memref<1x16x1024xf32, #tpu.memory_space<vmem>>
    %dma_wait3A_381 = tpu.memref_squeeze %dma_wait3A_380 : memref<1x16x1024xf32, #tpu.memory_space<vmem>> -> memref<16x1024xf32, #tpu.memory_space<vmem>>
    tpu.wait_dma2 semaphore(%arg18 : memref<!tpu.dma_semaphore, #tpu.memory_space<semaphore_mem>>) src(%dma_wait3A_381 : memref<16x1024xf32, #tpu.memory_space<vmem>>) dst(%dma_wait3A_377 : memref<16x1024xf32, #tpu.memory_space<hbm>>)
    %dma_start3A_382 = arith.constant 3 : i32
    %dma_start3A_383 = arith.constant 0 : i32
    %dma_start3A_384 = arith.constant 0 : i32
    %dma_start3A_385 = tpu.memref_slice %arg9[%dma_start3A_382, %dma_start3A_383, %dma_start3A_384] : memref<5x16x1024xf32, #tpu.memory_space<vmem>> -> memref<1x16x1024xf32, #tpu.memory_space<vmem>>
    %dma_start3A_386 = tpu.memref_squeeze %dma_start3A_385 : memref<1x16x1024xf32, #tpu.memory_space<vmem>> -> memref<16x1024xf32, #tpu.memory_space<vmem>>
    %dma_start3A_387 = arith.constant 128 : i32
    %dma_start3A_388 = tpu.memref_slice %arg6[%dma_start3A_387] : memref<256xi32, #tpu.memory_space<vmem>> -> memref<16xi32, #tpu.memory_space<vmem>>
    %dma_start3A_389 = arith.constant 0 : i32
    %dma_start3A_390 = arith.constant 0 : i32
    %dma_start3A_391 = tpu.memref_slice %arg4[%dma_start3A_389, %dma_start3A_390] : memref<151936x1024xf32, #tpu.memory_space<hbm>> -> memref<151936x1024xf32, #tpu.memory_space<hbm>>
    tpu.enqueue_indirect_dma source(%dma_start3A_391 : memref<151936x1024xf32, #tpu.memory_space<hbm>>) target(%dma_start3A_386 : memref<16x1024xf32, #tpu.memory_space<vmem>>) offsets(%dma_start3A_388 : memref<16xi32, #tpu.memory_space<vmem>>) semaphore(%arg13 : memref<!tpu.dma_semaphore, #tpu.memory_space<semaphore_mem>>)
    %dma_wait3A_392 = arith.constant 0 : i32
    %dma_wait3A_393 = arith.constant 0 : i32
    %dma_wait3A_394 = arith.constant 0 : i32
    %dma_wait3A_395 = tpu.memref_slice %arg9[%dma_wait3A_392, %dma_wait3A_393, %dma_wait3A_394] : memref<5x16x1024xf32, #tpu.memory_space<vmem>> -> memref<1x16x1024xf32, #tpu.memory_space<vmem>>
    %dma_wait3A_396 = tpu.memref_squeeze %dma_wait3A_395 : memref<1x16x1024xf32, #tpu.memory_space<vmem>> -> memref<16x1024xf32, #tpu.memory_space<vmem>>
    %dma_wait3A_397 = arith.constant 80 : i32
    %dma_wait3A_398 = tpu.memref_slice %arg6[%dma_wait3A_397] : memref<256xi32, #tpu.memory_space<vmem>> -> memref<16xi32, #tpu.memory_space<vmem>>
    %dma_wait3A_399 = arith.constant 0 : i32
    %dma_wait3A_400 = arith.constant 0 : i32
    %dma_wait3A_401 = tpu.memref_slice %arg4[%dma_wait3A_399, %dma_wait3A_400] : memref<151936x1024xf32, #tpu.memory_space<hbm>> -> memref<151936x1024xf32, #tpu.memory_space<hbm>>
    tpu.wait_indirect_dma semaphore(%arg10 : memref<!tpu.dma_semaphore, #tpu.memory_space<semaphore_mem>>) src(%dma_wait3A_401 : memref<151936x1024xf32, #tpu.memory_space<hbm>>) dst(%dma_wait3A_396 : memref<16x1024xf32, #tpu.memory_space<vmem>>)
    %convert_element_type3A_402 = arith.extui %ne3A_133 : i1 to i32
    %cond3A_403 = arith.constant 0 : i32
    %cond3A_404 = arith.cmpi ne, %convert_element_type3A_402, %cond3A_403 : i32
    scf.if %cond3A_404 {
      %scan3A_996 = arith.constant 0 : i32
      %scan3A_997 = arith.constant 0 : i32
      %scan3A_998 = arith.constant 16 : i32
      %scan3A_999 = arith.addi %scan3A_997, %scan3A_998 : i32
      %scan3A_1000 = arith.constant 1 : i32
      %scan3A_1001 = scf.for %scan3A_1003 = %scan3A_997 to %scan3A_999 step %scan3A_1000 iter_args(%scan3A_1004 = %scan3A_996) -> (i32)  : i32 {
        %add3A_1005 = arith.constant 80 : i32
        %add3A_1006 = arith.addi %add3A_1005, %scan3A_1003 : i32
        %get3A = arith.index_cast %add3A_1006 : i32 to index
        %get3A_1007 = arith.constant 0 : index
        %get3A_1008 = tpu.vector_load %arg8[%get3A, %get3A_1007] {strides = array<i32>} : memref<256x16xf32, #tpu.memory_space<vmem>>, vector<1x16xf32>,
        %get3A_1009 = vector.shape_cast %get3A_1008 : vector<1x16xf32> to vector<16xf32>
        %scan3A_1010 = arith.constant 0 : i32
        %scan3A_1011 = arith.constant 0 : i32
        %scan3A_1012 = arith.constant 64 : i32
        %scan3A_1013 = arith.addi %scan3A_1011, %scan3A_1012 : i32
        %scan3A_1014 = arith.constant 1 : i32
        %scan3A_1015 = scf.for %scan3A_1018 = %scan3A_1011 to %scan3A_1013 step %scan3A_1014 iter_args(%scan3A_1019 = %scan3A_1010) -> (i32)  : i32 {
          %mul3A_1020 = arith.constant 16 : i32
          %mul3A_1021 = arith.muli %scan3A_1018, %mul3A_1020 : i32
          %get3A_1022 = arith.constant 0 : i32
          %get3A_1023 = arith.index_cast %get3A_1022 : i32 to index
          %get3A_1024 = arith.index_cast %scan3A_1003 : i32 to index
          %get3A_1025 = arith.index_cast %mul3A_1021 : i32 to index
          %get3A_1026 = tpu.vector_load %arg9[%get3A_1023, %get3A_1024, %get3A_1025] {strides = array<i32>} : memref<5x16x1024xf32, #tpu.memory_space<vmem>>, vector<1x1x16xf32>,
          %get3A_1027 = vector.shape_cast %get3A_1026 : vector<1x1x16xf32> to vector<16xf32>
          %mul3A_1028 = arith.mulf %get3A_1027, %get3A_1009 : vector<16xf32>
          %swap3A = arith.constant 0 : i32
          %swap3A_1029 = arith.index_cast %swap3A : i32 to index
          %swap3A_1030 = arith.index_cast %scan3A_1003 : i32 to index
          %swap3A_1031 = arith.index_cast %mul3A_1021 : i32 to index
          %swap3A_1032 = tpu.vector_load %arg9[%swap3A_1029, %swap3A_1030, %swap3A_1031] {strides = array<i32>} : memref<5x16x1024xf32, #tpu.memory_space<vmem>>, vector<1x1x16xf32>,
          %swap3A_1033 = vector.shape_cast %swap3A_1032 : vector<1x1x16xf32> to vector<16xf32>
          %swap3A_1034 = vector.shape_cast %mul3A_1028 : vector<16xf32> to vector<1x1x16xf32>
          tpu.vector_store %arg9[%swap3A_1029, %swap3A_1030, %swap3A_1031], %swap3A_1034 {strides = array<i32>} : memref<5x16x1024xf32, #tpu.memory_space<vmem>>, vector<1x1x16xf32>,
          %scan3A_1035 = arith.constant 0 : i32
          scf.yield %scan3A_1035 : i32
        }
        %scan3A_1016 = arith.constant 64 : i32
        %scan3A_1017 = arith.constant 0 : i32
        scf.yield %scan3A_1017 : i32
      }
      %scan3A_1002 = arith.constant 16 : i32
    } else {
    }
    %add3A_405 = arith.constant 80 : i32
    %add3A_406 = arith.addi %mul3A_32, %add3A_405 : i32
    %dma_start3A_407 = arith.constant 0 : i32
    %dma_start3A_408 = arith.constant 0 : i32
    %dma_start3A_409 = arith.constant 0 : i32
    %dma_start3A_410 = tpu.memref_slice %arg9[%dma_start3A_407, %dma_start3A_408, %dma_start3A_409] : memref<5x16x1024xf32, #tpu.memory_space<vmem>> -> memref<1x16x1024xf32, #tpu.memory_space<vmem>>
    %dma_start3A_411 = tpu.memref_squeeze %dma_start3A_410 : memref<1x16x1024xf32, #tpu.memory_space<vmem>> -> memref<16x1024xf32, #tpu.memory_space<vmem>>
    %dma_start3A_412 = arith.constant 0 : i32
    %dma_start3A_413 = tpu.memref_slice %arg5[%select_n3A, %add3A_406, %dma_start3A_412] : memref<4x2048x1024xf32, #tpu.memory_space<hbm>> -> memref<1x16x1024xf32, #tpu.memory_space<hbm>>
    %dma_start3A_414 = tpu.memref_squeeze %dma_start3A_413 : memref<1x16x1024xf32, #tpu.memory_space<hbm>> -> memref<16x1024xf32, #tpu.memory_space<hbm>>
    %dma_start3A_415 = arith.constant 0 : i32
    %dma_start3A_416 = tpu.memref_slice %arg5[%select_n3A, %add3A_406, %dma_start3A_415] : memref<4x2048x1024xf32, #tpu.memory_space<hbm>> -> memref<1x16x1024xf32, #tpu.memory_space<hbm>>
    %dma_start3A_417 = tpu.memref_squeeze %dma_start3A_416 : memref<1x16x1024xf32, #tpu.memory_space<hbm>> -> memref<16x1024xf32, #tpu.memory_space<hbm>>
    %dma_start3A_418 = arith.constant 0 : i32
    %dma_start3A_419 = arith.constant 0 : i32
    %dma_start3A_420 = tpu.memref_slice %arg9[%dma_start3A_407, %dma_start3A_418, %dma_start3A_419] : memref<5x16x1024xf32, #tpu.memory_space<vmem>> -> memref<1x16x1024xf32, #tpu.memory_space<vmem>>
    %dma_start3A_421 = tpu.memref_squeeze %dma_start3A_420 : memref<1x16x1024xf32, #tpu.memory_space<vmem>> -> memref<16x1024xf32, #tpu.memory_space<vmem>>
    tpu.enqueue_dma source(%dma_start3A_421 : memref<16x1024xf32, #tpu.memory_space<vmem>>) target(%dma_start3A_417 : memref<16x1024xf32, #tpu.memory_space<hbm>>) target_semaphore(%arg15 : memref<!tpu.dma_semaphore, #tpu.memory_space<semaphore_mem>>)
    %add3A_422 = arith.constant 64 : i32
    %add3A_423 = arith.addi %mul3A_32, %add3A_422 : i32
    %dma_wait3A_424 = arith.constant 4 : i32
    %dma_wait3A_425 = arith.constant 0 : i32
    %dma_wait3A_426 = arith.constant 0 : i32
    %dma_wait3A_427 = tpu.memref_slice %arg9[%dma_wait3A_424, %dma_wait3A_425, %dma_wait3A_426] : memref<5x16x1024xf32, #tpu.memory_space<vmem>> -> memref<1x16x1024xf32, #tpu.memory_space<vmem>>
    %dma_wait3A_428 = tpu.memref_squeeze %dma_wait3A_427 : memref<1x16x1024xf32, #tpu.memory_space<vmem>> -> memref<16x1024xf32, #tpu.memory_space<vmem>>
    %dma_wait3A_429 = arith.constant 0 : i32
    %dma_wait3A_430 = tpu.memref_slice %arg5[%select_n3A, %add3A_423, %dma_wait3A_429] : memref<4x2048x1024xf32, #tpu.memory_space<hbm>> -> memref<1x16x1024xf32, #tpu.memory_space<hbm>>
    %dma_wait3A_431 = tpu.memref_squeeze %dma_wait3A_430 : memref<1x16x1024xf32, #tpu.memory_space<hbm>> -> memref<16x1024xf32, #tpu.memory_space<hbm>>
    %dma_wait3A_432 = arith.constant 0 : i32
    %dma_wait3A_433 = tpu.memref_slice %arg5[%select_n3A, %add3A_423, %dma_wait3A_432] : memref<4x2048x1024xf32, #tpu.memory_space<hbm>> -> memref<1x16x1024xf32, #tpu.memory_space<hbm>>
    %dma_wait3A_434 = tpu.memref_squeeze %dma_wait3A_433 : memref<1x16x1024xf32, #tpu.memory_space<hbm>> -> memref<16x1024xf32, #tpu.memory_space<hbm>>
    %dma_wait3A_435 = arith.constant 0 : i32
    %dma_wait3A_436 = arith.constant 0 : i32
    %dma_wait3A_437 = tpu.memref_slice %arg9[%dma_wait3A_424, %dma_wait3A_435, %dma_wait3A_436] : memref<5x16x1024xf32, #tpu.memory_space<vmem>> -> memref<1x16x1024xf32, #tpu.memory_space<vmem>>
    %dma_wait3A_438 = tpu.memref_squeeze %dma_wait3A_437 : memref<1x16x1024xf32, #tpu.memory_space<vmem>> -> memref<16x1024xf32, #tpu.memory_space<vmem>>
    tpu.wait_dma2 semaphore(%arg19 : memref<!tpu.dma_semaphore, #tpu.memory_space<semaphore_mem>>) src(%dma_wait3A_438 : memref<16x1024xf32, #tpu.memory_space<vmem>>) dst(%dma_wait3A_434 : memref<16x1024xf32, #tpu.memory_space<hbm>>)
    %dma_start3A_439 = arith.constant 4 : i32
    %dma_start3A_440 = arith.constant 0 : i32
    %dma_start3A_441 = arith.constant 0 : i32
    %dma_start3A_442 = tpu.memref_slice %arg9[%dma_start3A_439, %dma_start3A_440, %dma_start3A_441] : memref<5x16x1024xf32, #tpu.memory_space<vmem>> -> memref<1x16x1024xf32, #tpu.memory_space<vmem>>
    %dma_start3A_443 = tpu.memref_squeeze %dma_start3A_442 : memref<1x16x1024xf32, #tpu.memory_space<vmem>> -> memref<16x1024xf32, #tpu.memory_space<vmem>>
    %dma_start3A_444 = arith.constant 144 : i32
    %dma_start3A_445 = tpu.memref_slice %arg6[%dma_start3A_444] : memref<256xi32, #tpu.memory_space<vmem>> -> memref<16xi32, #tpu.memory_space<vmem>>
    %dma_start3A_446 = arith.constant 0 : i32
    %dma_start3A_447 = arith.constant 0 : i32
    %dma_start3A_448 = tpu.memref_slice %arg4[%dma_start3A_446, %dma_start3A_447] : memref<151936x1024xf32, #tpu.memory_space<hbm>> -> memref<151936x1024xf32, #tpu.memory_space<hbm>>
    tpu.enqueue_indirect_dma source(%dma_start3A_448 : memref<151936x1024xf32, #tpu.memory_space<hbm>>) target(%dma_start3A_443 : memref<16x1024xf32, #tpu.memory_space<vmem>>) offsets(%dma_start3A_445 : memref<16xi32, #tpu.memory_space<vmem>>) semaphore(%arg14 : memref<!tpu.dma_semaphore, #tpu.memory_space<semaphore_mem>>)
    %dma_wait3A_449 = arith.constant 1 : i32
    %dma_wait3A_450 = arith.constant 0 : i32
    %dma_wait3A_451 = arith.constant 0 : i32
    %dma_wait3A_452 = tpu.memref_slice %arg9[%dma_wait3A_449, %dma_wait3A_450, %dma_wait3A_451] : memref<5x16x1024xf32, #tpu.memory_space<vmem>> -> memref<1x16x1024xf32, #tpu.memory_space<vmem>>
    %dma_wait3A_453 = tpu.memref_squeeze %dma_wait3A_452 : memref<1x16x1024xf32, #tpu.memory_space<vmem>> -> memref<16x1024xf32, #tpu.memory_space<vmem>>
    %dma_wait3A_454 = arith.constant 96 : i32
    %dma_wait3A_455 = tpu.memref_slice %arg6[%dma_wait3A_454] : memref<256xi32, #tpu.memory_space<vmem>> -> memref<16xi32, #tpu.memory_space<vmem>>
    %dma_wait3A_456 = arith.constant 0 : i32
    %dma_wait3A_457 = arith.constant 0 : i32
    %dma_wait3A_458 = tpu.memref_slice %arg4[%dma_wait3A_456, %dma_wait3A_457] : memref<151936x1024xf32, #tpu.memory_space<hbm>> -> memref<151936x1024xf32, #tpu.memory_space<hbm>>
    tpu.wait_indirect_dma semaphore(%arg11 : memref<!tpu.dma_semaphore, #tpu.memory_space<semaphore_mem>>) src(%dma_wait3A_458 : memref<151936x1024xf32, #tpu.memory_space<hbm>>) dst(%dma_wait3A_453 : memref<16x1024xf32, #tpu.memory_space<vmem>>)
    %convert_element_type3A_459 = arith.extui %ne3A_133 : i1 to i32
    %cond3A_460 = arith.constant 0 : i32
    %cond3A_461 = arith.cmpi ne, %convert_element_type3A_459, %cond3A_460 : i32
    scf.if %cond3A_461 {
      %scan3A_996 = arith.constant 0 : i32
      %scan3A_997 = arith.constant 0 : i32
      %scan3A_998 = arith.constant 16 : i32
      %scan3A_999 = arith.addi %scan3A_997, %scan3A_998 : i32
      %scan3A_1000 = arith.constant 1 : i32
      %scan3A_1001 = scf.for %scan3A_1003 = %scan3A_997 to %scan3A_999 step %scan3A_1000 iter_args(%scan3A_1004 = %scan3A_996) -> (i32)  : i32 {
        %add3A_1005 = arith.constant 96 : i32
        %add3A_1006 = arith.addi %add3A_1005, %scan3A_1003 : i32
        %get3A = arith.index_cast %add3A_1006 : i32 to index
        %get3A_1007 = arith.constant 0 : index
        %get3A_1008 = tpu.vector_load %arg8[%get3A, %get3A_1007] {strides = array<i32>} : memref<256x16xf32, #tpu.memory_space<vmem>>, vector<1x16xf32>,
        %get3A_1009 = vector.shape_cast %get3A_1008 : vector<1x16xf32> to vector<16xf32>
        %scan3A_1010 = arith.constant 0 : i32
        %scan3A_1011 = arith.constant 0 : i32
        %scan3A_1012 = arith.constant 64 : i32
        %scan3A_1013 = arith.addi %scan3A_1011, %scan3A_1012 : i32
        %scan3A_1014 = arith.constant 1 : i32
        %scan3A_1015 = scf.for %scan3A_1018 = %scan3A_1011 to %scan3A_1013 step %scan3A_1014 iter_args(%scan3A_1019 = %scan3A_1010) -> (i32)  : i32 {
          %mul3A_1020 = arith.constant 16 : i32
          %mul3A_1021 = arith.muli %scan3A_1018, %mul3A_1020 : i32
          %get3A_1022 = arith.constant 1 : i32
          %get3A_1023 = arith.index_cast %get3A_1022 : i32 to index
          %get3A_1024 = arith.index_cast %scan3A_1003 : i32 to index
          %get3A_1025 = arith.index_cast %mul3A_1021 : i32 to index
          %get3A_1026 = tpu.vector_load %arg9[%get3A_1023, %get3A_1024, %get3A_1025] {strides = array<i32>} : memref<5x16x1024xf32, #tpu.memory_space<vmem>>, vector<1x1x16xf32>,
          %get3A_1027 = vector.shape_cast %get3A_1026 : vector<1x1x16xf32> to vector<16xf32>
          %mul3A_1028 = arith.mulf %get3A_1027, %get3A_1009 : vector<16xf32>
          %swap3A = arith.constant 1 : i32
          %swap3A_1029 = arith.index_cast %swap3A : i32 to index
          %swap3A_1030 = arith.index_cast %scan3A_1003 : i32 to index
          %swap3A_1031 = arith.index_cast %mul3A_1021 : i32 to index
          %swap3A_1032 = tpu.vector_load %arg9[%swap3A_1029, %swap3A_1030, %swap3A_1031] {strides = array<i32>} : memref<5x16x1024xf32, #tpu.memory_space<vmem>>, vector<1x1x16xf32>,
          %swap3A_1033 = vector.shape_cast %swap3A_1032 : vector<1x1x16xf32> to vector<16xf32>
          %swap3A_1034 = vector.shape_cast %mul3A_1028 : vector<16xf32> to vector<1x1x16xf32>
          tpu.vector_store %arg9[%swap3A_1029, %swap3A_1030, %swap3A_1031], %swap3A_1034 {strides = array<i32>} : memref<5x16x1024xf32, #tpu.memory_space<vmem>>, vector<1x1x16xf32>,
          %scan3A_1035 = arith.constant 0 : i32
          scf.yield %scan3A_1035 : i32
        }
        %scan3A_1016 = arith.constant 64 : i32
        %scan3A_1017 = arith.constant 0 : i32
        scf.yield %scan3A_1017 : i32
      }
      %scan3A_1002 = arith.constant 16 : i32
    } else {
    }
    %add3A_462 = arith.constant 96 : i32
    %add3A_463 = arith.addi %mul3A_32, %add3A_462 : i32
    %dma_start3A_464 = arith.constant 1 : i32
    %dma_start3A_465 = arith.constant 0 : i32
    %dma_start3A_466 = arith.constant 0 : i32
    %dma_start3A_467 = tpu.memref_slice %arg9[%dma_start3A_464, %dma_start3A_465, %dma_start3A_466] : memref<5x16x1024xf32, #tpu.memory_space<vmem>> -> memref<1x16x1024xf32, #tpu.memory_space<vmem>>
    %dma_start3A_468 = tpu.memref_squeeze %dma_start3A_467 : memref<1x16x1024xf32, #tpu.memory_space<vmem>> -> memref<16x1024xf32, #tpu.memory_space<vmem>>
    %dma_start3A_469 = arith.constant 0 : i32
    %dma_start3A_470 = tpu.memref_slice %arg5[%select_n3A, %add3A_463, %dma_start3A_469] : memref<4x2048x1024xf32, #tpu.memory_space<hbm>> -> memref<1x16x1024xf32, #tpu.memory_space<hbm>>
    %dma_start3A_471 = tpu.memref_squeeze %dma_start3A_470 : memref<1x16x1024xf32, #tpu.memory_space<hbm>> -> memref<16x1024xf32, #tpu.memory_space<hbm>>
    %dma_start3A_472 = arith.constant 0 : i32
    %dma_start3A_473 = tpu.memref_slice %arg5[%select_n3A, %add3A_463, %dma_start3A_472] : memref<4x2048x1024xf32, #tpu.memory_space<hbm>> -> memref<1x16x1024xf32, #tpu.memory_space<hbm>>
    %dma_start3A_474 = tpu.memref_squeeze %dma_start3A_473 : memref<1x16x1024xf32, #tpu.memory_space<hbm>> -> memref<16x1024xf32, #tpu.memory_space<hbm>>
    %dma_start3A_475 = arith.constant 0 : i32
    %dma_start3A_476 = arith.constant 0 : i32
    %dma_start3A_477 = tpu.memref_slice %arg9[%dma_start3A_464, %dma_start3A_475, %dma_start3A_476] : memref<5x16x1024xf32, #tpu.memory_space<vmem>> -> memref<1x16x1024xf32, #tpu.memory_space<vmem>>
    %dma_start3A_478 = tpu.memref_squeeze %dma_start3A_477 : memref<1x16x1024xf32, #tpu.memory_space<vmem>> -> memref<16x1024xf32, #tpu.memory_space<vmem>>
    tpu.enqueue_dma source(%dma_start3A_478 : memref<16x1024xf32, #tpu.memory_space<vmem>>) target(%dma_start3A_474 : memref<16x1024xf32, #tpu.memory_space<hbm>>) target_semaphore(%arg16 : memref<!tpu.dma_semaphore, #tpu.memory_space<semaphore_mem>>)
    %add3A_479 = arith.constant 80 : i32
    %add3A_480 = arith.addi %mul3A_32, %add3A_479 : i32
    %dma_wait3A_481 = arith.constant 0 : i32
    %dma_wait3A_482 = arith.constant 0 : i32
    %dma_wait3A_483 = arith.constant 0 : i32
    %dma_wait3A_484 = tpu.memref_slice %arg9[%dma_wait3A_481, %dma_wait3A_482, %dma_wait3A_483] : memref<5x16x1024xf32, #tpu.memory_space<vmem>> -> memref<1x16x1024xf32, #tpu.memory_space<vmem>>
    %dma_wait3A_485 = tpu.memref_squeeze %dma_wait3A_484 : memref<1x16x1024xf32, #tpu.memory_space<vmem>> -> memref<16x1024xf32, #tpu.memory_space<vmem>>
    %dma_wait3A_486 = arith.constant 0 : i32
    %dma_wait3A_487 = tpu.memref_slice %arg5[%select_n3A, %add3A_480, %dma_wait3A_486] : memref<4x2048x1024xf32, #tpu.memory_space<hbm>> -> memref<1x16x1024xf32, #tpu.memory_space<hbm>>
    %dma_wait3A_488 = tpu.memref_squeeze %dma_wait3A_487 : memref<1x16x1024xf32, #tpu.memory_space<hbm>> -> memref<16x1024xf32, #tpu.memory_space<hbm>>
    %dma_wait3A_489 = arith.constant 0 : i32
    %dma_wait3A_490 = tpu.memref_slice %arg5[%select_n3A, %add3A_480, %dma_wait3A_489] : memref<4x2048x1024xf32, #tpu.memory_space<hbm>> -> memref<1x16x1024xf32, #tpu.memory_space<hbm>>
    %dma_wait3A_491 = tpu.memref_squeeze %dma_wait3A_490 : memref<1x16x1024xf32, #tpu.memory_space<hbm>> -> memref<16x1024xf32, #tpu.memory_space<hbm>>
    %dma_wait3A_492 = arith.constant 0 : i32
    %dma_wait3A_493 = arith.constant 0 : i32
    %dma_wait3A_494 = tpu.memref_slice %arg9[%dma_wait3A_481, %dma_wait3A_492, %dma_wait3A_493] : memref<5x16x1024xf32, #tpu.memory_space<vmem>> -> memref<1x16x1024xf32, #tpu.memory_space<vmem>>
    %dma_wait3A_495 = tpu.memref_squeeze %dma_wait3A_494 : memref<1x16x1024xf32, #tpu.memory_space<vmem>> -> memref<16x1024xf32, #tpu.memory_space<vmem>>
    tpu.wait_dma2 semaphore(%arg15 : memref<!tpu.dma_semaphore, #tpu.memory_space<semaphore_mem>>) src(%dma_wait3A_495 : memref<16x1024xf32, #tpu.memory_space<vmem>>) dst(%dma_wait3A_491 : memref<16x1024xf32, #tpu.memory_space<hbm>>)
    %dma_start3A_496 = arith.constant 0 : i32
    %dma_start3A_497 = arith.constant 0 : i32
    %dma_start3A_498 = arith.constant 0 : i32
    %dma_start3A_499 = tpu.memref_slice %arg9[%dma_start3A_496, %dma_start3A_497, %dma_start3A_498] : memref<5x16x1024xf32, #tpu.memory_space<vmem>> -> memref<1x16x1024xf32, #tpu.memory_space<vmem>>
    %dma_start3A_500 = tpu.memref_squeeze %dma_start3A_499 : memref<1x16x1024xf32, #tpu.memory_space<vmem>> -> memref<16x1024xf32, #tpu.memory_space<vmem>>
    %dma_start3A_501 = arith.constant 160 : i32
    %dma_start3A_502 = tpu.memref_slice %arg6[%dma_start3A_501] : memref<256xi32, #tpu.memory_space<vmem>> -> memref<16xi32, #tpu.memory_space<vmem>>
    %dma_start3A_503 = arith.constant 0 : i32
    %dma_start3A_504 = arith.constant 0 : i32
    %dma_start3A_505 = tpu.memref_slice %arg4[%dma_start3A_503, %dma_start3A_504] : memref<151936x1024xf32, #tpu.memory_space<hbm>> -> memref<151936x1024xf32, #tpu.memory_space<hbm>>
    tpu.enqueue_indirect_dma source(%dma_start3A_505 : memref<151936x1024xf32, #tpu.memory_space<hbm>>) target(%dma_start3A_500 : memref<16x1024xf32, #tpu.memory_space<vmem>>) offsets(%dma_start3A_502 : memref<16xi32, #tpu.memory_space<vmem>>) semaphore(%arg10 : memref<!tpu.dma_semaphore, #tpu.memory_space<semaphore_mem>>)
    %dma_wait3A_506 = arith.constant 2 : i32
    %dma_wait3A_507 = arith.constant 0 : i32
    %dma_wait3A_508 = arith.constant 0 : i32
    %dma_wait3A_509 = tpu.memref_slice %arg9[%dma_wait3A_506, %dma_wait3A_507, %dma_wait3A_508] : memref<5x16x1024xf32, #tpu.memory_space<vmem>> -> memref<1x16x1024xf32, #tpu.memory_space<vmem>>
    %dma_wait3A_510 = tpu.memref_squeeze %dma_wait3A_509 : memref<1x16x1024xf32, #tpu.memory_space<vmem>> -> memref<16x1024xf32, #tpu.memory_space<vmem>>
    %dma_wait3A_511 = arith.constant 112 : i32
    %dma_wait3A_512 = tpu.memref_slice %arg6[%dma_wait3A_511] : memref<256xi32, #tpu.memory_space<vmem>> -> memref<16xi32, #tpu.memory_space<vmem>>
    %dma_wait3A_513 = arith.constant 0 : i32
    %dma_wait3A_514 = arith.constant 0 : i32
    %dma_wait3A_515 = tpu.memref_slice %arg4[%dma_wait3A_513, %dma_wait3A_514] : memref<151936x1024xf32, #tpu.memory_space<hbm>> -> memref<151936x1024xf32, #tpu.memory_space<hbm>>
    tpu.wait_indirect_dma semaphore(%arg12 : memref<!tpu.dma_semaphore, #tpu.memory_space<semaphore_mem>>) src(%dma_wait3A_515 : memref<151936x1024xf32, #tpu.memory_space<hbm>>) dst(%dma_wait3A_510 : memref<16x1024xf32, #tpu.memory_space<vmem>>)
    %convert_element_type3A_516 = arith.extui %ne3A_133 : i1 to i32
    %cond3A_517 = arith.constant 0 : i32
    %cond3A_518 = arith.cmpi ne, %convert_element_type3A_516, %cond3A_517 : i32
    scf.if %cond3A_518 {
      %scan3A_996 = arith.constant 0 : i32
      %scan3A_997 = arith.constant 0 : i32
      %scan3A_998 = arith.constant 16 : i32
      %scan3A_999 = arith.addi %scan3A_997, %scan3A_998 : i32
      %scan3A_1000 = arith.constant 1 : i32
      %scan3A_1001 = scf.for %scan3A_1003 = %scan3A_997 to %scan3A_999 step %scan3A_1000 iter_args(%scan3A_1004 = %scan3A_996) -> (i32)  : i32 {
        %add3A_1005 = arith.constant 112 : i32
        %add3A_1006 = arith.addi %add3A_1005, %scan3A_1003 : i32
        %get3A = arith.index_cast %add3A_1006 : i32 to index
        %get3A_1007 = arith.constant 0 : index
        %get3A_1008 = tpu.vector_load %arg8[%get3A, %get3A_1007] {strides = array<i32>} : memref<256x16xf32, #tpu.memory_space<vmem>>, vector<1x16xf32>,
        %get3A_1009 = vector.shape_cast %get3A_1008 : vector<1x16xf32> to vector<16xf32>
        %scan3A_1010 = arith.constant 0 : i32
        %scan3A_1011 = arith.constant 0 : i32
        %scan3A_1012 = arith.constant 64 : i32
        %scan3A_1013 = arith.addi %scan3A_1011, %scan3A_1012 : i32
        %scan3A_1014 = arith.constant 1 : i32
        %scan3A_1015 = scf.for %scan3A_1018 = %scan3A_1011 to %scan3A_1013 step %scan3A_1014 iter_args(%scan3A_1019 = %scan3A_1010) -> (i32)  : i32 {
          %mul3A_1020 = arith.constant 16 : i32
          %mul3A_1021 = arith.muli %scan3A_1018, %mul3A_1020 : i32
          %get3A_1022 = arith.constant 2 : i32
          %get3A_1023 = arith.index_cast %get3A_1022 : i32 to index
          %get3A_1024 = arith.index_cast %scan3A_1003 : i32 to index
          %get3A_1025 = arith.index_cast %mul3A_1021 : i32 to index
          %get3A_1026 = tpu.vector_load %arg9[%get3A_1023, %get3A_1024, %get3A_1025] {strides = array<i32>} : memref<5x16x1024xf32, #tpu.memory_space<vmem>>, vector<1x1x16xf32>,
          %get3A_1027 = vector.shape_cast %get3A_1026 : vector<1x1x16xf32> to vector<16xf32>
          %mul3A_1028 = arith.mulf %get3A_1027, %get3A_1009 : vector<16xf32>
          %swap3A = arith.constant 2 : i32
          %swap3A_1029 = arith.index_cast %swap3A : i32 to index
          %swap3A_1030 = arith.index_cast %scan3A_1003 : i32 to index
          %swap3A_1031 = arith.index_cast %mul3A_1021 : i32 to index
          %swap3A_1032 = tpu.vector_load %arg9[%swap3A_1029, %swap3A_1030, %swap3A_1031] {strides = array<i32>} : memref<5x16x1024xf32, #tpu.memory_space<vmem>>, vector<1x1x16xf32>,
          %swap3A_1033 = vector.shape_cast %swap3A_1032 : vector<1x1x16xf32> to vector<16xf32>
          %swap3A_1034 = vector.shape_cast %mul3A_1028 : vector<16xf32> to vector<1x1x16xf32>
          tpu.vector_store %arg9[%swap3A_1029, %swap3A_1030, %swap3A_1031], %swap3A_1034 {strides = array<i32>} : memref<5x16x1024xf32, #tpu.memory_space<vmem>>, vector<1x1x16xf32>,
          %scan3A_1035 = arith.constant 0 : i32
          scf.yield %scan3A_1035 : i32
        }
        %scan3A_1016 = arith.constant 64 : i32
        %scan3A_1017 = arith.constant 0 : i32
        scf.yield %scan3A_1017 : i32
      }
      %scan3A_1002 = arith.constant 16 : i32
    } else {
    }
    %add3A_519 = arith.constant 112 : i32
    %add3A_520 = arith.addi %mul3A_32, %add3A_519 : i32
    %dma_start3A_521 = arith.constant 2 : i32
    %dma_start3A_522 = arith.constant 0 : i32
    %dma_start3A_523 = arith.constant 0 : i32
    %dma_start3A_524 = tpu.memref_slice %arg9[%dma_start3A_521, %dma_start3A_522, %dma_start3A_523] : memref<5x16x1024xf32, #tpu.memory_space<vmem>> -> memref<1x16x1024xf32, #tpu.memory_space<vmem>>
    %dma_start3A_525 = tpu.memref_squeeze %dma_start3A_524 : memref<1x16x1024xf32, #tpu.memory_space<vmem>> -> memref<16x1024xf32, #tpu.memory_space<vmem>>
    %dma_start3A_526 = arith.constant 0 : i32
    %dma_start3A_527 = tpu.memref_slice %arg5[%select_n3A, %add3A_520, %dma_start3A_526] : memref<4x2048x1024xf32, #tpu.memory_space<hbm>> -> memref<1x16x1024xf32, #tpu.memory_space<hbm>>
    %dma_start3A_528 = tpu.memref_squeeze %dma_start3A_527 : memref<1x16x1024xf32, #tpu.memory_space<hbm>> -> memref<16x1024xf32, #tpu.memory_space<hbm>>
    %dma_start3A_529 = arith.constant 0 : i32
    %dma_start3A_530 = tpu.memref_slice %arg5[%select_n3A, %add3A_520, %dma_start3A_529] : memref<4x2048x1024xf32, #tpu.memory_space<hbm>> -> memref<1x16x1024xf32, #tpu.memory_space<hbm>>
    %dma_start3A_531 = tpu.memref_squeeze %dma_start3A_530 : memref<1x16x1024xf32, #tpu.memory_space<hbm>> -> memref<16x1024xf32, #tpu.memory_space<hbm>>
    %dma_start3A_532 = arith.constant 0 : i32
    %dma_start3A_533 = arith.constant 0 : i32
    %dma_start3A_534 = tpu.memref_slice %arg9[%dma_start3A_521, %dma_start3A_532, %dma_start3A_533] : memref<5x16x1024xf32, #tpu.memory_space<vmem>> -> memref<1x16x1024xf32, #tpu.memory_space<vmem>>
    %dma_start3A_535 = tpu.memref_squeeze %dma_start3A_534 : memref<1x16x1024xf32, #tpu.memory_space<vmem>> -> memref<16x1024xf32, #tpu.memory_space<vmem>>
    tpu.enqueue_dma source(%dma_start3A_535 : memref<16x1024xf32, #tpu.memory_space<vmem>>) target(%dma_start3A_531 : memref<16x1024xf32, #tpu.memory_space<hbm>>) target_semaphore(%arg17 : memref<!tpu.dma_semaphore, #tpu.memory_space<semaphore_mem>>)
    %add3A_536 = arith.constant 96 : i32
    %add3A_537 = arith.addi %mul3A_32, %add3A_536 : i32
    %dma_wait3A_538 = arith.constant 1 : i32
    %dma_wait3A_539 = arith.constant 0 : i32
    %dma_wait3A_540 = arith.constant 0 : i32
    %dma_wait3A_541 = tpu.memref_slice %arg9[%dma_wait3A_538, %dma_wait3A_539, %dma_wait3A_540] : memref<5x16x1024xf32, #tpu.memory_space<vmem>> -> memref<1x16x1024xf32, #tpu.memory_space<vmem>>
    %dma_wait3A_542 = tpu.memref_squeeze %dma_wait3A_541 : memref<1x16x1024xf32, #tpu.memory_space<vmem>> -> memref<16x1024xf32, #tpu.memory_space<vmem>>
    %dma_wait3A_543 = arith.constant 0 : i32
    %dma_wait3A_544 = tpu.memref_slice %arg5[%select_n3A, %add3A_537, %dma_wait3A_543] : memref<4x2048x1024xf32, #tpu.memory_space<hbm>> -> memref<1x16x1024xf32, #tpu.memory_space<hbm>>
    %dma_wait3A_545 = tpu.memref_squeeze %dma_wait3A_544 : memref<1x16x1024xf32, #tpu.memory_space<hbm>> -> memref<16x1024xf32, #tpu.memory_space<hbm>>
    %dma_wait3A_546 = arith.constant 0 : i32
    %dma_wait3A_547 = tpu.memref_slice %arg5[%select_n3A, %add3A_537, %dma_wait3A_546] : memref<4x2048x1024xf32, #tpu.memory_space<hbm>> -> memref<1x16x1024xf32, #tpu.memory_space<hbm>>
    %dma_wait3A_548 = tpu.memref_squeeze %dma_wait3A_547 : memref<1x16x1024xf32, #tpu.memory_space<hbm>> -> memref<16x1024xf32, #tpu.memory_space<hbm>>
    %dma_wait3A_549 = arith.constant 0 : i32
    %dma_wait3A_550 = arith.constant 0 : i32
    %dma_wait3A_551 = tpu.memref_slice %arg9[%dma_wait3A_538, %dma_wait3A_549, %dma_wait3A_550] : memref<5x16x1024xf32, #tpu.memory_space<vmem>> -> memref<1x16x1024xf32, #tpu.memory_space<vmem>>
    %dma_wait3A_552 = tpu.memref_squeeze %dma_wait3A_551 : memref<1x16x1024xf32, #tpu.memory_space<vmem>> -> memref<16x1024xf32, #tpu.memory_space<vmem>>
    tpu.wait_dma2 semaphore(%arg16 : memref<!tpu.dma_semaphore, #tpu.memory_space<semaphore_mem>>) src(%dma_wait3A_552 : memref<16x1024xf32, #tpu.memory_space<vmem>>) dst(%dma_wait3A_548 : memref<16x1024xf32, #tpu.memory_space<hbm>>)
    %dma_start3A_553 = arith.constant 1 : i32
    %dma_start3A_554 = arith.constant 0 : i32
    %dma_start3A_555 = arith.constant 0 : i32
    %dma_start3A_556 = tpu.memref_slice %arg9[%dma_start3A_553, %dma_start3A_554, %dma_start3A_555] : memref<5x16x1024xf32, #tpu.memory_space<vmem>> -> memref<1x16x1024xf32, #tpu.memory_space<vmem>>
    %dma_start3A_557 = tpu.memref_squeeze %dma_start3A_556 : memref<1x16x1024xf32, #tpu.memory_space<vmem>> -> memref<16x1024xf32, #tpu.memory_space<vmem>>
    %dma_start3A_558 = arith.constant 176 : i32
    %dma_start3A_559 = tpu.memref_slice %arg6[%dma_start3A_558] : memref<256xi32, #tpu.memory_space<vmem>> -> memref<16xi32, #tpu.memory_space<vmem>>
    %dma_start3A_560 = arith.constant 0 : i32
    %dma_start3A_561 = arith.constant 0 : i32
    %dma_start3A_562 = tpu.memref_slice %arg4[%dma_start3A_560, %dma_start3A_561] : memref<151936x1024xf32, #tpu.memory_space<hbm>> -> memref<151936x1024xf32, #tpu.memory_space<hbm>>
    tpu.enqueue_indirect_dma source(%dma_start3A_562 : memref<151936x1024xf32, #tpu.memory_space<hbm>>) target(%dma_start3A_557 : memref<16x1024xf32, #tpu.memory_space<vmem>>) offsets(%dma_start3A_559 : memref<16xi32, #tpu.memory_space<vmem>>) semaphore(%arg11 : memref<!tpu.dma_semaphore, #tpu.memory_space<semaphore_mem>>)
    %dma_wait3A_563 = arith.constant 3 : i32
    %dma_wait3A_564 = arith.constant 0 : i32
    %dma_wait3A_565 = arith.constant 0 : i32
    %dma_wait3A_566 = tpu.memref_slice %arg9[%dma_wait3A_563, %dma_wait3A_564, %dma_wait3A_565] : memref<5x16x1024xf32, #tpu.memory_space<vmem>> -> memref<1x16x1024xf32, #tpu.memory_space<vmem>>
    %dma_wait3A_567 = tpu.memref_squeeze %dma_wait3A_566 : memref<1x16x1024xf32, #tpu.memory_space<vmem>> -> memref<16x1024xf32, #tpu.memory_space<vmem>>
    %dma_wait3A_568 = arith.constant 128 : i32
    %dma_wait3A_569 = tpu.memref_slice %arg6[%dma_wait3A_568] : memref<256xi32, #tpu.memory_space<vmem>> -> memref<16xi32, #tpu.memory_space<vmem>>
    %dma_wait3A_570 = arith.constant 0 : i32
    %dma_wait3A_571 = arith.constant 0 : i32
    %dma_wait3A_572 = tpu.memref_slice %arg4[%dma_wait3A_570, %dma_wait3A_571] : memref<151936x1024xf32, #tpu.memory_space<hbm>> -> memref<151936x1024xf32, #tpu.memory_space<hbm>>
    tpu.wait_indirect_dma semaphore(%arg13 : memref<!tpu.dma_semaphore, #tpu.memory_space<semaphore_mem>>) src(%dma_wait3A_572 : memref<151936x1024xf32, #tpu.memory_space<hbm>>) dst(%dma_wait3A_567 : memref<16x1024xf32, #tpu.memory_space<vmem>>)
    %convert_element_type3A_573 = arith.extui %ne3A_133 : i1 to i32
    %cond3A_574 = arith.constant 0 : i32
    %cond3A_575 = arith.cmpi ne, %convert_element_type3A_573, %cond3A_574 : i32
    scf.if %cond3A_575 {
      %scan3A_996 = arith.constant 0 : i32
      %scan3A_997 = arith.constant 0 : i32
      %scan3A_998 = arith.constant 16 : i32
      %scan3A_999 = arith.addi %scan3A_997, %scan3A_998 : i32
      %scan3A_1000 = arith.constant 1 : i32
      %scan3A_1001 = scf.for %scan3A_1003 = %scan3A_997 to %scan3A_999 step %scan3A_1000 iter_args(%scan3A_1004 = %scan3A_996) -> (i32)  : i32 {
        %add3A_1005 = arith.constant 128 : i32
        %add3A_1006 = arith.addi %add3A_1005, %scan3A_1003 : i32
        %get3A = arith.index_cast %add3A_1006 : i32 to index
        %get3A_1007 = arith.constant 0 : index
        %get3A_1008 = tpu.vector_load %arg8[%get3A, %get3A_1007] {strides = array<i32>} : memref<256x16xf32, #tpu.memory_space<vmem>>, vector<1x16xf32>,
        %get3A_1009 = vector.shape_cast %get3A_1008 : vector<1x16xf32> to vector<16xf32>
        %scan3A_1010 = arith.constant 0 : i32
        %scan3A_1011 = arith.constant 0 : i32
        %scan3A_1012 = arith.constant 64 : i32
        %scan3A_1013 = arith.addi %scan3A_1011, %scan3A_1012 : i32
        %scan3A_1014 = arith.constant 1 : i32
        %scan3A_1015 = scf.for %scan3A_1018 = %scan3A_1011 to %scan3A_1013 step %scan3A_1014 iter_args(%scan3A_1019 = %scan3A_1010) -> (i32)  : i32 {
          %mul3A_1020 = arith.constant 16 : i32
          %mul3A_1021 = arith.muli %scan3A_1018, %mul3A_1020 : i32
          %get3A_1022 = arith.constant 3 : i32
          %get3A_1023 = arith.index_cast %get3A_1022 : i32 to index
          %get3A_1024 = arith.index_cast %scan3A_1003 : i32 to index
          %get3A_1025 = arith.index_cast %mul3A_1021 : i32 to index
          %get3A_1026 = tpu.vector_load %arg9[%get3A_1023, %get3A_1024, %get3A_1025] {strides = array<i32>} : memref<5x16x1024xf32, #tpu.memory_space<vmem>>, vector<1x1x16xf32>,
          %get3A_1027 = vector.shape_cast %get3A_1026 : vector<1x1x16xf32> to vector<16xf32>
          %mul3A_1028 = arith.mulf %get3A_1027, %get3A_1009 : vector<16xf32>
          %swap3A = arith.constant 3 : i32
          %swap3A_1029 = arith.index_cast %swap3A : i32 to index
          %swap3A_1030 = arith.index_cast %scan3A_1003 : i32 to index
          %swap3A_1031 = arith.index_cast %mul3A_1021 : i32 to index
          %swap3A_1032 = tpu.vector_load %arg9[%swap3A_1029, %swap3A_1030, %swap3A_1031] {strides = array<i32>} : memref<5x16x1024xf32, #tpu.memory_space<vmem>>, vector<1x1x16xf32>,
          %swap3A_1033 = vector.shape_cast %swap3A_1032 : vector<1x1x16xf32> to vector<16xf32>
          %swap3A_1034 = vector.shape_cast %mul3A_1028 : vector<16xf32> to vector<1x1x16xf32>
          tpu.vector_store %arg9[%swap3A_1029, %swap3A_1030, %swap3A_1031], %swap3A_1034 {strides = array<i32>} : memref<5x16x1024xf32, #tpu.memory_space<vmem>>, vector<1x1x16xf32>,
          %scan3A_1035 = arith.constant 0 : i32
          scf.yield %scan3A_1035 : i32
        }
        %scan3A_1016 = arith.constant 64 : i32
        %scan3A_1017 = arith.constant 0 : i32
        scf.yield %scan3A_1017 : i32
      }
      %scan3A_1002 = arith.constant 16 : i32
    } else {
    }
    %add3A_576 = arith.constant 128 : i32
    %add3A_577 = arith.addi %mul3A_32, %add3A_576 : i32
    %dma_start3A_578 = arith.constant 3 : i32
    %dma_start3A_579 = arith.constant 0 : i32
    %dma_start3A_580 = arith.constant 0 : i32
    %dma_start3A_581 = tpu.memref_slice %arg9[%dma_start3A_578, %dma_start3A_579, %dma_start3A_580] : memref<5x16x1024xf32, #tpu.memory_space<vmem>> -> memref<1x16x1024xf32, #tpu.memory_space<vmem>>
    %dma_start3A_582 = tpu.memref_squeeze %dma_start3A_581 : memref<1x16x1024xf32, #tpu.memory_space<vmem>> -> memref<16x1024xf32, #tpu.memory_space<vmem>>
    %dma_start3A_583 = arith.constant 0 : i32
    %dma_start3A_584 = tpu.memref_slice %arg5[%select_n3A, %add3A_577, %dma_start3A_583] : memref<4x2048x1024xf32, #tpu.memory_space<hbm>> -> memref<1x16x1024xf32, #tpu.memory_space<hbm>>
    %dma_start3A_585 = tpu.memref_squeeze %dma_start3A_584 : memref<1x16x1024xf32, #tpu.memory_space<hbm>> -> memref<16x1024xf32, #tpu.memory_space<hbm>>
    %dma_start3A_586 = arith.constant 0 : i32
    %dma_start3A_587 = tpu.memref_slice %arg5[%select_n3A, %add3A_577, %dma_start3A_586] : memref<4x2048x1024xf32, #tpu.memory_space<hbm>> -> memref<1x16x1024xf32, #tpu.memory_space<hbm>>
    %dma_start3A_588 = tpu.memref_squeeze %dma_start3A_587 : memref<1x16x1024xf32, #tpu.memory_space<hbm>> -> memref<16x1024xf32, #tpu.memory_space<hbm>>
    %dma_start3A_589 = arith.constant 0 : i32
    %dma_start3A_590 = arith.constant 0 : i32
    %dma_start3A_591 = tpu.memref_slice %arg9[%dma_start3A_578, %dma_start3A_589, %dma_start3A_590] : memref<5x16x1024xf32, #tpu.memory_space<vmem>> -> memref<1x16x1024xf32, #tpu.memory_space<vmem>>
    %dma_start3A_592 = tpu.memref_squeeze %dma_start3A_591 : memref<1x16x1024xf32, #tpu.memory_space<vmem>> -> memref<16x1024xf32, #tpu.memory_space<vmem>>
    tpu.enqueue_dma source(%dma_start3A_592 : memref<16x1024xf32, #tpu.memory_space<vmem>>) target(%dma_start3A_588 : memref<16x1024xf32, #tpu.memory_space<hbm>>) target_semaphore(%arg18 : memref<!tpu.dma_semaphore, #tpu.memory_space<semaphore_mem>>)
    %add3A_593 = arith.constant 112 : i32
    %add3A_594 = arith.addi %mul3A_32, %add3A_593 : i32
    %dma_wait3A_595 = arith.constant 2 : i32
    %dma_wait3A_596 = arith.constant 0 : i32
    %dma_wait3A_597 = arith.constant 0 : i32
    %dma_wait3A_598 = tpu.memref_slice %arg9[%dma_wait3A_595, %dma_wait3A_596, %dma_wait3A_597] : memref<5x16x1024xf32, #tpu.memory_space<vmem>> -> memref<1x16x1024xf32, #tpu.memory_space<vmem>>
    %dma_wait3A_599 = tpu.memref_squeeze %dma_wait3A_598 : memref<1x16x1024xf32, #tpu.memory_space<vmem>> -> memref<16x1024xf32, #tpu.memory_space<vmem>>
    %dma_wait3A_600 = arith.constant 0 : i32
    %dma_wait3A_601 = tpu.memref_slice %arg5[%select_n3A, %add3A_594, %dma_wait3A_600] : memref<4x2048x1024xf32, #tpu.memory_space<hbm>> -> memref<1x16x1024xf32, #tpu.memory_space<hbm>>
    %dma_wait3A_602 = tpu.memref_squeeze %dma_wait3A_601 : memref<1x16x1024xf32, #tpu.memory_space<hbm>> -> memref<16x1024xf32, #tpu.memory_space<hbm>>
    %dma_wait3A_603 = arith.constant 0 : i32
    %dma_wait3A_604 = tpu.memref_slice %arg5[%select_n3A, %add3A_594, %dma_wait3A_603] : memref<4x2048x1024xf32, #tpu.memory_space<hbm>> -> memref<1x16x1024xf32, #tpu.memory_space<hbm>>
    %dma_wait3A_605 = tpu.memref_squeeze %dma_wait3A_604 : memref<1x16x1024xf32, #tpu.memory_space<hbm>> -> memref<16x1024xf32, #tpu.memory_space<hbm>>
    %dma_wait3A_606 = arith.constant 0 : i32
    %dma_wait3A_607 = arith.constant 0 : i32
    %dma_wait3A_608 = tpu.memref_slice %arg9[%dma_wait3A_595, %dma_wait3A_606, %dma_wait3A_607] : memref<5x16x1024xf32, #tpu.memory_space<vmem>> -> memref<1x16x1024xf32, #tpu.memory_space<vmem>>
    %dma_wait3A_609 = tpu.memref_squeeze %dma_wait3A_608 : memref<1x16x1024xf32, #tpu.memory_space<vmem>> -> memref<16x1024xf32, #tpu.memory_space<vmem>>
    tpu.wait_dma2 semaphore(%arg17 : memref<!tpu.dma_semaphore, #tpu.memory_space<semaphore_mem>>) src(%dma_wait3A_609 : memref<16x1024xf32, #tpu.memory_space<vmem>>) dst(%dma_wait3A_605 : memref<16x1024xf32, #tpu.memory_space<hbm>>)
    %dma_start3A_610 = arith.constant 2 : i32
    %dma_start3A_611 = arith.constant 0 : i32
    %dma_start3A_612 = arith.constant 0 : i32
    %dma_start3A_613 = tpu.memref_slice %arg9[%dma_start3A_610, %dma_start3A_611, %dma_start3A_612] : memref<5x16x1024xf32, #tpu.memory_space<vmem>> -> memref<1x16x1024xf32, #tpu.memory_space<vmem>>
    %dma_start3A_614 = tpu.memref_squeeze %dma_start3A_613 : memref<1x16x1024xf32, #tpu.memory_space<vmem>> -> memref<16x1024xf32, #tpu.memory_space<vmem>>
    %dma_start3A_615 = arith.constant 192 : i32
    %dma_start3A_616 = tpu.memref_slice %arg6[%dma_start3A_615] : memref<256xi32, #tpu.memory_space<vmem>> -> memref<16xi32, #tpu.memory_space<vmem>>
    %dma_start3A_617 = arith.constant 0 : i32
    %dma_start3A_618 = arith.constant 0 : i32
    %dma_start3A_619 = tpu.memref_slice %arg4[%dma_start3A_617, %dma_start3A_618] : memref<151936x1024xf32, #tpu.memory_space<hbm>> -> memref<151936x1024xf32, #tpu.memory_space<hbm>>
    tpu.enqueue_indirect_dma source(%dma_start3A_619 : memref<151936x1024xf32, #tpu.memory_space<hbm>>) target(%dma_start3A_614 : memref<16x1024xf32, #tpu.memory_space<vmem>>) offsets(%dma_start3A_616 : memref<16xi32, #tpu.memory_space<vmem>>) semaphore(%arg12 : memref<!tpu.dma_semaphore, #tpu.memory_space<semaphore_mem>>)
    %dma_wait3A_620 = arith.constant 4 : i32
    %dma_wait3A_621 = arith.constant 0 : i32
    %dma_wait3A_622 = arith.constant 0 : i32
    %dma_wait3A_623 = tpu.memref_slice %arg9[%dma_wait3A_620, %dma_wait3A_621, %dma_wait3A_622] : memref<5x16x1024xf32, #tpu.memory_space<vmem>> -> memref<1x16x1024xf32, #tpu.memory_space<vmem>>
    %dma_wait3A_624 = tpu.memref_squeeze %dma_wait3A_623 : memref<1x16x1024xf32, #tpu.memory_space<vmem>> -> memref<16x1024xf32, #tpu.memory_space<vmem>>
    %dma_wait3A_625 = arith.constant 144 : i32
    %dma_wait3A_626 = tpu.memref_slice %arg6[%dma_wait3A_625] : memref<256xi32, #tpu.memory_space<vmem>> -> memref<16xi32, #tpu.memory_space<vmem>>
    %dma_wait3A_627 = arith.constant 0 : i32
    %dma_wait3A_628 = arith.constant 0 : i32
    %dma_wait3A_629 = tpu.memref_slice %arg4[%dma_wait3A_627, %dma_wait3A_628] : memref<151936x1024xf32, #tpu.memory_space<hbm>> -> memref<151936x1024xf32, #tpu.memory_space<hbm>>
    tpu.wait_indirect_dma semaphore(%arg14 : memref<!tpu.dma_semaphore, #tpu.memory_space<semaphore_mem>>) src(%dma_wait3A_629 : memref<151936x1024xf32, #tpu.memory_space<hbm>>) dst(%dma_wait3A_624 : memref<16x1024xf32, #tpu.memory_space<vmem>>)
    %convert_element_type3A_630 = arith.extui %ne3A_133 : i1 to i32
    %cond3A_631 = arith.constant 0 : i32
    %cond3A_632 = arith.cmpi ne, %convert_element_type3A_630, %cond3A_631 : i32
    scf.if %cond3A_632 {
      %scan3A_996 = arith.constant 0 : i32
      %scan3A_997 = arith.constant 0 : i32
      %scan3A_998 = arith.constant 16 : i32
      %scan3A_999 = arith.addi %scan3A_997, %scan3A_998 : i32
      %scan3A_1000 = arith.constant 1 : i32
      %scan3A_1001 = scf.for %scan3A_1003 = %scan3A_997 to %scan3A_999 step %scan3A_1000 iter_args(%scan3A_1004 = %scan3A_996) -> (i32)  : i32 {
        %add3A_1005 = arith.constant 144 : i32
        %add3A_1006 = arith.addi %add3A_1005, %scan3A_1003 : i32
        %get3A = arith.index_cast %add3A_1006 : i32 to index
        %get3A_1007 = arith.constant 0 : index
        %get3A_1008 = tpu.vector_load %arg8[%get3A, %get3A_1007] {strides = array<i32>} : memref<256x16xf32, #tpu.memory_space<vmem>>, vector<1x16xf32>,
        %get3A_1009 = vector.shape_cast %get3A_1008 : vector<1x16xf32> to vector<16xf32>
        %scan3A_1010 = arith.constant 0 : i32
        %scan3A_1011 = arith.constant 0 : i32
        %scan3A_1012 = arith.constant 64 : i32
        %scan3A_1013 = arith.addi %scan3A_1011, %scan3A_1012 : i32
        %scan3A_1014 = arith.constant 1 : i32
        %scan3A_1015 = scf.for %scan3A_1018 = %scan3A_1011 to %scan3A_1013 step %scan3A_1014 iter_args(%scan3A_1019 = %scan3A_1010) -> (i32)  : i32 {
          %mul3A_1020 = arith.constant 16 : i32
          %mul3A_1021 = arith.muli %scan3A_1018, %mul3A_1020 : i32
          %get3A_1022 = arith.constant 4 : i32
          %get3A_1023 = arith.index_cast %get3A_1022 : i32 to index
          %get3A_1024 = arith.index_cast %scan3A_1003 : i32 to index
          %get3A_1025 = arith.index_cast %mul3A_1021 : i32 to index
          %get3A_1026 = tpu.vector_load %arg9[%get3A_1023, %get3A_1024, %get3A_1025] {strides = array<i32>} : memref<5x16x1024xf32, #tpu.memory_space<vmem>>, vector<1x1x16xf32>,
          %get3A_1027 = vector.shape_cast %get3A_1026 : vector<1x1x16xf32> to vector<16xf32>
          %mul3A_1028 = arith.mulf %get3A_1027, %get3A_1009 : vector<16xf32>
          %swap3A = arith.constant 4 : i32
          %swap3A_1029 = arith.index_cast %swap3A : i32 to index
          %swap3A_1030 = arith.index_cast %scan3A_1003 : i32 to index
          %swap3A_1031 = arith.index_cast %mul3A_1021 : i32 to index
          %swap3A_1032 = tpu.vector_load %arg9[%swap3A_1029, %swap3A_1030, %swap3A_1031] {strides = array<i32>} : memref<5x16x1024xf32, #tpu.memory_space<vmem>>, vector<1x1x16xf32>,
          %swap3A_1033 = vector.shape_cast %swap3A_1032 : vector<1x1x16xf32> to vector<16xf32>
          %swap3A_1034 = vector.shape_cast %mul3A_1028 : vector<16xf32> to vector<1x1x16xf32>
          tpu.vector_store %arg9[%swap3A_1029, %swap3A_1030, %swap3A_1031], %swap3A_1034 {strides = array<i32>} : memref<5x16x1024xf32, #tpu.memory_space<vmem>>, vector<1x1x16xf32>,
          %scan3A_1035 = arith.constant 0 : i32
          scf.yield %scan3A_1035 : i32
        }
        %scan3A_1016 = arith.constant 64 : i32
        %scan3A_1017 = arith.constant 0 : i32
        scf.yield %scan3A_1017 : i32
      }
      %scan3A_1002 = arith.constant 16 : i32
    } else {
    }
    %add3A_633 = arith.constant 144 : i32
    %add3A_634 = arith.addi %mul3A_32, %add3A_633 : i32
    %dma_start3A_635 = arith.constant 4 : i32
    %dma_start3A_636 = arith.constant 0 : i32
    %dma_start3A_637 = arith.constant 0 : i32
    %dma_start3A_638 = tpu.memref_slice %arg9[%dma_start3A_635, %dma_start3A_636, %dma_start3A_637] : memref<5x16x1024xf32, #tpu.memory_space<vmem>> -> memref<1x16x1024xf32, #tpu.memory_space<vmem>>
    %dma_start3A_639 = tpu.memref_squeeze %dma_start3A_638 : memref<1x16x1024xf32, #tpu.memory_space<vmem>> -> memref<16x1024xf32, #tpu.memory_space<vmem>>
    %dma_start3A_640 = arith.constant 0 : i32
    %dma_start3A_641 = tpu.memref_slice %arg5[%select_n3A, %add3A_634, %dma_start3A_640] : memref<4x2048x1024xf32, #tpu.memory_space<hbm>> -> memref<1x16x1024xf32, #tpu.memory_space<hbm>>
    %dma_start3A_642 = tpu.memref_squeeze %dma_start3A_641 : memref<1x16x1024xf32, #tpu.memory_space<hbm>> -> memref<16x1024xf32, #tpu.memory_space<hbm>>
    %dma_start3A_643 = arith.constant 0 : i32
    %dma_start3A_644 = tpu.memref_slice %arg5[%select_n3A, %add3A_634, %dma_start3A_643] : memref<4x2048x1024xf32, #tpu.memory_space<hbm>> -> memref<1x16x1024xf32, #tpu.memory_space<hbm>>
    %dma_start3A_645 = tpu.memref_squeeze %dma_start3A_644 : memref<1x16x1024xf32, #tpu.memory_space<hbm>> -> memref<16x1024xf32, #tpu.memory_space<hbm>>
    %dma_start3A_646 = arith.constant 0 : i32
    %dma_start3A_647 = arith.constant 0 : i32
    %dma_start3A_648 = tpu.memref_slice %arg9[%dma_start3A_635, %dma_start3A_646, %dma_start3A_647] : memref<5x16x1024xf32, #tpu.memory_space<vmem>> -> memref<1x16x1024xf32, #tpu.memory_space<vmem>>
    %dma_start3A_649 = tpu.memref_squeeze %dma_start3A_648 : memref<1x16x1024xf32, #tpu.memory_space<vmem>> -> memref<16x1024xf32, #tpu.memory_space<vmem>>
    tpu.enqueue_dma source(%dma_start3A_649 : memref<16x1024xf32, #tpu.memory_space<vmem>>) target(%dma_start3A_645 : memref<16x1024xf32, #tpu.memory_space<hbm>>) target_semaphore(%arg19 : memref<!tpu.dma_semaphore, #tpu.memory_space<semaphore_mem>>)
    %add3A_650 = arith.constant 128 : i32
    %add3A_651 = arith.addi %mul3A_32, %add3A_650 : i32
    %dma_wait3A_652 = arith.constant 3 : i32
    %dma_wait3A_653 = arith.constant 0 : i32
    %dma_wait3A_654 = arith.constant 0 : i32
    %dma_wait3A_655 = tpu.memref_slice %arg9[%dma_wait3A_652, %dma_wait3A_653, %dma_wait3A_654] : memref<5x16x1024xf32, #tpu.memory_space<vmem>> -> memref<1x16x1024xf32, #tpu.memory_space<vmem>>
    %dma_wait3A_656 = tpu.memref_squeeze %dma_wait3A_655 : memref<1x16x1024xf32, #tpu.memory_space<vmem>> -> memref<16x1024xf32, #tpu.memory_space<vmem>>
    %dma_wait3A_657 = arith.constant 0 : i32
    %dma_wait3A_658 = tpu.memref_slice %arg5[%select_n3A, %add3A_651, %dma_wait3A_657] : memref<4x2048x1024xf32, #tpu.memory_space<hbm>> -> memref<1x16x1024xf32, #tpu.memory_space<hbm>>
    %dma_wait3A_659 = tpu.memref_squeeze %dma_wait3A_658 : memref<1x16x1024xf32, #tpu.memory_space<hbm>> -> memref<16x1024xf32, #tpu.memory_space<hbm>>
    %dma_wait3A_660 = arith.constant 0 : i32
    %dma_wait3A_661 = tpu.memref_slice %arg5[%select_n3A, %add3A_651, %dma_wait3A_660] : memref<4x2048x1024xf32, #tpu.memory_space<hbm>> -> memref<1x16x1024xf32, #tpu.memory_space<hbm>>
    %dma_wait3A_662 = tpu.memref_squeeze %dma_wait3A_661 : memref<1x16x1024xf32, #tpu.memory_space<hbm>> -> memref<16x1024xf32, #tpu.memory_space<hbm>>
    %dma_wait3A_663 = arith.constant 0 : i32
    %dma_wait3A_664 = arith.constant 0 : i32
    %dma_wait3A_665 = tpu.memref_slice %arg9[%dma_wait3A_652, %dma_wait3A_663, %dma_wait3A_664] : memref<5x16x1024xf32, #tpu.memory_space<vmem>> -> memref<1x16x1024xf32, #tpu.memory_space<vmem>>
    %dma_wait3A_666 = tpu.memref_squeeze %dma_wait3A_665 : memref<1x16x1024xf32, #tpu.memory_space<vmem>> -> memref<16x1024xf32, #tpu.memory_space<vmem>>
    tpu.wait_dma2 semaphore(%arg18 : memref<!tpu.dma_semaphore, #tpu.memory_space<semaphore_mem>>) src(%dma_wait3A_666 : memref<16x1024xf32, #tpu.memory_space<vmem>>) dst(%dma_wait3A_662 : memref<16x1024xf32, #tpu.memory_space<hbm>>)
    %dma_start3A_667 = arith.constant 3 : i32
    %dma_start3A_668 = arith.constant 0 : i32
    %dma_start3A_669 = arith.constant 0 : i32
    %dma_start3A_670 = tpu.memref_slice %arg9[%dma_start3A_667, %dma_start3A_668, %dma_start3A_669] : memref<5x16x1024xf32, #tpu.memory_space<vmem>> -> memref<1x16x1024xf32, #tpu.memory_space<vmem>>
    %dma_start3A_671 = tpu.memref_squeeze %dma_start3A_670 : memref<1x16x1024xf32, #tpu.memory_space<vmem>> -> memref<16x1024xf32, #tpu.memory_space<vmem>>
    %dma_start3A_672 = arith.constant 208 : i32
    %dma_start3A_673 = tpu.memref_slice %arg6[%dma_start3A_672] : memref<256xi32, #tpu.memory_space<vmem>> -> memref<16xi32, #tpu.memory_space<vmem>>
    %dma_start3A_674 = arith.constant 0 : i32
    %dma_start3A_675 = arith.constant 0 : i32
    %dma_start3A_676 = tpu.memref_slice %arg4[%dma_start3A_674, %dma_start3A_675] : memref<151936x1024xf32, #tpu.memory_space<hbm>> -> memref<151936x1024xf32, #tpu.memory_space<hbm>>
    tpu.enqueue_indirect_dma source(%dma_start3A_676 : memref<151936x1024xf32, #tpu.memory_space<hbm>>) target(%dma_start3A_671 : memref<16x1024xf32, #tpu.memory_space<vmem>>) offsets(%dma_start3A_673 : memref<16xi32, #tpu.memory_space<vmem>>) semaphore(%arg13 : memref<!tpu.dma_semaphore, #tpu.memory_space<semaphore_mem>>)
    %dma_wait3A_677 = arith.constant 0 : i32
    %dma_wait3A_678 = arith.constant 0 : i32
    %dma_wait3A_679 = arith.constant 0 : i32
    %dma_wait3A_680 = tpu.memref_slice %arg9[%dma_wait3A_677, %dma_wait3A_678, %dma_wait3A_679] : memref<5x16x1024xf32, #tpu.memory_space<vmem>> -> memref<1x16x1024xf32, #tpu.memory_space<vmem>>
    %dma_wait3A_681 = tpu.memref_squeeze %dma_wait3A_680 : memref<1x16x1024xf32, #tpu.memory_space<vmem>> -> memref<16x1024xf32, #tpu.memory_space<vmem>>
    %dma_wait3A_682 = arith.constant 160 : i32
    %dma_wait3A_683 = tpu.memref_slice %arg6[%dma_wait3A_682] : memref<256xi32, #tpu.memory_space<vmem>> -> memref<16xi32, #tpu.memory_space<vmem>>
    %dma_wait3A_684 = arith.constant 0 : i32
    %dma_wait3A_685 = arith.constant 0 : i32
    %dma_wait3A_686 = tpu.memref_slice %arg4[%dma_wait3A_684, %dma_wait3A_685] : memref<151936x1024xf32, #tpu.memory_space<hbm>> -> memref<151936x1024xf32, #tpu.memory_space<hbm>>
    tpu.wait_indirect_dma semaphore(%arg10 : memref<!tpu.dma_semaphore, #tpu.memory_space<semaphore_mem>>) src(%dma_wait3A_686 : memref<151936x1024xf32, #tpu.memory_space<hbm>>) dst(%dma_wait3A_681 : memref<16x1024xf32, #tpu.memory_space<vmem>>)
    %convert_element_type3A_687 = arith.extui %ne3A_133 : i1 to i32
    %cond3A_688 = arith.constant 0 : i32
    %cond3A_689 = arith.cmpi ne, %convert_element_type3A_687, %cond3A_688 : i32
    scf.if %cond3A_689 {
      %scan3A_996 = arith.constant 0 : i32
      %scan3A_997 = arith.constant 0 : i32
      %scan3A_998 = arith.constant 16 : i32
      %scan3A_999 = arith.addi %scan3A_997, %scan3A_998 : i32
      %scan3A_1000 = arith.constant 1 : i32
      %scan3A_1001 = scf.for %scan3A_1003 = %scan3A_997 to %scan3A_999 step %scan3A_1000 iter_args(%scan3A_1004 = %scan3A_996) -> (i32)  : i32 {
        %add3A_1005 = arith.constant 160 : i32
        %add3A_1006 = arith.addi %add3A_1005, %scan3A_1003 : i32
        %get3A = arith.index_cast %add3A_1006 : i32 to index
        %get3A_1007 = arith.constant 0 : index
        %get3A_1008 = tpu.vector_load %arg8[%get3A, %get3A_1007] {strides = array<i32>} : memref<256x16xf32, #tpu.memory_space<vmem>>, vector<1x16xf32>,
        %get3A_1009 = vector.shape_cast %get3A_1008 : vector<1x16xf32> to vector<16xf32>
        %scan3A_1010 = arith.constant 0 : i32
        %scan3A_1011 = arith.constant 0 : i32
        %scan3A_1012 = arith.constant 64 : i32
        %scan3A_1013 = arith.addi %scan3A_1011, %scan3A_1012 : i32
        %scan3A_1014 = arith.constant 1 : i32
        %scan3A_1015 = scf.for %scan3A_1018 = %scan3A_1011 to %scan3A_1013 step %scan3A_1014 iter_args(%scan3A_1019 = %scan3A_1010) -> (i32)  : i32 {
          %mul3A_1020 = arith.constant 16 : i32
          %mul3A_1021 = arith.muli %scan3A_1018, %mul3A_1020 : i32
          %get3A_1022 = arith.constant 0 : i32
          %get3A_1023 = arith.index_cast %get3A_1022 : i32 to index
          %get3A_1024 = arith.index_cast %scan3A_1003 : i32 to index
          %get3A_1025 = arith.index_cast %mul3A_1021 : i32 to index
          %get3A_1026 = tpu.vector_load %arg9[%get3A_1023, %get3A_1024, %get3A_1025] {strides = array<i32>} : memref<5x16x1024xf32, #tpu.memory_space<vmem>>, vector<1x1x16xf32>,
          %get3A_1027 = vector.shape_cast %get3A_1026 : vector<1x1x16xf32> to vector<16xf32>
          %mul3A_1028 = arith.mulf %get3A_1027, %get3A_1009 : vector<16xf32>
          %swap3A = arith.constant 0 : i32
          %swap3A_1029 = arith.index_cast %swap3A : i32 to index
          %swap3A_1030 = arith.index_cast %scan3A_1003 : i32 to index
          %swap3A_1031 = arith.index_cast %mul3A_1021 : i32 to index
          %swap3A_1032 = tpu.vector_load %arg9[%swap3A_1029, %swap3A_1030, %swap3A_1031] {strides = array<i32>} : memref<5x16x1024xf32, #tpu.memory_space<vmem>>, vector<1x1x16xf32>,
          %swap3A_1033 = vector.shape_cast %swap3A_1032 : vector<1x1x16xf32> to vector<16xf32>
          %swap3A_1034 = vector.shape_cast %mul3A_1028 : vector<16xf32> to vector<1x1x16xf32>
          tpu.vector_store %arg9[%swap3A_1029, %swap3A_1030, %swap3A_1031], %swap3A_1034 {strides = array<i32>} : memref<5x16x1024xf32, #tpu.memory_space<vmem>>, vector<1x1x16xf32>,
          %scan3A_1035 = arith.constant 0 : i32
          scf.yield %scan3A_1035 : i32
        }
        %scan3A_1016 = arith.constant 64 : i32
        %scan3A_1017 = arith.constant 0 : i32
        scf.yield %scan3A_1017 : i32
      }
      %scan3A_1002 = arith.constant 16 : i32
    } else {
    }
    %add3A_690 = arith.constant 160 : i32
    %add3A_691 = arith.addi %mul3A_32, %add3A_690 : i32
    %dma_start3A_692 = arith.constant 0 : i32
    %dma_start3A_693 = arith.constant 0 : i32
    %dma_start3A_694 = arith.constant 0 : i32
    %dma_start3A_695 = tpu.memref_slice %arg9[%dma_start3A_692, %dma_start3A_693, %dma_start3A_694] : memref<5x16x1024xf32, #tpu.memory_space<vmem>> -> memref<1x16x1024xf32, #tpu.memory_space<vmem>>
    %dma_start3A_696 = tpu.memref_squeeze %dma_start3A_695 : memref<1x16x1024xf32, #tpu.memory_space<vmem>> -> memref<16x1024xf32, #tpu.memory_space<vmem>>
    %dma_start3A_697 = arith.constant 0 : i32
    %dma_start3A_698 = tpu.memref_slice %arg5[%select_n3A, %add3A_691, %dma_start3A_697] : memref<4x2048x1024xf32, #tpu.memory_space<hbm>> -> memref<1x16x1024xf32, #tpu.memory_space<hbm>>
    %dma_start3A_699 = tpu.memref_squeeze %dma_start3A_698 : memref<1x16x1024xf32, #tpu.memory_space<hbm>> -> memref<16x1024xf32, #tpu.memory_space<hbm>>
    %dma_start3A_700 = arith.constant 0 : i32
    %dma_start3A_701 = tpu.memref_slice %arg5[%select_n3A, %add3A_691, %dma_start3A_700] : memref<4x2048x1024xf32, #tpu.memory_space<hbm>> -> memref<1x16x1024xf32, #tpu.memory_space<hbm>>
    %dma_start3A_702 = tpu.memref_squeeze %dma_start3A_701 : memref<1x16x1024xf32, #tpu.memory_space<hbm>> -> memref<16x1024xf32, #tpu.memory_space<hbm>>
    %dma_start3A_703 = arith.constant 0 : i32
    %dma_start3A_704 = arith.constant 0 : i32
    %dma_start3A_705 = tpu.memref_slice %arg9[%dma_start3A_692, %dma_start3A_703, %dma_start3A_704] : memref<5x16x1024xf32, #tpu.memory_space<vmem>> -> memref<1x16x1024xf32, #tpu.memory_space<vmem>>
    %dma_start3A_706 = tpu.memref_squeeze %dma_start3A_705 : memref<1x16x1024xf32, #tpu.memory_space<vmem>> -> memref<16x1024xf32, #tpu.memory_space<vmem>>
    tpu.enqueue_dma source(%dma_start3A_706 : memref<16x1024xf32, #tpu.memory_space<vmem>>) target(%dma_start3A_702 : memref<16x1024xf32, #tpu.memory_space<hbm>>) target_semaphore(%arg15 : memref<!tpu.dma_semaphore, #tpu.memory_space<semaphore_mem>>)
    %add3A_707 = arith.constant 144 : i32
    %add3A_708 = arith.addi %mul3A_32, %add3A_707 : i32
    %dma_wait3A_709 = arith.constant 4 : i32
    %dma_wait3A_710 = arith.constant 0 : i32
    %dma_wait3A_711 = arith.constant 0 : i32
    %dma_wait3A_712 = tpu.memref_slice %arg9[%dma_wait3A_709, %dma_wait3A_710, %dma_wait3A_711] : memref<5x16x1024xf32, #tpu.memory_space<vmem>> -> memref<1x16x1024xf32, #tpu.memory_space<vmem>>
    %dma_wait3A_713 = tpu.memref_squeeze %dma_wait3A_712 : memref<1x16x1024xf32, #tpu.memory_space<vmem>> -> memref<16x1024xf32, #tpu.memory_space<vmem>>
    %dma_wait3A_714 = arith.constant 0 : i32
    %dma_wait3A_715 = tpu.memref_slice %arg5[%select_n3A, %add3A_708, %dma_wait3A_714] : memref<4x2048x1024xf32, #tpu.memory_space<hbm>> -> memref<1x16x1024xf32, #tpu.memory_space<hbm>>
    %dma_wait3A_716 = tpu.memref_squeeze %dma_wait3A_715 : memref<1x16x1024xf32, #tpu.memory_space<hbm>> -> memref<16x1024xf32, #tpu.memory_space<hbm>>
    %dma_wait3A_717 = arith.constant 0 : i32
    %dma_wait3A_718 = tpu.memref_slice %arg5[%select_n3A, %add3A_708, %dma_wait3A_717] : memref<4x2048x1024xf32, #tpu.memory_space<hbm>> -> memref<1x16x1024xf32, #tpu.memory_space<hbm>>
    %dma_wait3A_719 = tpu.memref_squeeze %dma_wait3A_718 : memref<1x16x1024xf32, #tpu.memory_space<hbm>> -> memref<16x1024xf32, #tpu.memory_space<hbm>>
    %dma_wait3A_720 = arith.constant 0 : i32
    %dma_wait3A_721 = arith.constant 0 : i32
    %dma_wait3A_722 = tpu.memref_slice %arg9[%dma_wait3A_709, %dma_wait3A_720, %dma_wait3A_721] : memref<5x16x1024xf32, #tpu.memory_space<vmem>> -> memref<1x16x1024xf32, #tpu.memory_space<vmem>>
    %dma_wait3A_723 = tpu.memref_squeeze %dma_wait3A_722 : memref<1x16x1024xf32, #tpu.memory_space<vmem>> -> memref<16x1024xf32, #tpu.memory_space<vmem>>
    tpu.wait_dma2 semaphore(%arg19 : memref<!tpu.dma_semaphore, #tpu.memory_space<semaphore_mem>>) src(%dma_wait3A_723 : memref<16x1024xf32, #tpu.memory_space<vmem>>) dst(%dma_wait3A_719 : memref<16x1024xf32, #tpu.memory_space<hbm>>)
    %dma_start3A_724 = arith.constant 4 : i32
    %dma_start3A_725 = arith.constant 0 : i32
    %dma_start3A_726 = arith.constant 0 : i32
    %dma_start3A_727 = tpu.memref_slice %arg9[%dma_start3A_724, %dma_start3A_725, %dma_start3A_726] : memref<5x16x1024xf32, #tpu.memory_space<vmem>> -> memref<1x16x1024xf32, #tpu.memory_space<vmem>>
    %dma_start3A_728 = tpu.memref_squeeze %dma_start3A_727 : memref<1x16x1024xf32, #tpu.memory_space<vmem>> -> memref<16x1024xf32, #tpu.memory_space<vmem>>
    %dma_start3A_729 = arith.constant 224 : i32
    %dma_start3A_730 = tpu.memref_slice %arg6[%dma_start3A_729] : memref<256xi32, #tpu.memory_space<vmem>> -> memref<16xi32, #tpu.memory_space<vmem>>
    %dma_start3A_731 = arith.constant 0 : i32
    %dma_start3A_732 = arith.constant 0 : i32
    %dma_start3A_733 = tpu.memref_slice %arg4[%dma_start3A_731, %dma_start3A_732] : memref<151936x1024xf32, #tpu.memory_space<hbm>> -> memref<151936x1024xf32, #tpu.memory_space<hbm>>
    tpu.enqueue_indirect_dma source(%dma_start3A_733 : memref<151936x1024xf32, #tpu.memory_space<hbm>>) target(%dma_start3A_728 : memref<16x1024xf32, #tpu.memory_space<vmem>>) offsets(%dma_start3A_730 : memref<16xi32, #tpu.memory_space<vmem>>) semaphore(%arg14 : memref<!tpu.dma_semaphore, #tpu.memory_space<semaphore_mem>>)
    %dma_wait3A_734 = arith.constant 1 : i32
    %dma_wait3A_735 = arith.constant 0 : i32
    %dma_wait3A_736 = arith.constant 0 : i32
    %dma_wait3A_737 = tpu.memref_slice %arg9[%dma_wait3A_734, %dma_wait3A_735, %dma_wait3A_736] : memref<5x16x1024xf32, #tpu.memory_space<vmem>> -> memref<1x16x1024xf32, #tpu.memory_space<vmem>>
    %dma_wait3A_738 = tpu.memref_squeeze %dma_wait3A_737 : memref<1x16x1024xf32, #tpu.memory_space<vmem>> -> memref<16x1024xf32, #tpu.memory_space<vmem>>
    %dma_wait3A_739 = arith.constant 176 : i32
    %dma_wait3A_740 = tpu.memref_slice %arg6[%dma_wait3A_739] : memref<256xi32, #tpu.memory_space<vmem>> -> memref<16xi32, #tpu.memory_space<vmem>>
    %dma_wait3A_741 = arith.constant 0 : i32
    %dma_wait3A_742 = arith.constant 0 : i32
    %dma_wait3A_743 = tpu.memref_slice %arg4[%dma_wait3A_741, %dma_wait3A_742] : memref<151936x1024xf32, #tpu.memory_space<hbm>> -> memref<151936x1024xf32, #tpu.memory_space<hbm>>
    tpu.wait_indirect_dma semaphore(%arg11 : memref<!tpu.dma_semaphore, #tpu.memory_space<semaphore_mem>>) src(%dma_wait3A_743 : memref<151936x1024xf32, #tpu.memory_space<hbm>>) dst(%dma_wait3A_738 : memref<16x1024xf32, #tpu.memory_space<vmem>>)
    %convert_element_type3A_744 = arith.extui %ne3A_133 : i1 to i32
    %cond3A_745 = arith.constant 0 : i32
    %cond3A_746 = arith.cmpi ne, %convert_element_type3A_744, %cond3A_745 : i32
    scf.if %cond3A_746 {
      %scan3A_996 = arith.constant 0 : i32
      %scan3A_997 = arith.constant 0 : i32
      %scan3A_998 = arith.constant 16 : i32
      %scan3A_999 = arith.addi %scan3A_997, %scan3A_998 : i32
      %scan3A_1000 = arith.constant 1 : i32
      %scan3A_1001 = scf.for %scan3A_1003 = %scan3A_997 to %scan3A_999 step %scan3A_1000 iter_args(%scan3A_1004 = %scan3A_996) -> (i32)  : i32 {
        %add3A_1005 = arith.constant 176 : i32
        %add3A_1006 = arith.addi %add3A_1005, %scan3A_1003 : i32
        %get3A = arith.index_cast %add3A_1006 : i32 to index
        %get3A_1007 = arith.constant 0 : index
        %get3A_1008 = tpu.vector_load %arg8[%get3A, %get3A_1007] {strides = array<i32>} : memref<256x16xf32, #tpu.memory_space<vmem>>, vector<1x16xf32>,
        %get3A_1009 = vector.shape_cast %get3A_1008 : vector<1x16xf32> to vector<16xf32>
        %scan3A_1010 = arith.constant 0 : i32
        %scan3A_1011 = arith.constant 0 : i32
        %scan3A_1012 = arith.constant 64 : i32
        %scan3A_1013 = arith.addi %scan3A_1011, %scan3A_1012 : i32
        %scan3A_1014 = arith.constant 1 : i32
        %scan3A_1015 = scf.for %scan3A_1018 = %scan3A_1011 to %scan3A_1013 step %scan3A_1014 iter_args(%scan3A_1019 = %scan3A_1010) -> (i32)  : i32 {
          %mul3A_1020 = arith.constant 16 : i32
          %mul3A_1021 = arith.muli %scan3A_1018, %mul3A_1020 : i32
          %get3A_1022 = arith.constant 1 : i32
          %get3A_1023 = arith.index_cast %get3A_1022 : i32 to index
          %get3A_1024 = arith.index_cast %scan3A_1003 : i32 to index
          %get3A_1025 = arith.index_cast %mul3A_1021 : i32 to index
          %get3A_1026 = tpu.vector_load %arg9[%get3A_1023, %get3A_1024, %get3A_1025] {strides = array<i32>} : memref<5x16x1024xf32, #tpu.memory_space<vmem>>, vector<1x1x16xf32>,
          %get3A_1027 = vector.shape_cast %get3A_1026 : vector<1x1x16xf32> to vector<16xf32>
          %mul3A_1028 = arith.mulf %get3A_1027, %get3A_1009 : vector<16xf32>
          %swap3A = arith.constant 1 : i32
          %swap3A_1029 = arith.index_cast %swap3A : i32 to index
          %swap3A_1030 = arith.index_cast %scan3A_1003 : i32 to index
          %swap3A_1031 = arith.index_cast %mul3A_1021 : i32 to index
          %swap3A_1032 = tpu.vector_load %arg9[%swap3A_1029, %swap3A_1030, %swap3A_1031] {strides = array<i32>} : memref<5x16x1024xf32, #tpu.memory_space<vmem>>, vector<1x1x16xf32>,
          %swap3A_1033 = vector.shape_cast %swap3A_1032 : vector<1x1x16xf32> to vector<16xf32>
          %swap3A_1034 = vector.shape_cast %mul3A_1028 : vector<16xf32> to vector<1x1x16xf32>
          tpu.vector_store %arg9[%swap3A_1029, %swap3A_1030, %swap3A_1031], %swap3A_1034 {strides = array<i32>} : memref<5x16x1024xf32, #tpu.memory_space<vmem>>, vector<1x1x16xf32>,
          %scan3A_1035 = arith.constant 0 : i32
          scf.yield %scan3A_1035 : i32
        }
        %scan3A_1016 = arith.constant 64 : i32
        %scan3A_1017 = arith.constant 0 : i32
        scf.yield %scan3A_1017 : i32
      }
      %scan3A_1002 = arith.constant 16 : i32
    } else {
    }
    %add3A_747 = arith.constant 176 : i32
    %add3A_748 = arith.addi %mul3A_32, %add3A_747 : i32
    %dma_start3A_749 = arith.constant 1 : i32
    %dma_start3A_750 = arith.constant 0 : i32
    %dma_start3A_751 = arith.constant 0 : i32
    %dma_start3A_752 = tpu.memref_slice %arg9[%dma_start3A_749, %dma_start3A_750, %dma_start3A_751] : memref<5x16x1024xf32, #tpu.memory_space<vmem>> -> memref<1x16x1024xf32, #tpu.memory_space<vmem>>
    %dma_start3A_753 = tpu.memref_squeeze %dma_start3A_752 : memref<1x16x1024xf32, #tpu.memory_space<vmem>> -> memref<16x1024xf32, #tpu.memory_space<vmem>>
    %dma_start3A_754 = arith.constant 0 : i32
    %dma_start3A_755 = tpu.memref_slice %arg5[%select_n3A, %add3A_748, %dma_start3A_754] : memref<4x2048x1024xf32, #tpu.memory_space<hbm>> -> memref<1x16x1024xf32, #tpu.memory_space<hbm>>
    %dma_start3A_756 = tpu.memref_squeeze %dma_start3A_755 : memref<1x16x1024xf32, #tpu.memory_space<hbm>> -> memref<16x1024xf32, #tpu.memory_space<hbm>>
    %dma_start3A_757 = arith.constant 0 : i32
    %dma_start3A_758 = tpu.memref_slice %arg5[%select_n3A, %add3A_748, %dma_start3A_757] : memref<4x2048x1024xf32, #tpu.memory_space<hbm>> -> memref<1x16x1024xf32, #tpu.memory_space<hbm>>
    %dma_start3A_759 = tpu.memref_squeeze %dma_start3A_758 : memref<1x16x1024xf32, #tpu.memory_space<hbm>> -> memref<16x1024xf32, #tpu.memory_space<hbm>>
    %dma_start3A_760 = arith.constant 0 : i32
    %dma_start3A_761 = arith.constant 0 : i32
    %dma_start3A_762 = tpu.memref_slice %arg9[%dma_start3A_749, %dma_start3A_760, %dma_start3A_761] : memref<5x16x1024xf32, #tpu.memory_space<vmem>> -> memref<1x16x1024xf32, #tpu.memory_space<vmem>>
    %dma_start3A_763 = tpu.memref_squeeze %dma_start3A_762 : memref<1x16x1024xf32, #tpu.memory_space<vmem>> -> memref<16x1024xf32, #tpu.memory_space<vmem>>
    tpu.enqueue_dma source(%dma_start3A_763 : memref<16x1024xf32, #tpu.memory_space<vmem>>) target(%dma_start3A_759 : memref<16x1024xf32, #tpu.memory_space<hbm>>) target_semaphore(%arg16 : memref<!tpu.dma_semaphore, #tpu.memory_space<semaphore_mem>>)
    %add3A_764 = arith.constant 160 : i32
    %add3A_765 = arith.addi %mul3A_32, %add3A_764 : i32
    %dma_wait3A_766 = arith.constant 0 : i32
    %dma_wait3A_767 = arith.constant 0 : i32
    %dma_wait3A_768 = arith.constant 0 : i32
    %dma_wait3A_769 = tpu.memref_slice %arg9[%dma_wait3A_766, %dma_wait3A_767, %dma_wait3A_768] : memref<5x16x1024xf32, #tpu.memory_space<vmem>> -> memref<1x16x1024xf32, #tpu.memory_space<vmem>>
    %dma_wait3A_770 = tpu.memref_squeeze %dma_wait3A_769 : memref<1x16x1024xf32, #tpu.memory_space<vmem>> -> memref<16x1024xf32, #tpu.memory_space<vmem>>
    %dma_wait3A_771 = arith.constant 0 : i32
    %dma_wait3A_772 = tpu.memref_slice %arg5[%select_n3A, %add3A_765, %dma_wait3A_771] : memref<4x2048x1024xf32, #tpu.memory_space<hbm>> -> memref<1x16x1024xf32, #tpu.memory_space<hbm>>
    %dma_wait3A_773 = tpu.memref_squeeze %dma_wait3A_772 : memref<1x16x1024xf32, #tpu.memory_space<hbm>> -> memref<16x1024xf32, #tpu.memory_space<hbm>>
    %dma_wait3A_774 = arith.constant 0 : i32
    %dma_wait3A_775 = tpu.memref_slice %arg5[%select_n3A, %add3A_765, %dma_wait3A_774] : memref<4x2048x1024xf32, #tpu.memory_space<hbm>> -> memref<1x16x1024xf32, #tpu.memory_space<hbm>>
    %dma_wait3A_776 = tpu.memref_squeeze %dma_wait3A_775 : memref<1x16x1024xf32, #tpu.memory_space<hbm>> -> memref<16x1024xf32, #tpu.memory_space<hbm>>
    %dma_wait3A_777 = arith.constant 0 : i32
    %dma_wait3A_778 = arith.constant 0 : i32
    %dma_wait3A_779 = tpu.memref_slice %arg9[%dma_wait3A_766, %dma_wait3A_777, %dma_wait3A_778] : memref<5x16x1024xf32, #tpu.memory_space<vmem>> -> memref<1x16x1024xf32, #tpu.memory_space<vmem>>
    %dma_wait3A_780 = tpu.memref_squeeze %dma_wait3A_779 : memref<1x16x1024xf32, #tpu.memory_space<vmem>> -> memref<16x1024xf32, #tpu.memory_space<vmem>>
    tpu.wait_dma2 semaphore(%arg15 : memref<!tpu.dma_semaphore, #tpu.memory_space<semaphore_mem>>) src(%dma_wait3A_780 : memref<16x1024xf32, #tpu.memory_space<vmem>>) dst(%dma_wait3A_776 : memref<16x1024xf32, #tpu.memory_space<hbm>>)
    %dma_start3A_781 = arith.constant 0 : i32
    %dma_start3A_782 = arith.constant 0 : i32
    %dma_start3A_783 = arith.constant 0 : i32
    %dma_start3A_784 = tpu.memref_slice %arg9[%dma_start3A_781, %dma_start3A_782, %dma_start3A_783] : memref<5x16x1024xf32, #tpu.memory_space<vmem>> -> memref<1x16x1024xf32, #tpu.memory_space<vmem>>
    %dma_start3A_785 = tpu.memref_squeeze %dma_start3A_784 : memref<1x16x1024xf32, #tpu.memory_space<vmem>> -> memref<16x1024xf32, #tpu.memory_space<vmem>>
    %dma_start3A_786 = arith.constant 240 : i32
    %dma_start3A_787 = tpu.memref_slice %arg6[%dma_start3A_786] : memref<256xi32, #tpu.memory_space<vmem>> -> memref<16xi32, #tpu.memory_space<vmem>>
    %dma_start3A_788 = arith.constant 0 : i32
    %dma_start3A_789 = arith.constant 0 : i32
    %dma_start3A_790 = tpu.memref_slice %arg4[%dma_start3A_788, %dma_start3A_789] : memref<151936x1024xf32, #tpu.memory_space<hbm>> -> memref<151936x1024xf32, #tpu.memory_space<hbm>>
    tpu.enqueue_indirect_dma source(%dma_start3A_790 : memref<151936x1024xf32, #tpu.memory_space<hbm>>) target(%dma_start3A_785 : memref<16x1024xf32, #tpu.memory_space<vmem>>) offsets(%dma_start3A_787 : memref<16xi32, #tpu.memory_space<vmem>>) semaphore(%arg10 : memref<!tpu.dma_semaphore, #tpu.memory_space<semaphore_mem>>)
    %dma_wait3A_791 = arith.constant 2 : i32
    %dma_wait3A_792 = arith.constant 0 : i32
    %dma_wait3A_793 = arith.constant 0 : i32
    %dma_wait3A_794 = tpu.memref_slice %arg9[%dma_wait3A_791, %dma_wait3A_792, %dma_wait3A_793] : memref<5x16x1024xf32, #tpu.memory_space<vmem>> -> memref<1x16x1024xf32, #tpu.memory_space<vmem>>
    %dma_wait3A_795 = tpu.memref_squeeze %dma_wait3A_794 : memref<1x16x1024xf32, #tpu.memory_space<vmem>> -> memref<16x1024xf32, #tpu.memory_space<vmem>>
    %dma_wait3A_796 = arith.constant 192 : i32
    %dma_wait3A_797 = tpu.memref_slice %arg6[%dma_wait3A_796] : memref<256xi32, #tpu.memory_space<vmem>> -> memref<16xi32, #tpu.memory_space<vmem>>
    %dma_wait3A_798 = arith.constant 0 : i32
    %dma_wait3A_799 = arith.constant 0 : i32
    %dma_wait3A_800 = tpu.memref_slice %arg4[%dma_wait3A_798, %dma_wait3A_799] : memref<151936x1024xf32, #tpu.memory_space<hbm>> -> memref<151936x1024xf32, #tpu.memory_space<hbm>>
    tpu.wait_indirect_dma semaphore(%arg12 : memref<!tpu.dma_semaphore, #tpu.memory_space<semaphore_mem>>) src(%dma_wait3A_800 : memref<151936x1024xf32, #tpu.memory_space<hbm>>) dst(%dma_wait3A_795 : memref<16x1024xf32, #tpu.memory_space<vmem>>)
    %convert_element_type3A_801 = arith.extui %ne3A_133 : i1 to i32
    %cond3A_802 = arith.constant 0 : i32
    %cond3A_803 = arith.cmpi ne, %convert_element_type3A_801, %cond3A_802 : i32
    scf.if %cond3A_803 {
      %scan3A_996 = arith.constant 0 : i32
      %scan3A_997 = arith.constant 0 : i32
      %scan3A_998 = arith.constant 16 : i32
      %scan3A_999 = arith.addi %scan3A_997, %scan3A_998 : i32
      %scan3A_1000 = arith.constant 1 : i32
      %scan3A_1001 = scf.for %scan3A_1003 = %scan3A_997 to %scan3A_999 step %scan3A_1000 iter_args(%scan3A_1004 = %scan3A_996) -> (i32)  : i32 {
        %add3A_1005 = arith.constant 192 : i32
        %add3A_1006 = arith.addi %add3A_1005, %scan3A_1003 : i32
        %get3A = arith.index_cast %add3A_1006 : i32 to index
        %get3A_1007 = arith.constant 0 : index
        %get3A_1008 = tpu.vector_load %arg8[%get3A, %get3A_1007] {strides = array<i32>} : memref<256x16xf32, #tpu.memory_space<vmem>>, vector<1x16xf32>,
        %get3A_1009 = vector.shape_cast %get3A_1008 : vector<1x16xf32> to vector<16xf32>
        %scan3A_1010 = arith.constant 0 : i32
        %scan3A_1011 = arith.constant 0 : i32
        %scan3A_1012 = arith.constant 64 : i32
        %scan3A_1013 = arith.addi %scan3A_1011, %scan3A_1012 : i32
        %scan3A_1014 = arith.constant 1 : i32
        %scan3A_1015 = scf.for %scan3A_1018 = %scan3A_1011 to %scan3A_1013 step %scan3A_1014 iter_args(%scan3A_1019 = %scan3A_1010) -> (i32)  : i32 {
          %mul3A_1020 = arith.constant 16 : i32
          %mul3A_1021 = arith.muli %scan3A_1018, %mul3A_1020 : i32
          %get3A_1022 = arith.constant 2 : i32
          %get3A_1023 = arith.index_cast %get3A_1022 : i32 to index
          %get3A_1024 = arith.index_cast %scan3A_1003 : i32 to index
          %get3A_1025 = arith.index_cast %mul3A_1021 : i32 to index
          %get3A_1026 = tpu.vector_load %arg9[%get3A_1023, %get3A_1024, %get3A_1025] {strides = array<i32>} : memref<5x16x1024xf32, #tpu.memory_space<vmem>>, vector<1x1x16xf32>,
          %get3A_1027 = vector.shape_cast %get3A_1026 : vector<1x1x16xf32> to vector<16xf32>
          %mul3A_1028 = arith.mulf %get3A_1027, %get3A_1009 : vector<16xf32>
          %swap3A = arith.constant 2 : i32
          %swap3A_1029 = arith.index_cast %swap3A : i32 to index
          %swap3A_1030 = arith.index_cast %scan3A_1003 : i32 to index
          %swap3A_1031 = arith.index_cast %mul3A_1021 : i32 to index
          %swap3A_1032 = tpu.vector_load %arg9[%swap3A_1029, %swap3A_1030, %swap3A_1031] {strides = array<i32>} : memref<5x16x1024xf32, #tpu.memory_space<vmem>>, vector<1x1x16xf32>,
          %swap3A_1033 = vector.shape_cast %swap3A_1032 : vector<1x1x16xf32> to vector<16xf32>
          %swap3A_1034 = vector.shape_cast %mul3A_1028 : vector<16xf32> to vector<1x1x16xf32>
          tpu.vector_store %arg9[%swap3A_1029, %swap3A_1030, %swap3A_1031], %swap3A_1034 {strides = array<i32>} : memref<5x16x1024xf32, #tpu.memory_space<vmem>>, vector<1x1x16xf32>,
          %scan3A_1035 = arith.constant 0 : i32
          scf.yield %scan3A_1035 : i32
        }
        %scan3A_1016 = arith.constant 64 : i32
        %scan3A_1017 = arith.constant 0 : i32
        scf.yield %scan3A_1017 : i32
      }
      %scan3A_1002 = arith.constant 16 : i32
    } else {
    }
    %add3A_804 = arith.constant 192 : i32
    %add3A_805 = arith.addi %mul3A_32, %add3A_804 : i32
    %dma_start3A_806 = arith.constant 2 : i32
    %dma_start3A_807 = arith.constant 0 : i32
    %dma_start3A_808 = arith.constant 0 : i32
    %dma_start3A_809 = tpu.memref_slice %arg9[%dma_start3A_806, %dma_start3A_807, %dma_start3A_808] : memref<5x16x1024xf32, #tpu.memory_space<vmem>> -> memref<1x16x1024xf32, #tpu.memory_space<vmem>>
    %dma_start3A_810 = tpu.memref_squeeze %dma_start3A_809 : memref<1x16x1024xf32, #tpu.memory_space<vmem>> -> memref<16x1024xf32, #tpu.memory_space<vmem>>
    %dma_start3A_811 = arith.constant 0 : i32
    %dma_start3A_812 = tpu.memref_slice %arg5[%select_n3A, %add3A_805, %dma_start3A_811] : memref<4x2048x1024xf32, #tpu.memory_space<hbm>> -> memref<1x16x1024xf32, #tpu.memory_space<hbm>>
    %dma_start3A_813 = tpu.memref_squeeze %dma_start3A_812 : memref<1x16x1024xf32, #tpu.memory_space<hbm>> -> memref<16x1024xf32, #tpu.memory_space<hbm>>
    %dma_start3A_814 = arith.constant 0 : i32
    %dma_start3A_815 = tpu.memref_slice %arg5[%select_n3A, %add3A_805, %dma_start3A_814] : memref<4x2048x1024xf32, #tpu.memory_space<hbm>> -> memref<1x16x1024xf32, #tpu.memory_space<hbm>>
    %dma_start3A_816 = tpu.memref_squeeze %dma_start3A_815 : memref<1x16x1024xf32, #tpu.memory_space<hbm>> -> memref<16x1024xf32, #tpu.memory_space<hbm>>
    %dma_start3A_817 = arith.constant 0 : i32
    %dma_start3A_818 = arith.constant 0 : i32
    %dma_start3A_819 = tpu.memref_slice %arg9[%dma_start3A_806, %dma_start3A_817, %dma_start3A_818] : memref<5x16x1024xf32, #tpu.memory_space<vmem>> -> memref<1x16x1024xf32, #tpu.memory_space<vmem>>
    %dma_start3A_820 = tpu.memref_squeeze %dma_start3A_819 : memref<1x16x1024xf32, #tpu.memory_space<vmem>> -> memref<16x1024xf32, #tpu.memory_space<vmem>>
    tpu.enqueue_dma source(%dma_start3A_820 : memref<16x1024xf32, #tpu.memory_space<vmem>>) target(%dma_start3A_816 : memref<16x1024xf32, #tpu.memory_space<hbm>>) target_semaphore(%arg17 : memref<!tpu.dma_semaphore, #tpu.memory_space<semaphore_mem>>)
    %dma_wait3A_821 = arith.constant 3 : i32
    %dma_wait3A_822 = arith.constant 0 : i32
    %dma_wait3A_823 = arith.constant 0 : i32
    %dma_wait3A_824 = tpu.memref_slice %arg9[%dma_wait3A_821, %dma_wait3A_822, %dma_wait3A_823] : memref<5x16x1024xf32, #tpu.memory_space<vmem>> -> memref<1x16x1024xf32, #tpu.memory_space<vmem>>
    %dma_wait3A_825 = tpu.memref_squeeze %dma_wait3A_824 : memref<1x16x1024xf32, #tpu.memory_space<vmem>> -> memref<16x1024xf32, #tpu.memory_space<vmem>>
    %dma_wait3A_826 = arith.constant 208 : i32
    %dma_wait3A_827 = tpu.memref_slice %arg6[%dma_wait3A_826] : memref<256xi32, #tpu.memory_space<vmem>> -> memref<16xi32, #tpu.memory_space<vmem>>
    %dma_wait3A_828 = arith.constant 0 : i32
    %dma_wait3A_829 = arith.constant 0 : i32
    %dma_wait3A_830 = tpu.memref_slice %arg4[%dma_wait3A_828, %dma_wait3A_829] : memref<151936x1024xf32, #tpu.memory_space<hbm>> -> memref<151936x1024xf32, #tpu.memory_space<hbm>>
    tpu.wait_indirect_dma semaphore(%arg13 : memref<!tpu.dma_semaphore, #tpu.memory_space<semaphore_mem>>) src(%dma_wait3A_830 : memref<151936x1024xf32, #tpu.memory_space<hbm>>) dst(%dma_wait3A_825 : memref<16x1024xf32, #tpu.memory_space<vmem>>)
    %convert_element_type3A_831 = arith.extui %ne3A_133 : i1 to i32
    %cond3A_832 = arith.constant 0 : i32
    %cond3A_833 = arith.cmpi ne, %convert_element_type3A_831, %cond3A_832 : i32
    scf.if %cond3A_833 {
      %scan3A_996 = arith.constant 0 : i32
      %scan3A_997 = arith.constant 0 : i32
      %scan3A_998 = arith.constant 16 : i32
      %scan3A_999 = arith.addi %scan3A_997, %scan3A_998 : i32
      %scan3A_1000 = arith.constant 1 : i32
      %scan3A_1001 = scf.for %scan3A_1003 = %scan3A_997 to %scan3A_999 step %scan3A_1000 iter_args(%scan3A_1004 = %scan3A_996) -> (i32)  : i32 {
        %add3A_1005 = arith.constant 208 : i32
        %add3A_1006 = arith.addi %add3A_1005, %scan3A_1003 : i32
        %get3A = arith.index_cast %add3A_1006 : i32 to index
        %get3A_1007 = arith.constant 0 : index
        %get3A_1008 = tpu.vector_load %arg8[%get3A, %get3A_1007] {strides = array<i32>} : memref<256x16xf32, #tpu.memory_space<vmem>>, vector<1x16xf32>,
        %get3A_1009 = vector.shape_cast %get3A_1008 : vector<1x16xf32> to vector<16xf32>
        %scan3A_1010 = arith.constant 0 : i32
        %scan3A_1011 = arith.constant 0 : i32
        %scan3A_1012 = arith.constant 64 : i32
        %scan3A_1013 = arith.addi %scan3A_1011, %scan3A_1012 : i32
        %scan3A_1014 = arith.constant 1 : i32
        %scan3A_1015 = scf.for %scan3A_1018 = %scan3A_1011 to %scan3A_1013 step %scan3A_1014 iter_args(%scan3A_1019 = %scan3A_1010) -> (i32)  : i32 {
          %mul3A_1020 = arith.constant 16 : i32
          %mul3A_1021 = arith.muli %scan3A_1018, %mul3A_1020 : i32
          %get3A_1022 = arith.constant 3 : i32
          %get3A_1023 = arith.index_cast %get3A_1022 : i32 to index
          %get3A_1024 = arith.index_cast %scan3A_1003 : i32 to index
          %get3A_1025 = arith.index_cast %mul3A_1021 : i32 to index
          %get3A_1026 = tpu.vector_load %arg9[%get3A_1023, %get3A_1024, %get3A_1025] {strides = array<i32>} : memref<5x16x1024xf32, #tpu.memory_space<vmem>>, vector<1x1x16xf32>,
          %get3A_1027 = vector.shape_cast %get3A_1026 : vector<1x1x16xf32> to vector<16xf32>
          %mul3A_1028 = arith.mulf %get3A_1027, %get3A_1009 : vector<16xf32>
          %swap3A = arith.constant 3 : i32
          %swap3A_1029 = arith.index_cast %swap3A : i32 to index
          %swap3A_1030 = arith.index_cast %scan3A_1003 : i32 to index
          %swap3A_1031 = arith.index_cast %mul3A_1021 : i32 to index
          %swap3A_1032 = tpu.vector_load %arg9[%swap3A_1029, %swap3A_1030, %swap3A_1031] {strides = array<i32>} : memref<5x16x1024xf32, #tpu.memory_space<vmem>>, vector<1x1x16xf32>,
          %swap3A_1033 = vector.shape_cast %swap3A_1032 : vector<1x1x16xf32> to vector<16xf32>
          %swap3A_1034 = vector.shape_cast %mul3A_1028 : vector<16xf32> to vector<1x1x16xf32>
          tpu.vector_store %arg9[%swap3A_1029, %swap3A_1030, %swap3A_1031], %swap3A_1034 {strides = array<i32>} : memref<5x16x1024xf32, #tpu.memory_space<vmem>>, vector<1x1x16xf32>,
          %scan3A_1035 = arith.constant 0 : i32
          scf.yield %scan3A_1035 : i32
        }
        %scan3A_1016 = arith.constant 64 : i32
        %scan3A_1017 = arith.constant 0 : i32
        scf.yield %scan3A_1017 : i32
      }
      %scan3A_1002 = arith.constant 16 : i32
    } else {
    }
    %add3A_834 = arith.constant 208 : i32
    %add3A_835 = arith.addi %mul3A_32, %add3A_834 : i32
    %dma_start3A_836 = arith.constant 3 : i32
    %dma_start3A_837 = arith.constant 0 : i32
    %dma_start3A_838 = arith.constant 0 : i32
    %dma_start3A_839 = tpu.memref_slice %arg9[%dma_start3A_836, %dma_start3A_837, %dma_start3A_838] : memref<5x16x1024xf32, #tpu.memory_space<vmem>> -> memref<1x16x1024xf32, #tpu.memory_space<vmem>>
    %dma_start3A_840 = tpu.memref_squeeze %dma_start3A_839 : memref<1x16x1024xf32, #tpu.memory_space<vmem>> -> memref<16x1024xf32, #tpu.memory_space<vmem>>
    %dma_start3A_841 = arith.constant 0 : i32
    %dma_start3A_842 = tpu.memref_slice %arg5[%select_n3A, %add3A_835, %dma_start3A_841] : memref<4x2048x1024xf32, #tpu.memory_space<hbm>> -> memref<1x16x1024xf32, #tpu.memory_space<hbm>>
    %dma_start3A_843 = tpu.memref_squeeze %dma_start3A_842 : memref<1x16x1024xf32, #tpu.memory_space<hbm>> -> memref<16x1024xf32, #tpu.memory_space<hbm>>
    %dma_start3A_844 = arith.constant 0 : i32
    %dma_start3A_845 = tpu.memref_slice %arg5[%select_n3A, %add3A_835, %dma_start3A_844] : memref<4x2048x1024xf32, #tpu.memory_space<hbm>> -> memref<1x16x1024xf32, #tpu.memory_space<hbm>>
    %dma_start3A_846 = tpu.memref_squeeze %dma_start3A_845 : memref<1x16x1024xf32, #tpu.memory_space<hbm>> -> memref<16x1024xf32, #tpu.memory_space<hbm>>
    %dma_start3A_847 = arith.constant 0 : i32
    %dma_start3A_848 = arith.constant 0 : i32
    %dma_start3A_849 = tpu.memref_slice %arg9[%dma_start3A_836, %dma_start3A_847, %dma_start3A_848] : memref<5x16x1024xf32, #tpu.memory_space<vmem>> -> memref<1x16x1024xf32, #tpu.memory_space<vmem>>
    %dma_start3A_850 = tpu.memref_squeeze %dma_start3A_849 : memref<1x16x1024xf32, #tpu.memory_space<vmem>> -> memref<16x1024xf32, #tpu.memory_space<vmem>>
    tpu.enqueue_dma source(%dma_start3A_850 : memref<16x1024xf32, #tpu.memory_space<vmem>>) target(%dma_start3A_846 : memref<16x1024xf32, #tpu.memory_space<hbm>>) target_semaphore(%arg18 : memref<!tpu.dma_semaphore, #tpu.memory_space<semaphore_mem>>)
    %dma_wait3A_851 = arith.constant 4 : i32
    %dma_wait3A_852 = arith.constant 0 : i32
    %dma_wait3A_853 = arith.constant 0 : i32
    %dma_wait3A_854 = tpu.memref_slice %arg9[%dma_wait3A_851, %dma_wait3A_852, %dma_wait3A_853] : memref<5x16x1024xf32, #tpu.memory_space<vmem>> -> memref<1x16x1024xf32, #tpu.memory_space<vmem>>
    %dma_wait3A_855 = tpu.memref_squeeze %dma_wait3A_854 : memref<1x16x1024xf32, #tpu.memory_space<vmem>> -> memref<16x1024xf32, #tpu.memory_space<vmem>>
    %dma_wait3A_856 = arith.constant 224 : i32
    %dma_wait3A_857 = tpu.memref_slice %arg6[%dma_wait3A_856] : memref<256xi32, #tpu.memory_space<vmem>> -> memref<16xi32, #tpu.memory_space<vmem>>
    %dma_wait3A_858 = arith.constant 0 : i32
    %dma_wait3A_859 = arith.constant 0 : i32
    %dma_wait3A_860 = tpu.memref_slice %arg4[%dma_wait3A_858, %dma_wait3A_859] : memref<151936x1024xf32, #tpu.memory_space<hbm>> -> memref<151936x1024xf32, #tpu.memory_space<hbm>>
    tpu.wait_indirect_dma semaphore(%arg14 : memref<!tpu.dma_semaphore, #tpu.memory_space<semaphore_mem>>) src(%dma_wait3A_860 : memref<151936x1024xf32, #tpu.memory_space<hbm>>) dst(%dma_wait3A_855 : memref<16x1024xf32, #tpu.memory_space<vmem>>)
    %convert_element_type3A_861 = arith.extui %ne3A_133 : i1 to i32
    %cond3A_862 = arith.constant 0 : i32
    %cond3A_863 = arith.cmpi ne, %convert_element_type3A_861, %cond3A_862 : i32
    scf.if %cond3A_863 {
      %scan3A_996 = arith.constant 0 : i32
      %scan3A_997 = arith.constant 0 : i32
      %scan3A_998 = arith.constant 16 : i32
      %scan3A_999 = arith.addi %scan3A_997, %scan3A_998 : i32
      %scan3A_1000 = arith.constant 1 : i32
      %scan3A_1001 = scf.for %scan3A_1003 = %scan3A_997 to %scan3A_999 step %scan3A_1000 iter_args(%scan3A_1004 = %scan3A_996) -> (i32)  : i32 {
        %add3A_1005 = arith.constant 224 : i32
        %add3A_1006 = arith.addi %add3A_1005, %scan3A_1003 : i32
        %get3A = arith.index_cast %add3A_1006 : i32 to index
        %get3A_1007 = arith.constant 0 : index
        %get3A_1008 = tpu.vector_load %arg8[%get3A, %get3A_1007] {strides = array<i32>} : memref<256x16xf32, #tpu.memory_space<vmem>>, vector<1x16xf32>,
        %get3A_1009 = vector.shape_cast %get3A_1008 : vector<1x16xf32> to vector<16xf32>
        %scan3A_1010 = arith.constant 0 : i32
        %scan3A_1011 = arith.constant 0 : i32
        %scan3A_1012 = arith.constant 64 : i32
        %scan3A_1013 = arith.addi %scan3A_1011, %scan3A_1012 : i32
        %scan3A_1014 = arith.constant 1 : i32
        %scan3A_1015 = scf.for %scan3A_1018 = %scan3A_1011 to %scan3A_1013 step %scan3A_1014 iter_args(%scan3A_1019 = %scan3A_1010) -> (i32)  : i32 {
          %mul3A_1020 = arith.constant 16 : i32
          %mul3A_1021 = arith.muli %scan3A_1018, %mul3A_1020 : i32
          %get3A_1022 = arith.constant 4 : i32
          %get3A_1023 = arith.index_cast %get3A_1022 : i32 to index
          %get3A_1024 = arith.index_cast %scan3A_1003 : i32 to index
          %get3A_1025 = arith.index_cast %mul3A_1021 : i32 to index
          %get3A_1026 = tpu.vector_load %arg9[%get3A_1023, %get3A_1024, %get3A_1025] {strides = array<i32>} : memref<5x16x1024xf32, #tpu.memory_space<vmem>>, vector<1x1x16xf32>,
          %get3A_1027 = vector.shape_cast %get3A_1026 : vector<1x1x16xf32> to vector<16xf32>
          %mul3A_1028 = arith.mulf %get3A_1027, %get3A_1009 : vector<16xf32>
          %swap3A = arith.constant 4 : i32
          %swap3A_1029 = arith.index_cast %swap3A : i32 to index
          %swap3A_1030 = arith.index_cast %scan3A_1003 : i32 to index
          %swap3A_1031 = arith.index_cast %mul3A_1021 : i32 to index
          %swap3A_1032 = tpu.vector_load %arg9[%swap3A_1029, %swap3A_1030, %swap3A_1031] {strides = array<i32>} : memref<5x16x1024xf32, #tpu.memory_space<vmem>>, vector<1x1x16xf32>,
          %swap3A_1033 = vector.shape_cast %swap3A_1032 : vector<1x1x16xf32> to vector<16xf32>
          %swap3A_1034 = vector.shape_cast %mul3A_1028 : vector<16xf32> to vector<1x1x16xf32>
          tpu.vector_store %arg9[%swap3A_1029, %swap3A_1030, %swap3A_1031], %swap3A_1034 {strides = array<i32>} : memref<5x16x1024xf32, #tpu.memory_space<vmem>>, vector<1x1x16xf32>,
          %scan3A_1035 = arith.constant 0 : i32
          scf.yield %scan3A_1035 : i32
        }
        %scan3A_1016 = arith.constant 64 : i32
        %scan3A_1017 = arith.constant 0 : i32
        scf.yield %scan3A_1017 : i32
      }
      %scan3A_1002 = arith.constant 16 : i32
    } else {
    }
    %add3A_864 = arith.constant 224 : i32
    %add3A_865 = arith.addi %mul3A_32, %add3A_864 : i32
    %dma_start3A_866 = arith.constant 4 : i32
    %dma_start3A_867 = arith.constant 0 : i32
    %dma_start3A_868 = arith.constant 0 : i32
    %dma_start3A_869 = tpu.memref_slice %arg9[%dma_start3A_866, %dma_start3A_867, %dma_start3A_868] : memref<5x16x1024xf32, #tpu.memory_space<vmem>> -> memref<1x16x1024xf32, #tpu.memory_space<vmem>>
    %dma_start3A_870 = tpu.memref_squeeze %dma_start3A_869 : memref<1x16x1024xf32, #tpu.memory_space<vmem>> -> memref<16x1024xf32, #tpu.memory_space<vmem>>
    %dma_start3A_871 = arith.constant 0 : i32
    %dma_start3A_872 = tpu.memref_slice %arg5[%select_n3A, %add3A_865, %dma_start3A_871] : memref<4x2048x1024xf32, #tpu.memory_space<hbm>> -> memref<1x16x1024xf32, #tpu.memory_space<hbm>>
    %dma_start3A_873 = tpu.memref_squeeze %dma_start3A_872 : memref<1x16x1024xf32, #tpu.memory_space<hbm>> -> memref<16x1024xf32, #tpu.memory_space<hbm>>
    %dma_start3A_874 = arith.constant 0 : i32
    %dma_start3A_875 = tpu.memref_slice %arg5[%select_n3A, %add3A_865, %dma_start3A_874] : memref<4x2048x1024xf32, #tpu.memory_space<hbm>> -> memref<1x16x1024xf32, #tpu.memory_space<hbm>>
    %dma_start3A_876 = tpu.memref_squeeze %dma_start3A_875 : memref<1x16x1024xf32, #tpu.memory_space<hbm>> -> memref<16x1024xf32, #tpu.memory_space<hbm>>
    %dma_start3A_877 = arith.constant 0 : i32
    %dma_start3A_878 = arith.constant 0 : i32
    %dma_start3A_879 = tpu.memref_slice %arg9[%dma_start3A_866, %dma_start3A_877, %dma_start3A_878] : memref<5x16x1024xf32, #tpu.memory_space<vmem>> -> memref<1x16x1024xf32, #tpu.memory_space<vmem>>
    %dma_start3A_880 = tpu.memref_squeeze %dma_start3A_879 : memref<1x16x1024xf32, #tpu.memory_space<vmem>> -> memref<16x1024xf32, #tpu.memory_space<vmem>>
    tpu.enqueue_dma source(%dma_start3A_880 : memref<16x1024xf32, #tpu.memory_space<vmem>>) target(%dma_start3A_876 : memref<16x1024xf32, #tpu.memory_space<hbm>>) target_semaphore(%arg19 : memref<!tpu.dma_semaphore, #tpu.memory_space<semaphore_mem>>)
    %dma_wait3A_881 = arith.constant 0 : i32
    %dma_wait3A_882 = arith.constant 0 : i32
    %dma_wait3A_883 = arith.constant 0 : i32
    %dma_wait3A_884 = tpu.memref_slice %arg9[%dma_wait3A_881, %dma_wait3A_882, %dma_wait3A_883] : memref<5x16x1024xf32, #tpu.memory_space<vmem>> -> memref<1x16x1024xf32, #tpu.memory_space<vmem>>
    %dma_wait3A_885 = tpu.memref_squeeze %dma_wait3A_884 : memref<1x16x1024xf32, #tpu.memory_space<vmem>> -> memref<16x1024xf32, #tpu.memory_space<vmem>>
    %dma_wait3A_886 = arith.constant 240 : i32
    %dma_wait3A_887 = tpu.memref_slice %arg6[%dma_wait3A_886] : memref<256xi32, #tpu.memory_space<vmem>> -> memref<16xi32, #tpu.memory_space<vmem>>
    %dma_wait3A_888 = arith.constant 0 : i32
    %dma_wait3A_889 = arith.constant 0 : i32
    %dma_wait3A_890 = tpu.memref_slice %arg4[%dma_wait3A_888, %dma_wait3A_889] : memref<151936x1024xf32, #tpu.memory_space<hbm>> -> memref<151936x1024xf32, #tpu.memory_space<hbm>>
    tpu.wait_indirect_dma semaphore(%arg10 : memref<!tpu.dma_semaphore, #tpu.memory_space<semaphore_mem>>) src(%dma_wait3A_890 : memref<151936x1024xf32, #tpu.memory_space<hbm>>) dst(%dma_wait3A_885 : memref<16x1024xf32, #tpu.memory_space<vmem>>)
    %convert_element_type3A_891 = arith.extui %ne3A_133 : i1 to i32
    %cond3A_892 = arith.constant 0 : i32
    %cond3A_893 = arith.cmpi ne, %convert_element_type3A_891, %cond3A_892 : i32
    scf.if %cond3A_893 {
      %scan3A_996 = arith.constant 0 : i32
      %scan3A_997 = arith.constant 0 : i32
      %scan3A_998 = arith.constant 16 : i32
      %scan3A_999 = arith.addi %scan3A_997, %scan3A_998 : i32
      %scan3A_1000 = arith.constant 1 : i32
      %scan3A_1001 = scf.for %scan3A_1003 = %scan3A_997 to %scan3A_999 step %scan3A_1000 iter_args(%scan3A_1004 = %scan3A_996) -> (i32)  : i32 {
        %add3A_1005 = arith.constant 240 : i32
        %add3A_1006 = arith.addi %add3A_1005, %scan3A_1003 : i32
        %get3A = arith.index_cast %add3A_1006 : i32 to index
        %get3A_1007 = arith.constant 0 : index
        %get3A_1008 = tpu.vector_load %arg8[%get3A, %get3A_1007] {strides = array<i32>} : memref<256x16xf32, #tpu.memory_space<vmem>>, vector<1x16xf32>,
        %get3A_1009 = vector.shape_cast %get3A_1008 : vector<1x16xf32> to vector<16xf32>
        %scan3A_1010 = arith.constant 0 : i32
        %scan3A_1011 = arith.constant 0 : i32
        %scan3A_1012 = arith.constant 64 : i32
        %scan3A_1013 = arith.addi %scan3A_1011, %scan3A_1012 : i32
        %scan3A_1014 = arith.constant 1 : i32
        %scan3A_1015 = scf.for %scan3A_1018 = %scan3A_1011 to %scan3A_1013 step %scan3A_1014 iter_args(%scan3A_1019 = %scan3A_1010) -> (i32)  : i32 {
          %mul3A_1020 = arith.constant 16 : i32
          %mul3A_1021 = arith.muli %scan3A_1018, %mul3A_1020 : i32
          %get3A_1022 = arith.constant 0 : i32
          %get3A_1023 = arith.index_cast %get3A_1022 : i32 to index
          %get3A_1024 = arith.index_cast %scan3A_1003 : i32 to index
          %get3A_1025 = arith.index_cast %mul3A_1021 : i32 to index
          %get3A_1026 = tpu.vector_load %arg9[%get3A_1023, %get3A_1024, %get3A_1025] {strides = array<i32>} : memref<5x16x1024xf32, #tpu.memory_space<vmem>>, vector<1x1x16xf32>,
          %get3A_1027 = vector.shape_cast %get3A_1026 : vector<1x1x16xf32> to vector<16xf32>
          %mul3A_1028 = arith.mulf %get3A_1027, %get3A_1009 : vector<16xf32>
          %swap3A = arith.constant 0 : i32
          %swap3A_1029 = arith.index_cast %swap3A : i32 to index
          %swap3A_1030 = arith.index_cast %scan3A_1003 : i32 to index
          %swap3A_1031 = arith.index_cast %mul3A_1021 : i32 to index
          %swap3A_1032 = tpu.vector_load %arg9[%swap3A_1029, %swap3A_1030, %swap3A_1031] {strides = array<i32>} : memref<5x16x1024xf32, #tpu.memory_space<vmem>>, vector<1x1x16xf32>,
          %swap3A_1033 = vector.shape_cast %swap3A_1032 : vector<1x1x16xf32> to vector<16xf32>
          %swap3A_1034 = vector.shape_cast %mul3A_1028 : vector<16xf32> to vector<1x1x16xf32>
          tpu.vector_store %arg9[%swap3A_1029, %swap3A_1030, %swap3A_1031], %swap3A_1034 {strides = array<i32>} : memref<5x16x1024xf32, #tpu.memory_space<vmem>>, vector<1x1x16xf32>,
          %scan3A_1035 = arith.constant 0 : i32
          scf.yield %scan3A_1035 : i32
        }
        %scan3A_1016 = arith.constant 64 : i32
        %scan3A_1017 = arith.constant 0 : i32
        scf.yield %scan3A_1017 : i32
      }
      %scan3A_1002 = arith.constant 16 : i32
    } else {
    }
    %add3A_894 = arith.constant 240 : i32
    %add3A_895 = arith.addi %mul3A_32, %add3A_894 : i32
    %dma_start3A_896 = arith.constant 0 : i32
    %dma_start3A_897 = arith.constant 0 : i32
    %dma_start3A_898 = arith.constant 0 : i32
    %dma_start3A_899 = tpu.memref_slice %arg9[%dma_start3A_896, %dma_start3A_897, %dma_start3A_898] : memref<5x16x1024xf32, #tpu.memory_space<vmem>> -> memref<1x16x1024xf32, #tpu.memory_space<vmem>>
    %dma_start3A_900 = tpu.memref_squeeze %dma_start3A_899 : memref<1x16x1024xf32, #tpu.memory_space<vmem>> -> memref<16x1024xf32, #tpu.memory_space<vmem>>
    %dma_start3A_901 = arith.constant 0 : i32
    %dma_start3A_902 = tpu.memref_slice %arg5[%select_n3A, %add3A_895, %dma_start3A_901] : memref<4x2048x1024xf32, #tpu.memory_space<hbm>> -> memref<1x16x1024xf32, #tpu.memory_space<hbm>>
    %dma_start3A_903 = tpu.memref_squeeze %dma_start3A_902 : memref<1x16x1024xf32, #tpu.memory_space<hbm>> -> memref<16x1024xf32, #tpu.memory_space<hbm>>
    %dma_start3A_904 = arith.constant 0 : i32
    %dma_start3A_905 = tpu.memref_slice %arg5[%select_n3A, %add3A_895, %dma_start3A_904] : memref<4x2048x1024xf32, #tpu.memory_space<hbm>> -> memref<1x16x1024xf32, #tpu.memory_space<hbm>>
    %dma_start3A_906 = tpu.memref_squeeze %dma_start3A_905 : memref<1x16x1024xf32, #tpu.memory_space<hbm>> -> memref<16x1024xf32, #tpu.memory_space<hbm>>
    %dma_start3A_907 = arith.constant 0 : i32
    %dma_start3A_908 = arith.constant 0 : i32
    %dma_start3A_909 = tpu.memref_slice %arg9[%dma_start3A_896, %dma_start3A_907, %dma_start3A_908] : memref<5x16x1024xf32, #tpu.memory_space<vmem>> -> memref<1x16x1024xf32, #tpu.memory_space<vmem>>
    %dma_start3A_910 = tpu.memref_squeeze %dma_start3A_909 : memref<1x16x1024xf32, #tpu.memory_space<vmem>> -> memref<16x1024xf32, #tpu.memory_space<vmem>>
    tpu.enqueue_dma source(%dma_start3A_910 : memref<16x1024xf32, #tpu.memory_space<vmem>>) target(%dma_start3A_906 : memref<16x1024xf32, #tpu.memory_space<hbm>>) target_semaphore(%arg15 : memref<!tpu.dma_semaphore, #tpu.memory_space<semaphore_mem>>)
    %add3A_911 = arith.constant 176 : i32
    %add3A_912 = arith.addi %mul3A_32, %add3A_911 : i32
    %dma_wait3A_913 = arith.constant 1 : i32
    %dma_wait3A_914 = arith.constant 0 : i32
    %dma_wait3A_915 = arith.constant 0 : i32
    %dma_wait3A_916 = tpu.memref_slice %arg9[%dma_wait3A_913, %dma_wait3A_914, %dma_wait3A_915] : memref<5x16x1024xf32, #tpu.memory_space<vmem>> -> memref<1x16x1024xf32, #tpu.memory_space<vmem>>
    %dma_wait3A_917 = tpu.memref_squeeze %dma_wait3A_916 : memref<1x16x1024xf32, #tpu.memory_space<vmem>> -> memref<16x1024xf32, #tpu.memory_space<vmem>>
    %dma_wait3A_918 = arith.constant 0 : i32
    %dma_wait3A_919 = tpu.memref_slice %arg5[%select_n3A, %add3A_912, %dma_wait3A_918] : memref<4x2048x1024xf32, #tpu.memory_space<hbm>> -> memref<1x16x1024xf32, #tpu.memory_space<hbm>>
    %dma_wait3A_920 = tpu.memref_squeeze %dma_wait3A_919 : memref<1x16x1024xf32, #tpu.memory_space<hbm>> -> memref<16x1024xf32, #tpu.memory_space<hbm>>
    %dma_wait3A_921 = arith.constant 0 : i32
    %dma_wait3A_922 = tpu.memref_slice %arg5[%select_n3A, %add3A_912, %dma_wait3A_921] : memref<4x2048x1024xf32, #tpu.memory_space<hbm>> -> memref<1x16x1024xf32, #tpu.memory_space<hbm>>
    %dma_wait3A_923 = tpu.memref_squeeze %dma_wait3A_922 : memref<1x16x1024xf32, #tpu.memory_space<hbm>> -> memref<16x1024xf32, #tpu.memory_space<hbm>>
    %dma_wait3A_924 = arith.constant 0 : i32
    %dma_wait3A_925 = arith.constant 0 : i32
    %dma_wait3A_926 = tpu.memref_slice %arg9[%dma_wait3A_913, %dma_wait3A_924, %dma_wait3A_925] : memref<5x16x1024xf32, #tpu.memory_space<vmem>> -> memref<1x16x1024xf32, #tpu.memory_space<vmem>>
    %dma_wait3A_927 = tpu.memref_squeeze %dma_wait3A_926 : memref<1x16x1024xf32, #tpu.memory_space<vmem>> -> memref<16x1024xf32, #tpu.memory_space<vmem>>
    tpu.wait_dma2 semaphore(%arg16 : memref<!tpu.dma_semaphore, #tpu.memory_space<semaphore_mem>>) src(%dma_wait3A_927 : memref<16x1024xf32, #tpu.memory_space<vmem>>) dst(%dma_wait3A_923 : memref<16x1024xf32, #tpu.memory_space<hbm>>)
    %add3A_928 = arith.constant 192 : i32
    %add3A_929 = arith.addi %mul3A_32, %add3A_928 : i32
    %dma_wait3A_930 = arith.constant 2 : i32
    %dma_wait3A_931 = arith.constant 0 : i32
    %dma_wait3A_932 = arith.constant 0 : i32
    %dma_wait3A_933 = tpu.memref_slice %arg9[%dma_wait3A_930, %dma_wait3A_931, %dma_wait3A_932] : memref<5x16x1024xf32, #tpu.memory_space<vmem>> -> memref<1x16x1024xf32, #tpu.memory_space<vmem>>
    %dma_wait3A_934 = tpu.memref_squeeze %dma_wait3A_933 : memref<1x16x1024xf32, #tpu.memory_space<vmem>> -> memref<16x1024xf32, #tpu.memory_space<vmem>>
    %dma_wait3A_935 = arith.constant 0 : i32
    %dma_wait3A_936 = tpu.memref_slice %arg5[%select_n3A, %add3A_929, %dma_wait3A_935] : memref<4x2048x1024xf32, #tpu.memory_space<hbm>> -> memref<1x16x1024xf32, #tpu.memory_space<hbm>>
    %dma_wait3A_937 = tpu.memref_squeeze %dma_wait3A_936 : memref<1x16x1024xf32, #tpu.memory_space<hbm>> -> memref<16x1024xf32, #tpu.memory_space<hbm>>
    %dma_wait3A_938 = arith.constant 0 : i32
    %dma_wait3A_939 = tpu.memref_slice %arg5[%select_n3A, %add3A_929, %dma_wait3A_938] : memref<4x2048x1024xf32, #tpu.memory_space<hbm>> -> memref<1x16x1024xf32, #tpu.memory_space<hbm>>
    %dma_wait3A_940 = tpu.memref_squeeze %dma_wait3A_939 : memref<1x16x1024xf32, #tpu.memory_space<hbm>> -> memref<16x1024xf32, #tpu.memory_space<hbm>>
    %dma_wait3A_941 = arith.constant 0 : i32
    %dma_wait3A_942 = arith.constant 0 : i32
    %dma_wait3A_943 = tpu.memref_slice %arg9[%dma_wait3A_930, %dma_wait3A_941, %dma_wait3A_942] : memref<5x16x1024xf32, #tpu.memory_space<vmem>> -> memref<1x16x1024xf32, #tpu.memory_space<vmem>>
    %dma_wait3A_944 = tpu.memref_squeeze %dma_wait3A_943 : memref<1x16x1024xf32, #tpu.memory_space<vmem>> -> memref<16x1024xf32, #tpu.memory_space<vmem>>
    tpu.wait_dma2 semaphore(%arg17 : memref<!tpu.dma_semaphore, #tpu.memory_space<semaphore_mem>>) src(%dma_wait3A_944 : memref<16x1024xf32, #tpu.memory_space<vmem>>) dst(%dma_wait3A_940 : memref<16x1024xf32, #tpu.memory_space<hbm>>)
    %add3A_945 = arith.constant 208 : i32
    %add3A_946 = arith.addi %mul3A_32, %add3A_945 : i32
    %dma_wait3A_947 = arith.constant 3 : i32
    %dma_wait3A_948 = arith.constant 0 : i32
    %dma_wait3A_949 = arith.constant 0 : i32
    %dma_wait3A_950 = tpu.memref_slice %arg9[%dma_wait3A_947, %dma_wait3A_948, %dma_wait3A_949] : memref<5x16x1024xf32, #tpu.memory_space<vmem>> -> memref<1x16x1024xf32, #tpu.memory_space<vmem>>
    %dma_wait3A_951 = tpu.memref_squeeze %dma_wait3A_950 : memref<1x16x1024xf32, #tpu.memory_space<vmem>> -> memref<16x1024xf32, #tpu.memory_space<vmem>>
    %dma_wait3A_952 = arith.constant 0 : i32
    %dma_wait3A_953 = tpu.memref_slice %arg5[%select_n3A, %add3A_946, %dma_wait3A_952] : memref<4x2048x1024xf32, #tpu.memory_space<hbm>> -> memref<1x16x1024xf32, #tpu.memory_space<hbm>>
    %dma_wait3A_954 = tpu.memref_squeeze %dma_wait3A_953 : memref<1x16x1024xf32, #tpu.memory_space<hbm>> -> memref<16x1024xf32, #tpu.memory_space<hbm>>
    %dma_wait3A_955 = arith.constant 0 : i32
    %dma_wait3A_956 = tpu.memref_slice %arg5[%select_n3A, %add3A_946, %dma_wait3A_955] : memref<4x2048x1024xf32, #tpu.memory_space<hbm>> -> memref<1x16x1024xf32, #tpu.memory_space<hbm>>
    %dma_wait3A_957 = tpu.memref_squeeze %dma_wait3A_956 : memref<1x16x1024xf32, #tpu.memory_space<hbm>> -> memref<16x1024xf32, #tpu.memory_space<hbm>>
    %dma_wait3A_958 = arith.constant 0 : i32
    %dma_wait3A_959 = arith.constant 0 : i32
    %dma_wait3A_960 = tpu.memref_slice %arg9[%dma_wait3A_947, %dma_wait3A_958, %dma_wait3A_959] : memref<5x16x1024xf32, #tpu.memory_space<vmem>> -> memref<1x16x1024xf32, #tpu.memory_space<vmem>>
    %dma_wait3A_961 = tpu.memref_squeeze %dma_wait3A_960 : memref<1x16x1024xf32, #tpu.memory_space<vmem>> -> memref<16x1024xf32, #tpu.memory_space<vmem>>
    tpu.wait_dma2 semaphore(%arg18 : memref<!tpu.dma_semaphore, #tpu.memory_space<semaphore_mem>>) src(%dma_wait3A_961 : memref<16x1024xf32, #tpu.memory_space<vmem>>) dst(%dma_wait3A_957 : memref<16x1024xf32, #tpu.memory_space<hbm>>)
    %add3A_962 = arith.constant 224 : i32
    %add3A_963 = arith.addi %mul3A_32, %add3A_962 : i32
    %dma_wait3A_964 = arith.constant 4 : i32
    %dma_wait3A_965 = arith.constant 0 : i32
    %dma_wait3A_966 = arith.constant 0 : i32
    %dma_wait3A_967 = tpu.memref_slice %arg9[%dma_wait3A_964, %dma_wait3A_965, %dma_wait3A_966] : memref<5x16x1024xf32, #tpu.memory_space<vmem>> -> memref<1x16x1024xf32, #tpu.memory_space<vmem>>
    %dma_wait3A_968 = tpu.memref_squeeze %dma_wait3A_967 : memref<1x16x1024xf32, #tpu.memory_space<vmem>> -> memref<16x1024xf32, #tpu.memory_space<vmem>>
    %dma_wait3A_969 = arith.constant 0 : i32
    %dma_wait3A_970 = tpu.memref_slice %arg5[%select_n3A, %add3A_963, %dma_wait3A_969] : memref<4x2048x1024xf32, #tpu.memory_space<hbm>> -> memref<1x16x1024xf32, #tpu.memory_space<hbm>>
    %dma_wait3A_971 = tpu.memref_squeeze %dma_wait3A_970 : memref<1x16x1024xf32, #tpu.memory_space<hbm>> -> memref<16x1024xf32, #tpu.memory_space<hbm>>
    %dma_wait3A_972 = arith.constant 0 : i32
    %dma_wait3A_973 = tpu.memref_slice %arg5[%select_n3A, %add3A_963, %dma_wait3A_972] : memref<4x2048x1024xf32, #tpu.memory_space<hbm>> -> memref<1x16x1024xf32, #tpu.memory_space<hbm>>
    %dma_wait3A_974 = tpu.memref_squeeze %dma_wait3A_973 : memref<1x16x1024xf32, #tpu.memory_space<hbm>> -> memref<16x1024xf32, #tpu.memory_space<hbm>>
    %dma_wait3A_975 = arith.constant 0 : i32
    %dma_wait3A_976 = arith.constant 0 : i32
    %dma_wait3A_977 = tpu.memref_slice %arg9[%dma_wait3A_964, %dma_wait3A_975, %dma_wait3A_976] : memref<5x16x1024xf32, #tpu.memory_space<vmem>> -> memref<1x16x1024xf32, #tpu.memory_space<vmem>>
    %dma_wait3A_978 = tpu.memref_squeeze %dma_wait3A_977 : memref<1x16x1024xf32, #tpu.memory_space<vmem>> -> memref<16x1024xf32, #tpu.memory_space<vmem>>
    tpu.wait_dma2 semaphore(%arg19 : memref<!tpu.dma_semaphore, #tpu.memory_space<semaphore_mem>>) src(%dma_wait3A_978 : memref<16x1024xf32, #tpu.memory_space<vmem>>) dst(%dma_wait3A_974 : memref<16x1024xf32, #tpu.memory_space<hbm>>)
    %add3A_979 = arith.constant 240 : i32
    %add3A_980 = arith.addi %mul3A_32, %add3A_979 : i32
    %dma_wait3A_981 = arith.constant 0 : i32
    %dma_wait3A_982 = arith.constant 0 : i32
    %dma_wait3A_983 = arith.constant 0 : i32
    %dma_wait3A_984 = tpu.memref_slice %arg9[%dma_wait3A_981, %dma_wait3A_982, %dma_wait3A_983] : memref<5x16x1024xf32, #tpu.memory_space<vmem>> -> memref<1x16x1024xf32, #tpu.memory_space<vmem>>
    %dma_wait3A_985 = tpu.memref_squeeze %dma_wait3A_984 : memref<1x16x1024xf32, #tpu.memory_space<vmem>> -> memref<16x1024xf32, #tpu.memory_space<vmem>>
    %dma_wait3A_986 = arith.constant 0 : i32
    %dma_wait3A_987 = tpu.memref_slice %arg5[%select_n3A, %add3A_980, %dma_wait3A_986] : memref<4x2048x1024xf32, #tpu.memory_space<hbm>> -> memref<1x16x1024xf32, #tpu.memory_space<hbm>>
    %dma_wait3A_988 = tpu.memref_squeeze %dma_wait3A_987 : memref<1x16x1024xf32, #tpu.memory_space<hbm>> -> memref<16x1024xf32, #tpu.memory_space<hbm>>
    %dma_wait3A_989 = arith.constant 0 : i32
    %dma_wait3A_990 = tpu.memref_slice %arg5[%select_n3A, %add3A_980, %dma_wait3A_989] : memref<4x2048x1024xf32, #tpu.memory_space<hbm>> -> memref<1x16x1024xf32, #tpu.memory_space<hbm>>
    %dma_wait3A_991 = tpu.memref_squeeze %dma_wait3A_990 : memref<1x16x1024xf32, #tpu.memory_space<hbm>> -> memref<16x1024xf32, #tpu.memory_space<hbm>>
    %dma_wait3A_992 = arith.constant 0 : i32
    %dma_wait3A_993 = arith.constant 0 : i32
    %dma_wait3A_994 = tpu.memref_slice %arg9[%dma_wait3A_981, %dma_wait3A_992, %dma_wait3A_993] : memref<5x16x1024xf32, #tpu.memory_space<vmem>> -> memref<1x16x1024xf32, #tpu.memory_space<vmem>>
    %dma_wait3A_995 = tpu.memref_squeeze %dma_wait3A_994 : memref<1x16x1024xf32, #tpu.memory_space<vmem>> -> memref<16x1024xf32, #tpu.memory_space<vmem>>
    tpu.wait_dma2 semaphore(%arg15 : memref<!tpu.dma_semaphore, #tpu.memory_space<semaphore_mem>>) src(%dma_wait3A_995 : memref<16x1024xf32, #tpu.memory_space<vmem>>) dst(%dma_wait3A_991 : memref<16x1024xf32, #tpu.memory_space<hbm>>)
    return
  }
}

</mosaic_0001>

<sc_bundles>
// kernel: _run.3.cloned.1.call-start
scs
__scs_entry_jumppad:
0x0: {  	(pc) =	sbr.rel $0x88, $3  }
0x1: {  	(tag) =	ssettag $0x0;
	lr =	simm.s32 $0x1  }
0x2: {  	[smem:$0x3F9E] =	sst lr;
	_ =	strace $0xD0000000  }
0x3: {  	_ = 	snop  }
0x4: {  	_ = 	snop  }
0x5: {  	_ = 	snop  }
0x6: {  	_ = 	snop  }
0x7: {  	_ = 	snop  }
__scs_overlays_trampoline_lowered:
0x8: {  	[smem:$0x3FAD] =	sst s0  }
0x9: {  	[smem:$0x3FAE] =	sst s1  }
0xa: {  	[smem:$0x3FAF] =	sst s2  }
0xb: {  	[smem:$0x3FB0] =	sst s3  }
0xc: {  	[smem:$0x3FB1] =	sst s4  }
0xd: {  	[smem:$0x3FB2] =	sst s5  }
0xe: {  	[smem:$0x3FB3] =	sst s6  }
0xf: {  	[smem:$0x3FB4] =	sst s7  }
0x10: {  	[smem:$0x3FB5] =	sst s8  }
0x11: {  	[smem:$0x3FB6] =	sst s9;
	s0 =	simm.s32 @!p0 $0x0  }
0x12: {  	s1 =	sld [smem:$0x3F9C];
	s0 =	simm.s32 @p0 $0x1  }
0x13: {  	[smem:$0x3FB7] =	sst s0;
	s0 =	simm.s32 @!p1 $0x0  }
0x14: {  	s2 =	sld [smem:$0x3F9B];
	s0 =	simm.s32 @p1 $0x1  }
0x15: {  	[smem:$0x3FB8] =	sst s0;
	s0 =	simm.s32 @!p2 $0x0  }
0x16: {  	s3 =	sld [smem:$0x3FDB];
	s0 =	simm.s32 @p2 $0x1  }
0x17: {  	s4 =	simm.s32 $0x1BF5;
	[smem:$0x3FBA] =	sst s0  }
0x18: {  	s0 =	sld [smem:$0x3F9D];
	_ =	swait.ge [sflag:s4], $0x0  }
0x19: {  	s7 =	sld [smem:$0x3F9E]  }
0x1a: {  	s8 =	sadd.s32 $0xFFFFE003, lr  }
0x1b: {  	s9 =	sadd.s32 $0xFFFFFEF7, lr;
	s5 =	simm.s32 $0xFFFFFFFF;
	p2 =	slt.u32 s8, $0xFFFFF086  }
0x1c: {  	p1 =	slt.u32 s9, $0xF7A;
	s5 =	simm.s32 @!p2 $0x0  }
0x1d: {  	s5 =	simm.s32 @p1 $0x1;
	p0 =	seq.s32 s7, s2  }
0x1e: {  	s7 =	smul.u32 @!p0 $0xF7A, s2;
	p2 =	seq.s32 @!p0 s5, $0x0  }
0x1f: {  	s9 =	smul.u32 $0xF7A, s1;
	s8 =	simm.s32 @!p0 $0x1BF5;
	p2 =	por !p2, p0  }
0x20: {  	[sflag:s8] =	ssyncset.s32 @!p0 $0xFFFFF086;
	s6 =	sadd.s32 @!p0 s3, s7;
	s7 =	simm.s32 @!p0 $0x108  }
0x21: {  	s3 =	sadd.s32 s3, s9;
	s6 =	sadd.s32 @!p0 $0x88, s6;
	s7 =	simm.s32 @p2 $0x1082  }
0x22: {  	[simem:s7], [sflag:s8] =	dma.local @!p0 [hbm:s6], $0xF7A  }
0x23: {  	s9 =	sor.u32 $0xD0000000, s2;
	s6 =	simm.s32 $0x108;
	_ =	swait.ge @!p0 [sflag:s8], $0x0  }
0x24: {  	s3 =	sadd.s32 $0x88, s3;
	s6 =	simm.s32 @!p1 $0x1082;
	[sflag:s4] =	ssyncset.s32 $0xFFFFF086  }
0x25: {  	[simem:s6], [sflag:s4] =	dma.local [hbm:s3], $0xF7A  }
0x26: {  	[smem:$0x3F9E] =	sst s1;
	(tag) =	ssettag s2;
	_ =	strace s9  }
0x27: {  	s1 =	sld [smem:$0x3FAE]  }
0x28: {  	s2 =	sld [smem:$0x3FAF]  }
0x29: {  	s4 =	sld [smem:$0x3FB1]  }
0x2a: {  	p0 =	seq.s32 s5, $0x0;
	s5 =	sld [smem:$0x3FB2]  }
0x2b: {  	s6 =	sld [smem:$0x3FB3]  }
0x2c: {  	s7 =	sld [smem:$0x3FB4]  }
0x2d: {  	s3 =	simm.s32 $0x108;
	s8 =	sld [smem:$0x3FB5]  }
0x2e: {  	s3 =	simm.s32 @!p0 $0x1082;
	s9 =	sld [smem:$0x3FB6]  }
0x2f: {  	lr =	sadd.s32 s0, s3;
	s0 =	sld [smem:$0x3FAD]  }
0x30: {  	s3 =	sld [smem:$0x3FB0]  }
0x31: {  	[smem:$0x3FB9] =	sst s10  }
0x32: {  	s10 =	sld [smem:$0x3FB7];
	_ =	sdelay $0x3  }
0x33: {  	p0 =	seq.s32 s10, $0x1;
	s10 =	sld [smem:$0x3FB9];
	_ =	sdelay $0x3  }
0x34: {  	[smem:$0x3FB9] =	sst s10  }
0x35: {  	s10 =	sld [smem:$0x3FB8];
	_ =	sdelay $0x3  }
0x36: {  	p1 =	seq.s32 s10, $0x1;
	s10 =	sld [smem:$0x3FB9];
	_ =	sdelay $0x3  }
0x37: {  	[smem:$0x3FB9] =	sst s10  }
0x38: {  	s10 =	sld [smem:$0x3FBA]  }
0x39: {  	_ = 	snop;
	(pc) =	sbr.ind lr, $3  }
0x3a: {  	_ = 	snop  }
0x3b: {  	_ = 	snop  }
0x3c: {  	p2 =	seq.s32 s10, $0x1;
	s10 =	sld [smem:$0x3FB9]  }
0x3d: {  	_ =	shalt  }
0x3e: {  	_ =	shalt  }
0x3f: {  	_ =	shalt  }
0x40: {  	_ =	shalt  }
0x41: {  	_ =	shalt  }
0x42: {  	_ =	shalt  }
0x43: {  	_ =	shalt  }
0x44: {  	_ =	shalt  }
0x45: {  	_ =	shalt  }
0x46: {  	_ =	shalt  }
0x47: {  	_ =	shalt  }
0x48: {  	_ =	shalt  }
0x49: {  	_ =	shalt  }
0x4a: {  	_ =	shalt  }
0x4b: {  	_ =	shalt  }
0x4c: {  	_ =	shalt  }
0x4d: {  	_ =	shalt  }
0x4e: {  	_ =	shalt  }
0x4f: {  	_ =	shalt  }
0x50: {  	_ =	shalt  }
0x51: {  	_ =	shalt  }
0x52: {  	_ =	shalt  }
0x53: {  	_ =	shalt  }
0x54: {  	_ =	shalt  }
0x55: {  	_ =	shalt  }
0x56: {  	_ =	shalt  }
0x57: {  	_ =	shalt  }
0x58: {  	_ =	shalt  }
0x59: {  	_ =	shalt  }
0x5a: {  	_ =	shalt  }
0x5b: {  	_ =	shalt  }
0x5c: {  	_ =	shalt  }
0x5d: {  	_ =	shalt  }
0x5e: {  	_ =	shalt  }
0x5f: {  	_ =	shalt  }
0x60: {  	_ =	shalt  }
0x61: {  	_ =	shalt  }
0x62: {  	_ =	shalt  }
0x63: {  	_ =	shalt  }
0x64: {  	_ =	shalt  }
0x65: {  	_ =	shalt  }
0x66: {  	_ =	shalt  }
0x67: {  	_ =	shalt  }
0x68: {  	_ =	shalt  }
0x69: {  	_ =	shalt  }
0x6a: {  	_ =	shalt  }
0x6b: {  	_ =	shalt  }
0x6c: {  	_ =	shalt  }
0x6d: {  	_ =	shalt  }
0x6e: {  	_ =	shalt  }
0x6f: {  	_ =	shalt  }
0x70: {  	_ =	shalt  }
0x71: {  	_ =	shalt  }
0x72: {  	_ =	shalt  }
0x73: {  	_ =	shalt  }
0x74: {  	_ =	shalt  }
0x75: {  	_ =	shalt  }
0x76: {  	_ =	shalt  }
0x77: {  	_ =	shalt  }
0x78: {  	_ =	shalt  }
0x79: {  	_ =	shalt  }
0x7a: {  	_ =	shalt  }
0x7b: {  	_ =	shalt  }
0x7c: {  	_ =	shalt  }
0x7d: {  	_ =	shalt  }
0x7e: {  	_ =	shalt  }
0x7f: {  	_ =	shalt  }
0x80: {  	_ =	shalt  }
0x81: {  	_ =	shalt  }
0x82: {  	_ =	shalt  }
0x83: {  	_ =	shalt  }
0x84: {  	_ =	shalt  }
0x85: {  	_ =	shalt  }
0x86: {  	_ =	shalt  }
0x87: {  	_ =	shalt  }
.Lfunc_end0:
.L_simem_size_0:
called_computation_lowered:
.L_overlay_start_0:
0x88: {  	s2 =	sld [smem:$0x3FD9]  }
0x89: {  	s3 =	sld [smem:$0x3FFE];
	_ =	sdelay $0x1  }
0x8a: {  	s1 =	srdreg.scid  }
0x8b: {  	s0 =	sand.u32 $0x1, s1  }
0x8c: {  	s18 =	sshll.u32 s0, $0xA;
	s2 =	sadd.s32 s3, s2  }
0x8d: {  	s2 =	sadd.s32 s2, s18  }
0x8e: {  	[smem:$0x3FC5] =	sst s2  }
0x8f: {  	_ = 	snop  }
0x90: {  	s2 =	sld [smem:$0x3FC9]  }
0x91: {  	s19 =	sld [smem:$0x3FC8]  }
0x92: {  	s4 =	sld [smem:$0x3FC7]  }
0x93: {  	s5 =	sld [smem:$0x3FD0];
	(tm) =	ssettm $0x1  }
0x94: {  	s6 =	sld [smem:$0x3FFB];
	_ =	sdelay $0x3  }
0x95: {  	_ =	strace s6  }
0x96: {  	s6 =	sld [smem:$0x3FFC];
	_ =	sdelay $0x3  }
0x97: {  	_ =	strace s6  }
0x98: {  	s6 =	sld [smem:$0x3FFD];
	_ =	sdelay $0x3  }
0x99: {  	_ =	strace s6  }
0x9a: {  	_ =	strace $0x8FFFFFFF  }
0x9b: {  	s20 =	sld [smem:$0x3FDB];
	_ =	sdelay $0x1  }
0x9c: {  	s7 =	simm.s32 $_scs_section_size  }
0x9d: {  	s8 =	simm.s32 $_size__tile_overlayer_lowered;
	s9 =	simm.s32 $_tile_overlayer_lowered  }
0x9e: {  	s23 =	simm.s32 $0x1BFF;
	s22 =	sshll.u32 s9, $0x1;
	s6 =	sadd.s32 s7, s20  }
0x9f: {  	s10 =	simm.s32 $0x0;
	s21 =	sshll.u32 s8, $0x1;
	s8 =	sadd.s32 s22, s6  }
0xa0: {  	[timem:s10], [sflag:s23] =	dma.local [hbm:s8], s21  }
0xa1: {  	_ =	swait.ge [sflag:s23], s21  }
0xa2: {  	s7 =	ssub.s32 $0x0, s21;
	[sflag:s23] =	ssyncset.done $0x0  }
0xa3: {  	[sflag:s23] =	ssyncadd.s32 s7;
	_ =	sdelay $0x1  }
0xa4: {  	s24 =	simm.s32 $0x1B8B  }
0xa5: {  	_ =	swait.ge [sflag:s24], $0x1  }
0xa6: {  	[sflag:s24] =	ssyncset.done $0x0  }
0xa7: {  	s25 =	simm.s32 $0x1B8E;
	[sflag:s24] =	ssyncadd.s32 $0xFFFFFFFF  }
0xa8: {  	s26 =	simm.s32 $execute0_lowered;
	[smem:$0x3FD2] =	sst s25  }
0xa9: {  	s7 =	sshll.u32 s26, $0x1;
	_ =	strace $0x80000046;
	[dreg:$0x1] =	wrdreg $0xFFFFFFFF  }
0xaa: {  	s28 =	simm.s32 $_size_execute0_lowered;
	s6 =	sadd.s32 s6, s7;
	[dreg:$0x0] =	wrdreg $0x0  }
0xab: {  	s7 =	sshll.u32 s28, $0x1;
	[dreg:$0x2] =	wrdreg s6  }
0xac: {  	[dreg:$0x3] =	wrdreg s7  }
0xad: {  	[dreg:$0x4] =	wrdreg $0xC0  }
0xae: {  	_ =	task [dreg:s10], $0x5FFFF  }
0xaf: {  	[dreg:$0x1] =	wrdreg $0xFFFFFFFF  }
0xb0: {  	[dreg:$0x0] =	wrdreg $0x60  }
0xb1: {  	[dreg:$0x2] =	wrdreg s2  }
0xb2: {  	[dreg:$0x3] =	wrdreg s19  }
0xb3: {  	[dreg:$0x4] =	wrdreg s4  }
0xb4: {  	[dreg:$0x5] =	wrdreg s5  }
0xb5: {  	[dreg:$0x6] =	wrdreg $0x9  }
0xb6: {  	_ =	task.clear_ibuf [dreg:s10], $0x7FFFF;
	_ =	strace $0x90000046  }
0xb7: {  	s29 =	simm.s32 $0x9;
	_ =	strace $0x80000048  }
0xb8: {  	_ =	swait.ge [sflag:s29], $0x1  }
0xb9: {  	[sflag:s29] =	ssyncadd.s32 $0xFFFFFFFF  }
0xba: {  	_ =	strace $0x90000048  }
0xbb: {  	_ =	sfence  }
0xbc: {  	s30 =	sld [smem:$0x0];
	_ =	sdelay $0x2  }
0xbd: {  	s31 =	sshll.u32 s1, $0xD;
	s1 =	sshrl.u32 s1, $0x2  }
0xbe: {  	s3 =	sand.u32 $0x4000, s31;
	s1 =	sadd.s32 s1, s30  }
0xbf: {  	s0 =	sor.u32 s3, s0;
	s1 =	sshll.u32 s1, $0x11  }
0xc0: {  	s0 =	sor.u32 s1, s0  }
0xc1: {  	s0 =	sadd.s32 $0x8F2B, s0  }
0xc2: {  	[sflag:s0] =	ssyncadd.remote.s32 $0x1  }
0xc3: {  	_ =	sfence.sel $0xFFFF  }
0xc4: {  	[dreg:$0x0] =	wrdreg $0xFFFFFFFF;
	(pc) =	sbr.abs _section_cstart, $3  }
0xc5: {  	[dreg:$0x1] =	wrdreg $0xFFFFFFFF  }
0xc6: {  	_ =	task.clear_ibuf [dreg:s10], $0x2FFFF;
	_ =	strace $0x9FFFFFFF  }
0xc7: {  	(tm) =	ssettm $0x7FFFFFFF  }
tec
execute0_lowered:
.L_overlay_start_1:
0x0: {  	(tag) =	ssettag $0x1  }
0x1: {  	s0 =	rddreg [dreg:$0x0]  }
0x2: {  	s2 =	rddreg [dreg:$0x1]  }
0x3: {  	s1 =	rddreg [dreg:$0x2]  }
0x4: {  	s4 =	rddreg [dreg:$0x3]  }
0x5: {  	s3 =	simm.s32 $0x0;
	s5 =	srdreg.scid;
	s9 =	stileid.u32  }
0x6: {  	[smem:$0x7FF] =	sst s3;
	s5 =	sand.u32 $0x1, s5;
	s6 =	sshll.u32 s9, $0x1  }
0x7: {  	s9 =	sshrl.u32 s9, $0x2;
	s7 =	ssub.s32 $0x2, s5;
	s6 =	sand.u32 $0x6, s6  }
0x8: {  	_ =	strace $0x80000047;
	s8 =	sshrl.u32 s7, $0x1;
	s5 =	sor.u32 s5, s6  }
0x9: {  	s11 =	sshll.u32 s9, $0x4;
	s8 =	ssub.s32 s7, s8;
	s6 =	sshll.u32 s5, $0x7  }
0xa: {  	s12 =	sshll.u32 s9, $0x12;
	s11 =	sor.u32 s11, s6;
	s31 =	smax.u32 s8, $0x1  }
0xb: {  	s10 =	sshll.u32 s5, $0xF;
	s0 =	sadd.s32 s0, s11;
	[dreg:$0x17] =	wrdreg s31  }
0xc: {  	s13 =	sor.u32 s12, s10;
	s2 =	sadd.s32 s2, s11;
	[dreg:$0x5] =	wrdreg s0  }
0xd: {  	s0 =	sadd.s32 s4, s13;
	[dreg:$0x7] =	wrdreg s2  }
0xe: {  	s14 =	sadd.s32 $0x800, s0;
	[dreg:$0x6] =	wrdreg s0  }
0xf: {  	s15 =	sadd.s32 $0x1000, s0;
	[dreg:$0x8] =	wrdreg s14  }
0x10: {  	s16 =	sadd.s32 $0x1800, s0;
	[dreg:$0x9] =	wrdreg s15  }
0x11: {  	s17 =	sadd.s32 $0x2000, s0;
	[dreg:$0xa] =	wrdreg s16  }
0x12: {  	s29 =	simm.s32 $0xB;
	s18 =	sadd.s32 $0x2800, s0;
	[dreg:$0xb] =	wrdreg s17  }
0x13: {  	s30 =	simm.s32 $0x8200;
	s19 =	sadd.s32 $0x3000, s0;
	[dreg:$0xc] =	wrdreg s18  }
0x14: {  	s9 =	simm.s32 $0xBA00;
	s20 =	sadd.s32 $0x3800, s0;
	[dreg:$0xd] =	wrdreg s19  }
0x15: {  	s5 =	sadd.s32 $0x100, s1;
	s21 =	sadd.s32 $0x4000, s0;
	[dreg:$0xe] =	wrdreg s20  }
0x16: {  	s7 =	sadd.s32 $0x300, s1;
	s22 =	sadd.s32 $0x4800, s0;
	[dreg:$0xf] =	wrdreg s21  }
0x17: {  	s6 =	sadd.s32 $0x200, s1;
	s23 =	sadd.s32 $0x5000, s0;
	[dreg:$0x10] =	wrdreg s22  }
0x18: {  	s10 =	simm.s32 $0xC200;
	s24 =	sadd.s32 $0x5800, s0;
	[dreg:$0x11] =	wrdreg s23  }
0x19: {  	s8 =	simm.s32 $0x14200;
	s25 =	sadd.s32 $0x6000, s0;
	[dreg:$0x12] =	wrdreg s24  }
0x1a: {  	s12 =	simm.s32 $0x1;
	s26 =	sadd.s32 $0x6800, s0;
	[dreg:$0x13] =	wrdreg s25  }
0x1b: {  	s13 =	simm.s32 $0x2;
	s28 =	sadd.s32 $0x7000, s0;
	[dreg:$0x14] =	wrdreg s26  }
.Ltmp0:
0x1c: {  	s0 =	sadd.s32 $0x7800, s0;
	[dreg:$0x15] =	wrdreg s28;
	(pc) =	sbr.rel .LBB2_1-.Ltmp0, $4  }
0x1d: {  	[dreg:$0x16] =	wrdreg s0;
	s18 =	simm.s32 $0x10200;
	s19 =	simm.s32 $0x18200  }
0x1e: {  	v2 =	vlaneseq.u32;
	s14 =	simm.s32 $0x6;
	s15 =	simm.s32 $0x3;
	s16 =	simm.s32 $0x7  }
0x1f: {  	vm0 =	vmmov $0xffff;
	v1 =	vshrl.u32 v2, $0x3;
	s17 =	simm.s32 $0x4;
	s20 =	simm.s32 $0x8;
	s21 =	simm.s32 $0x5  }
0x20: {  	v0 =	vand.u32 $0x7, v2;
	v2 =	vor.u32 $0x8, v2;
	v1 =	vmul.u32 $0x8, v1;
	s22 =	simm.s32 $0x9;
	s23 =	simm.s32 $0xA;
	s24 =	simm.s32 $0x0  }
.LBB2_70:
0x21: {  	s0 =	rddreg [dreg:$0x15]  }
0x22: {  	[hbm4b:s0+s3] =	stream.linear.scatter [tilespmem:s19], [sflag:$0xA], $0x4000, $0x38;
	[tilespmem:$0x1C200] =	vst v63  }
0x23: {  	_ =	swait.ge [sflag:s12], $0x4000  }
0x24: {  	[sflag:s12] =	ssyncset.done $0x0  }
0x25: {  	[sflag:s12] =	ssyncadd.s32 $0xFFFFC000  }
.LBB2_71:
0x26: {  	s0 =	rddreg [dreg:$0x16]  }
0x27: {  	[hbm4b:s0+s3] =	stream.linear.scatter [tilespmem:s30], [sflag:$0x6], $0x4000, $0x38;
	[tilespmem:$0x1C200] =	vst v63  }
0x28: {  	_ =	swait.ge [sflag:s16], $0x4000  }
0x29: {  	[sflag:s16] =	ssyncset.done $0x0  }
0x2a: {  	[sflag:s16] =	ssyncadd.s32 $0xFFFFC000  }
0x2b: {  	_ =	swait.ge [sflag:s20], $0x4000  }
0x2c: {  	[sflag:s20] =	ssyncset.done $0x0  }
0x2d: {  	[sflag:s20] =	ssyncadd.s32 $0xFFFFC000  }
0x2e: {  	_ =	swait.ge [sflag:s22], $0x4000  }
0x2f: {  	[sflag:s22] =	ssyncset.done $0x0  }
0x30: {  	[sflag:s22] =	ssyncadd.s32 $0xFFFFC000  }
0x31: {  	_ =	swait.ge [sflag:s23], $0x4000  }
0x32: {  	[sflag:s23] =	ssyncset.done $0x0  }
0x33: {  	[sflag:s23] =	ssyncadd.s32 $0xFFFFC000  }
0x34: {  	_ =	swait.ge [sflag:s14], $0x4000  }
0x35: {  	s24 =	sadd.s32 $0x1, s24;
	s31 =	rddreg [dreg:$0x17]  }
0x36: {  	p0 =	sne.s32 s24, s31  }
.Ltmp1:
0x37: {  	_ = 	snop;
	(pc) =	sbr.rel @!p0 .LBB2_72-.Ltmp1, $3  }
0x38: {  	_ =	sdelay $0x1  }
0x39: {  	[sflag:s14] =	ssyncset.done $0x0  }
0x3a: {  	[sflag:s14] =	ssyncadd.s32 $0xFFFFC000  }
.LBB2_1:
0x3b: {  	s0 =	rddreg [dreg:$0x5];
	s2 =	simm.s32 $0x80;
	s4 =	simm.s32 $0x200  }
0x3c: {  	[tilespmem:s3], [sflag:$0xB] =	stream.strided.gather [hbm4b:s0+s2], $0x100, s4, s2, $0x38;
	[tilespmem:$0x1C200] =	vst v63  }
0x3d: {  	_ =	swait.ge [sflag:s29], $0x100  }
0x3e: {  	[sflag:s29] =	ssyncset.done $0x0  }
0x3f: {  	[sflag:s29] =	ssyncadd.s32 $0xFFFFFF00  }
0x40: {  	v3 =	vld [tilespmem:$0x0];
	_ =	sdelay $0x4  }
0x41: {  	v4 =	vshll.u32 v3, $0x3  }
0x42: {  	v3 =	vand.u32 $0x7, v3;
	v4 =	vand.u32 $0xFFFFFFC0, v4  }
0x43: {  	v3 =	vor.u32 v3, v4  }
0x44: {  	v4 =	vperm.xlane v3, v0;
	_ =	sdelay $0x1  }
0x45: {  	v4 =	vadd.s32 v1, v4;
	_ =	sdelay $0x4  }
0x46: {  	[tilespmem:s30], [sflag:$0x1] =	stream.indirect_vreg.gather [hbm4b:s1+s3], $0x80, v4, vm0, $0xb8;
	[tilespmem:$0x1C200] =	vst v63  }
0x47: {  	s11 =	simm.s32 $0x8A00;
	v3 =	vperm.xlane v3, v2  }
0x48: {  	[tilespmem:s11], [sflag:$0x1] =	stream.indirect_vreg.gather [hbm4b:s5+s3], $0x80, v4, vm0, $0xb8;
	[tilespmem:$0x1C200] =	vst v63  }
0x49: {  	s25 =	simm.s32 $0x9200;
	v3 =	vadd.s32 v1, v3  }
0x4a: {  	[tilespmem:s25], [sflag:$0x1] =	stream.indirect_vreg.gather [hbm4b:s6+s3], $0x80, v4, vm0, $0xb8;
	[tilespmem:$0x1C200] =	vst v63  }
0x4b: {  	s26 =	simm.s32 $0x9A00  }
0x4c: {  	[tilespmem:s26], [sflag:$0x1] =	stream.indirect_vreg.gather [hbm4b:s7+s3], $0x80, v4, vm0, $0xb8;
	[tilespmem:$0x1C200] =	vst v63  }
0x4d: {  	s28 =	simm.s32 $0xA200  }
0x4e: {  	[tilespmem:s28], [sflag:$0x1] =	stream.indirect_vreg.gather [hbm4b:s1+s3], $0x80, v3, vm0, $0xb8;
	[tilespmem:$0x1C200] =	vst v63  }
0x4f: {  	s31 =	simm.s32 $0xAA00  }
0x50: {  	[tilespmem:s31], [sflag:$0x1] =	stream.indirect_vreg.gather [hbm4b:s5+s3], $0x80, v3, vm0, $0xb8;
	[tilespmem:$0x1C200] =	vst v63  }
0x51: {  	s11 =	simm.s32 $0xB200  }
0x52: {  	[tilespmem:s11], [sflag:$0x1] =	stream.indirect_vreg.gather [hbm4b:s6+s3], $0x80, v3, vm0, $0xb8;
	[tilespmem:$0x1C200] =	vst v63  }
0x53: {  	_ = 	snop  }
0x54: {  	[tilespmem:s9], [sflag:$0x1] =	stream.indirect_vreg.gather [hbm4b:s7+s3], $0x80, v3, vm0, $0xb8;
	[tilespmem:$0x1C200] =	vst v63  }
0x55: {  	v3 =	vld [tilespmem:$0x10];
	_ =	sdelay $0x4  }
0x56: {  	v36 =	vshll.u32 v3, $0x3  }
0x57: {  	v3 =	vand.u32 $0x7, v3;
	v4 =	vand.u32 $0xFFFFFFC0, v36  }
0x58: {  	v3 =	vor.u32 v3, v4  }
0x59: {  	v4 =	vperm.xlane v3, v0;
	_ =	sdelay $0x1  }
0x5a: {  	v4 =	vadd.s32 v1, v4;
	_ =	sdelay $0x4  }
0x5b: {  	[tilespmem:s10], [sflag:$0x2] =	stream.indirect_vreg.gather [hbm4b:s1+s3], $0x80, v4, vm0, $0xb8;
	[tilespmem:$0x1C200] =	vst v63  }
0x5c: {  	s25 =	simm.s32 $0xCA00;
	v3 =	vperm.xlane v3, v2  }
0x5d: {  	[tilespmem:s25], [sflag:$0x2] =	stream.indirect_vreg.gather [hbm4b:s5+s3], $0x80, v4, vm0, $0xb8;
	[tilespmem:$0x1C200] =	vst v63  }
0x5e: {  	s26 =	simm.s32 $0xD200;
	v3 =	vadd.s32 v1, v3  }
0x5f: {  	[tilespmem:s26], [sflag:$0x2] =	stream.indirect_vreg.gather [hbm4b:s6+s3], $0x80, v4, vm0, $0xb8;
	[tilespmem:$0x1C200] =	vst v63  }
0x60: {  	s28 =	simm.s32 $0xDA00  }
0x61: {  	[tilespmem:s28], [sflag:$0x2] =	stream.indirect_vreg.gather [hbm4b:s7+s3], $0x80, v4, vm0, $0xb8;
	[tilespmem:$0x1C200] =	vst v63  }
0x62: {  	s31 =	simm.s32 $0xE200  }
0x63: {  	[tilespmem:s31], [sflag:$0x2] =	stream.indirect_vreg.gather [hbm4b:s1+s3], $0x80, v3, vm0, $0xb8;
	[tilespmem:$0x1C200] =	vst v63  }
0x64: {  	s11 =	simm.s32 $0xEA00  }
0x65: {  	[tilespmem:s11], [sflag:$0x2] =	stream.indirect_vreg.gather [hbm4b:s5+s3], $0x80, v3, vm0, $0xb8;
	[tilespmem:$0x1C200] =	vst v63  }
0x66: {  	s25 =	simm.s32 $0xF200  }
0x67: {  	[tilespmem:s25], [sflag:$0x2] =	stream.indirect_vreg.gather [hbm4b:s6+s3], $0x80, v3, vm0, $0xb8;
	[tilespmem:$0x1C200] =	vst v63  }
0x68: {  	s26 =	simm.s32 $0xFA00  }
0x69: {  	[tilespmem:s26], [sflag:$0x2] =	stream.indirect_vreg.gather [hbm4b:s7+s3], $0x80, v3, vm0, $0xb8;
	[tilespmem:$0x1C200] =	vst v63  }
0x6a: {  	v3 =	vld [tilespmem:$0x20];
	_ =	sdelay $0x4  }
0x6b: {  	v37 =	vshll.u32 v3, $0x3  }
0x6c: {  	v3 =	vand.u32 $0x7, v3;
	v4 =	vand.u32 $0xFFFFFFC0, v37  }
0x6d: {  	v3 =	vor.u32 v3, v4  }
0x6e: {  	v4 =	vperm.xlane v3, v0;
	_ =	sdelay $0x1  }
0x6f: {  	v4 =	vadd.s32 v1, v4;
	_ =	sdelay $0x4  }
0x70: {  	[tilespmem:s18], [sflag:$0x3] =	stream.indirect_vreg.gather [hbm4b:s1+s3], $0x80, v4, vm0, $0xb8;
	[tilespmem:$0x1C200] =	vst v63  }
0x71: {  	s28 =	simm.s32 $0x10A00;
	v3 =	vperm.xlane v3, v2  }
0x72: {  	[tilespmem:s28], [sflag:$0x3] =	stream.indirect_vreg.gather [hbm4b:s5+s3], $0x80, v4, vm0, $0xb8;
	[tilespmem:$0x1C200] =	vst v63  }
0x73: {  	s31 =	simm.s32 $0x11200;
	v3 =	vadd.s32 v1, v3  }
0x74: {  	[tilespmem:s31], [sflag:$0x3] =	stream.indirect_vreg.gather [hbm4b:s6+s3], $0x80, v4, vm0, $0xb8;
	[tilespmem:$0x1C200] =	vst v63  }
0x75: {  	s11 =	simm.s32 $0x11A00  }
0x76: {  	[tilespmem:s11], [sflag:$0x3] =	stream.indirect_vreg.gather [hbm4b:s7+s3], $0x80, v4, vm0, $0xb8;
	[tilespmem:$0x1C200] =	vst v63  }
0x77: {  	s25 =	simm.s32 $0x12200  }
0x78: {  	[tilespmem:s25], [sflag:$0x3] =	stream.indirect_vreg.gather [hbm4b:s1+s3], $0x80, v3, vm0, $0xb8;
	[tilespmem:$0x1C200] =	vst v63  }
0x79: {  	s26 =	simm.s32 $0x12A00  }
0x7a: {  	[tilespmem:s26], [sflag:$0x3] =	stream.indirect_vreg.gather [hbm4b:s5+s3], $0x80, v3, vm0, $0xb8;
	[tilespmem:$0x1C200] =	vst v63  }
0x7b: {  	s28 =	simm.s32 $0x13200  }
0x7c: {  	[tilespmem:s28], [sflag:$0x3] =	stream.indirect_vreg.gather [hbm4b:s6+s3], $0x80, v3, vm0, $0xb8;
	[tilespmem:$0x1C200] =	vst v63  }
0x7d: {  	s31 =	simm.s32 $0x13A00  }
0x7e: {  	[tilespmem:s31], [sflag:$0x3] =	stream.indirect_vreg.gather [hbm4b:s7+s3], $0x80, v3, vm0, $0xb8;
	[tilespmem:$0x1C200] =	vst v63  }
0x7f: {  	v3 =	vld [tilespmem:$0x30];
	_ =	sdelay $0x4  }
0x80: {  	v38 =	vshll.u32 v3, $0x3  }
0x81: {  	v3 =	vand.u32 $0x7, v3;
	v4 =	vand.u32 $0xFFFFFFC0, v38  }
0x82: {  	v3 =	vor.u32 v3, v4  }
0x83: {  	v4 =	vperm.xlane v3, v0;
	_ =	sdelay $0x1  }
0x84: {  	v4 =	vadd.s32 v1, v4;
	_ =	sdelay $0x4  }
0x85: {  	[tilespmem:s8], [sflag:$0x4] =	stream.indirect_vreg.gather [hbm4b:s1+s3], $0x80, v4, vm0, $0xb8;
	[tilespmem:$0x1C200] =	vst v63  }
0x86: {  	s11 =	simm.s32 $0x14A00;
	v3 =	vperm.xlane v3, v2  }
0x87: {  	[tilespmem:s11], [sflag:$0x4] =	stream.indirect_vreg.gather [hbm4b:s5+s3], $0x80, v4, vm0, $0xb8;
	[tilespmem:$0x1C200] =	vst v63  }
0x88: {  	s25 =	simm.s32 $0x15200;
	v3 =	vadd.s32 v1, v3  }
0x89: {  	[tilespmem:s25], [sflag:$0x4] =	stream.indirect_vreg.gather [hbm4b:s6+s3], $0x80, v4, vm0, $0xb8;
	[tilespmem:$0x1C200] =	vst v63  }
0x8a: {  	s26 =	simm.s32 $0x15A00  }
0x8b: {  	[tilespmem:s26], [sflag:$0x4] =	stream.indirect_vreg.gather [hbm4b:s7+s3], $0x80, v4, vm0, $0xb8;
	[tilespmem:$0x1C200] =	vst v63  }
0x8c: {  	s28 =	simm.s32 $0x16200  }
0x8d: {  	[tilespmem:s28], [sflag:$0x4] =	stream.indirect_vreg.gather [hbm4b:s1+s3], $0x80, v3, vm0, $0xb8;
	[tilespmem:$0x1C200] =	vst v63  }
0x8e: {  	s31 =	simm.s32 $0x16A00  }
0x8f: {  	[tilespmem:s31], [sflag:$0x4] =	stream.indirect_vreg.gather [hbm4b:s5+s3], $0x80, v3, vm0, $0xb8;
	[tilespmem:$0x1C200] =	vst v63  }
0x90: {  	s11 =	simm.s32 $0x17200  }
0x91: {  	[tilespmem:s11], [sflag:$0x4] =	stream.indirect_vreg.gather [hbm4b:s6+s3], $0x80, v3, vm0, $0xb8;
	[tilespmem:$0x1C200] =	vst v63  }
0x92: {  	s25 =	simm.s32 $0x17A00  }
0x93: {  	[tilespmem:s25], [sflag:$0x4] =	stream.indirect_vreg.gather [hbm4b:s7+s3], $0x80, v3, vm0, $0xb8;
	[tilespmem:$0x1C200] =	vst v63  }
0x94: {  	v3 =	vld [tilespmem:$0x40];
	_ =	sdelay $0x4  }
0x95: {  	v39 =	vshll.u32 v3, $0x3  }
0x96: {  	v3 =	vand.u32 $0x7, v3;
	v4 =	vand.u32 $0xFFFFFFC0, v39  }
0x97: {  	v3 =	vor.u32 v3, v4  }
0x98: {  	v4 =	vperm.xlane v3, v0;
	_ =	sdelay $0x1  }
0x99: {  	v4 =	vadd.s32 v1, v4;
	_ =	sdelay $0x4  }
0x9a: {  	[tilespmem:s19], [sflag:$0x5] =	stream.indirect_vreg.gather [hbm4b:s1+s3], $0x80, v4, vm0, $0xb8;
	[tilespmem:$0x1C200] =	vst v63  }
0x9b: {  	s26 =	simm.s32 $0x18A00;
	v3 =	vperm.xlane v3, v2  }
0x9c: {  	[tilespmem:s26], [sflag:$0x5] =	stream.indirect_vreg.gather [hbm4b:s5+s3], $0x80, v4, vm0, $0xb8;
	[tilespmem:$0x1C200] =	vst v63  }
0x9d: {  	s28 =	simm.s32 $0x19200;
	v3 =	vadd.s32 v1, v3  }
0x9e: {  	[tilespmem:s28], [sflag:$0x5] =	stream.indirect_vreg.gather [hbm4b:s6+s3], $0x80, v4, vm0, $0xb8;
	[tilespmem:$0x1C200] =	vst v63  }
0x9f: {  	s31 =	simm.s32 $0x19A00  }
0xa0: {  	[tilespmem:s31], [sflag:$0x5] =	stream.indirect_vreg.gather [hbm4b:s7+s3], $0x80, v4, vm0, $0xb8;
	[tilespmem:$0x1C200] =	vst v63  }
0xa1: {  	s11 =	simm.s32 $0x1A200  }
0xa2: {  	[tilespmem:s11], [sflag:$0x5] =	stream.indirect_vreg.gather [hbm4b:s1+s3], $0x80, v3, vm0, $0xb8;
	[tilespmem:$0x1C200] =	vst v63  }
0xa3: {  	s25 =	simm.s32 $0x1AA00  }
0xa4: {  	[tilespmem:s25], [sflag:$0x5] =	stream.indirect_vreg.gather [hbm4b:s5+s3], $0x80, v3, vm0, $0xb8;
	[tilespmem:$0x1C200] =	vst v63  }
0xa5: {  	s26 =	simm.s32 $0x1B200  }
0xa6: {  	[tilespmem:s26], [sflag:$0x5] =	stream.indirect_vreg.gather [hbm4b:s6+s3], $0x80, v3, vm0, $0xb8;
	[tilespmem:$0x1C200] =	vst v63  }
0xa7: {  	s28 =	simm.s32 $0x1BA00  }
0xa8: {  	[tilespmem:s28], [sflag:$0x5] =	stream.indirect_vreg.gather [hbm4b:s7+s3], $0x80, v3, vm0, $0xb8;
	[tilespmem:$0x1C200] =	vst v63  }
0xa9: {  	s31 =	rddreg [dreg:$0x7];
	s11 =	simm.s32 $0x100  }
0xaa: {  	[tilespmem:s11], [sflag:$0xB] =	stream.strided.gather [hbm4b:s31+s2], $0x100, s4, s2, $0x38;
	[tilespmem:$0x1C200] =	vst v63  }
0xab: {  	_ =	swait.ge [sflag:s29], $0x100  }
0xac: {  	[sflag:s29] =	ssyncset.done $0x0  }
0xad: {  	[sflag:s29] =	ssyncadd.s32 $0xFFFFFF00  }
0xae: {  	v3 =	vld [tilespmem:$0x100]  }
0xaf: {  	v40 =	vld [tilespmem:$0x110]  }
0xb0: {  	v5 =	vld [tilespmem:$0x120]  }
0xb1: {  	v6 =	vld [tilespmem:$0x130]  }
0xb2: {  	v7 =	vld [tilespmem:$0x140]  }
0xb3: {  	v8 =	vld [tilespmem:$0x150]  }
0xb4: {  	v9 =	vld [tilespmem:$0x160];
	v3 =	vxor.u32 $0x1, v3;
	v4 =	vxor.u32 $0x1, v40  }
0xb5: {  	v42 =	vld [tilespmem:$0x170];
	v41 =	vxor.u32 $0x1, v5;
	v3 =	vor.u32 v3, v4  }
0xb6: {  	v44 =	vld [tilespmem:$0x180];
	v43 =	vxor.u32 $0x1, v6;
	v3 =	vor.u32 v3, v41  }
0xb7: {  	v46 =	vld [tilespmem:$0x190];
	v45 =	vxor.u32 $0x1, v7;
	v3 =	vor.u32 v3, v43  }
0xb8: {  	v48 =	vld [tilespmem:$0x1A0];
	v47 =	vxor.u32 $0x1, v8;
	v3 =	vor.u32 v3, v45  }
0xb9: {  	v50 =	vld [tilespmem:$0x1B0];
	v49 =	vxor.u32 $0x1, v9;
	v3 =	vor.u32 v3, v47  }
0xba: {  	v52 =	vld [tilespmem:$0x1C0];
	v51 =	vxor.u32 $0x1, v42;
	v3 =	vor.u32 v3, v49  }
0xbb: {  	v54 =	vld [tilespmem:$0x1D0];
	v53 =	vxor.u32 $0x1, v44;
	v3 =	vor.u32 v3, v51  }
0xbc: {  	v56 =	vld [tilespmem:$0x1E0];
	v55 =	vxor.u32 $0x1, v46;
	v3 =	vor.u32 v3, v53  }
0xbd: {  	v58 =	vld [tilespmem:$0x1F0];
	v57 =	vxor.u32 $0x1, v48;
	v3 =	vor.u32 v3, v55  }
0xbe: {  	v59 =	vxor.u32 $0x1, v50;
	v3 =	vor.u32 v3, v57  }
0xbf: {  	v60 =	vxor.u32 $0x1, v52;
	v3 =	vor.u32 v3, v59  }
0xc0: {  	v61 =	vxor.u32 $0x1, v54;
	v3 =	vor.u32 v3, v60  }
0xc1: {  	v62 =	vxor.u32 $0x1, v56;
	v3 =	vor.u32 v3, v61  }
0xc2: {  	v63 =	vxor.u32 $0x1, v58;
	v3 =	vor.u32 v3, v62  }
0xc3: {  	v3 =	vor.u32 v3, v63  }
0xc4: {  	(v2sf) =	vpush v3, $0x0  }
0xc5: {  	(v2sf) =	vpush v3, $0x1  }
0xc6: {  	(v2sf) =	vpush v3, $0x2  }
0xc7: {  	(v2sf) =	vpush v3, $0x3  }
0xc8: {  	(v2sf) =	vpush v3, $0x4  }
0xc9: {  	(v2sf) =	vpush v3, $0x5  }
0xca: {  	(v2sf) =	vpush v3, $0x6  }
0xcb: {  	(v2sf) =	vpush v3, $0x7  }
0xcc: {  	(v2sf) =	vpush v3, $0x8  }
0xcd: {  	(v2sf) =	vpush v3, $0x9  }
0xce: {  	(v2sf) =	vpush v3, $0xA  }
0xcf: {  	(v2sf) =	vpush v3, $0xB  }
0xd0: {  	(v2sf) =	vpush v3, $0xC  }
0xd1: {  	(v2sf) =	vpush v3, $0xD  }
0xd2: {  	(v2sf) =	vpush v3, $0xE  }
0xd3: {  	s25 =	spop (v2sf);
	(v2sf) =	vpush v3, $0xF  }
0xd4: {  	s26 =	spop (v2sf)  }
0xd5: {  	s0 =	sor.u32 s26, s25;
	s28 =	spop (v2sf)  }
0xd6: {  	s0 =	sor.u32 s28, s0;
	s31 =	spop (v2sf)  }
0xd7: {  	s0 =	sor.u32 s31, s0;
	s4 =	spop (v2sf)  }
0xd8: {  	s0 =	sor.u32 s4, s0;
	s11 =	spop (v2sf)  }
0xd9: {  	s0 =	sor.u32 s11, s0;
	s25 =	spop (v2sf)  }
0xda: {  	s0 =	sor.u32 s25, s0;
	s26 =	spop (v2sf)  }
0xdb: {  	s0 =	sor.u32 s26, s0;
	s28 =	spop (v2sf)  }
0xdc: {  	s0 =	sor.u32 s28, s0;
	s31 =	spop (v2sf)  }
0xdd: {  	s0 =	sor.u32 s31, s0;
	s4 =	spop (v2sf)  }
0xde: {  	s0 =	sor.u32 s4, s0;
	s11 =	spop (v2sf)  }
0xdf: {  	s0 =	sor.u32 s11, s0;
	s25 =	spop (v2sf)  }
0xe0: {  	s0 =	sor.u32 s25, s0;
	s26 =	spop (v2sf)  }
0xe1: {  	s0 =	sor.u32 s26, s0;
	s28 =	spop (v2sf)  }
0xe2: {  	s0 =	sor.u32 s28, s0;
	s31 =	spop (v2sf)  }
0xe3: {  	s0 =	sor.u32 s31, s0  }
0xe4: {  	p0 =	seq.s32 s0, $0x0  }
.Ltmp2:
0xe5: {  	_ = 	snop;
	(pc) =	sbr.rel @p0 .LBB2_8-.Ltmp2, $2  }
0xe6: {  	_ =	sdelay $0x2  }
0xe7: {  	s25 =	simm.s32 $0x600  }
0xe8: {  	s0 =	sshra.s32 s3, $0x2  }
0xe9: {  	v3 =	vld [tilespmem:s0+$0x100];
	_ =	sdelay $0x4  }
0xea: {  	v3 =	vcvt.s32.f32 v3;
	_ =	sdelay $0x1  }
0xeb: {  	v4 =	vbroadcast v3, $0x0  }
0xec: {  	v5 =	vbroadcast v3, $0x1  }
0xed: {  	v6 =	vbroadcast v3, $0x2;
	[tilespmem:s25+$0xFFFFFC00] =	vst v4  }
0xee: {  	v52 =	vbroadcast v3, $0x3;
	[tilespmem:s25+$0xFFFFFC80] =	vst v5  }
0xef: {  	v53 =	vbroadcast v3, $0x4;
	[tilespmem:s25+$0xFFFFFD00] =	vst v6  }
0xf0: {  	v54 =	vbroadcast v3, $0x5;
	[tilespmem:s25+$0xFFFFFD80] =	vst v52  }
0xf1: {  	v55 =	vbroadcast v3, $0x6;
	[tilespmem:s25+$0xFFFFFE00] =	vst v53  }
0xf2: {  	v56 =	vbroadcast v3, $0x7;
	[tilespmem:s25+$0xFFFFFE80] =	vst v54  }
0xf3: {  	v57 =	vbroadcast v3, $0x8;
	[tilespmem:s25+$0xFFFFFF00] =	vst v55  }
0xf4: {  	v58 =	vbroadcast v3, $0x9;
	[tilespmem:s25+$0xFFFFFF80] =	vst v56  }
0xf5: {  	v59 =	vbroadcast v3, $0xA;
	[tilespmem:s25+$0x0] =	vst v57  }
0xf6: {  	v60 =	vbroadcast v3, $0xB;
	[tilespmem:s25+$0x80] =	vst v58  }
0xf7: {  	v61 =	vbroadcast v3, $0xC;
	[tilespmem:s25+$0x100] =	vst v59  }
0xf8: {  	v62 =	vbroadcast v3, $0xD;
	[tilespmem:s25+$0x180] =	vst v60  }
0xf9: {  	v63 =	vbroadcast v3, $0xE;
	[tilespmem:s25+$0x200] =	vst v61  }
0xfa: {  	v3 =	vbroadcast v3, $0xF;
	[tilespmem:s25+$0x280] =	vst v62  }
0xfb: {  	s2 =	sadd.s32 $0x40, s3;
	[tilespmem:s25+$0x300] =	vst v63  }
0xfc: {  	s0 =	sshra.s32 s2, $0x2;
	s11 =	sadd.s32 $0x40, s2;
	[tilespmem:s25+$0x380] =	vst v3  }
.LBB2_3:
0xfd: {  	p1 =	sne.s32 s11, $0x3C0;
	v3 =	vld [tilespmem:s0+$0x100];
	_ =	sdelay $0x4  }
0xfe: {  	v3 =	vcvt.s32.f32 v3;
	_ =	sdelay $0x1  }
0xff: {  	v4 =	vbroadcast v3, $0x0;
	v5 =	vbroadcast v3, $0x1  }
0x100: {  	s25 =	sadd.s32 $0x800, s25;
	v6 =	vbroadcast v3, $0x2;
	v7 =	vbroadcast v3, $0x3  }
0x101: {  	v8 =	vbroadcast v3, $0x5;
	[tilespmem:s25+$0xFFFFFC00] =	vst v4;
	v4 =	vbroadcast v3, $0x4  }
0x102: {  	v9 =	vbroadcast v3, $0x7;
	[tilespmem:s25+$0xFFFFFC80] =	vst v5;
	v5 =	vbroadcast v3, $0x6  }
0x103: {  	v10 =	vbroadcast v3, $0x9;
	[tilespmem:s25+$0xFFFFFD00] =	vst v6;
	v6 =	vbroadcast v3, $0x8  }
0x104: {  	v11 =	vbroadcast v3, $0xB;
	[tilespmem:s25+$0xFFFFFD80] =	vst v7;
	v7 =	vbroadcast v3, $0xA  }
0x105: {  	v12 =	vbroadcast v3, $0xD;
	[tilespmem:s25+$0xFFFFFE00] =	vst v4;
	v4 =	vbroadcast v3, $0xC  }
0x106: {  	[tilespmem:s25+$0xFFFFFE80] =	vst v8;
	v8 =	vbroadcast v3, $0xE;
	v3 =	vbroadcast v3, $0xF  }
0x107: {  	[tilespmem:s25+$0xFFFFFF00] =	vst v5  }
0x108: {  	[tilespmem:s25+$0xFFFFFF80] =	vst v9  }
0x109: {  	[tilespmem:s25+$0x0] =	vst v6  }
0x10a: {  	[tilespmem:s25+$0x80] =	vst v10  }
0x10b: {  	[tilespmem:s25+$0x100] =	vst v7  }
.Ltmp3:
0x10c: {  	[tilespmem:s25+$0x180] =	vst v11;
	(pc) =	sbr.rel @p1 .LBB2_3-.Ltmp3, $4  }
0x10d: {  	[tilespmem:s25+$0x200] =	vst v4  }
0x10e: {  	[tilespmem:s25+$0x280] =	vst v12  }
0x10f: {  	[tilespmem:s25+$0x300] =	vst v8  }
0x110: {  	s0 =	sshra.s32 s11, $0x2;
	s11 =	sadd.s32 $0x40, s11;
	[tilespmem:s25+$0x380] =	vst v3  }
0x111: {  	v3 =	vld [tilespmem:s0+$0x100];
	_ =	sdelay $0x4  }
0x112: {  	v3 =	vcvt.s32.f32 v3;
	_ =	sdelay $0x1  }
0x113: {  	v4 =	vbroadcast v3, $0x0  }
0x114: {  	s31 =	sadd.s32 $0x800, s25;
	v5 =	vbroadcast v3, $0x1  }
0x115: {  	v6 =	vbroadcast v3, $0x2;
	[tilespmem:s31+$0xFFFFFC00] =	vst v4  }
0x116: {  	v52 =	vbroadcast v3, $0x3;
	[tilespmem:s31+$0xFFFFFC80] =	vst v5  }
0x117: {  	v53 =	vbroadcast v3, $0x4;
	[tilespmem:s31+$0xFFFFFD00] =	vst v6  }
0x118: {  	v54 =	vbroadcast v3, $0x5;
	[tilespmem:s31+$0xFFFFFD80] =	vst v52  }
0x119: {  	v55 =	vbroadcast v3, $0x6;
	[tilespmem:s31+$0xFFFFFE00] =	vst v53  }
0x11a: {  	v56 =	vbroadcast v3, $0x7;
	[tilespmem:s31+$0xFFFFFE80] =	vst v54  }
0x11b: {  	v57 =	vbroadcast v3, $0x8;
	[tilespmem:s31+$0xFFFFFF00] =	vst v55  }
0x11c: {  	v58 =	vbroadcast v3, $0x9;
	[tilespmem:s31+$0xFFFFFF80] =	vst v56  }
0x11d: {  	v59 =	vbroadcast v3, $0xA;
	[tilespmem:s31+$0x0] =	vst v57  }
0x11e: {  	v60 =	vbroadcast v3, $0xB;
	[tilespmem:s31+$0x80] =	vst v58  }
0x11f: {  	v61 =	vbroadcast v3, $0xC;
	[tilespmem:s31+$0x100] =	vst v59  }
0x120: {  	v62 =	vbroadcast v3, $0xD;
	[tilespmem:s31+$0x180] =	vst v60  }
0x121: {  	v63 =	vbroadcast v3, $0xE;
	[tilespmem:s31+$0x200] =	vst v61  }
0x122: {  	v3 =	vbroadcast v3, $0xF;
	[tilespmem:s31+$0x280] =	vst v62  }
0x123: {  	[tilespmem:s31+$0x300] =	vst v63  }
0x124: {  	[tilespmem:s31+$0x380] =	vst v3  }
0x125: {  	_ =	swait.ge [sflag:s12], $0x4000  }
0x126: {  	[sflag:s12] =	ssyncset.done $0x0  }
0x127: {  	s11 =	simm.s32 $0x0;
	s25 =	simm.s32 $0x0;
	[sflag:s12] =	ssyncadd.s32 $0xFFFFC000  }
.LBB2_5:
0x128: {  	s0 =	sshll.u32 s25, $0x7;
	s2 =	sshll.u32 s25, $0xA  }
0x129: {  	s2 =	sand.u32 $0x2000, s2;
	s4 =	sand.u32 $0x380, s0  }
0x12a: {  	s2 =	sor.u32 s4, s2  }
0x12b: {  	s4 =	sand.u32 $0x1C00, s11;
	s31 =	sadd.s32 $0x8200, s2  }
0x12c: {  	s26 =	sand.u32 $0x70, s11;
	s0 =	sand.u32 $0x3FFFFF80, s0;
	s2 =	sadd.s32 s4, s31  }
0x12d: {  	v3 =	vld [tilespmem:s0+$0x200];
	s0 =	sadd.s32 s26, s2  }
0x12e: {  	v4 =	vld [tilespmem:s0+$0x0];
	_ =	sdelay $0x3  }
0x12f: {  	s2 =	simm.s32 $0x80  }
0x130: {  	s28 =	simm.s32 $0x10;
	s26 =	simm.s32 $0x20;
	s4 =	sand.u32 $0x1C00, s2;
	v4 =	vmul.f32 v4, v3  }
.LBB2_6:
0x131: {  	p1 =	sne.s32 s26, $0x3F0;
	s28 =	sand.u32 $0x70, s28;
	s4 =	sadd.s32 s4, s31  }
0x132: {  	[tilespmem:s0+$0x0] =	vst v4;
	s0 =	sadd.s32 s28, s4;
	s28 =	smov.u32 s26  }
0x133: {  	v4 =	vld [tilespmem:s0+$0x0]  }
.Ltmp4:
0x134: {  	(pc) =	sbr.rel @p1 .LBB2_6-.Ltmp4, $3  }
0x135: {  	_ =	sdelay $0x1  }
0x136: {  	s2 =	sadd.s32 $0x80, s2  }
0x137: {  	s4 =	sand.u32 $0x1C00, s2;
	s26 =	sadd.s32 $0x10, s26;
	v4 =	vmul.f32 v4, v3  }
0x138: {  	s2 =	sand.u32 $0x70, s28;
	s4 =	sadd.s32 s4, s31  }
0x139: {  	s2 =	sadd.s32 s2, s4;
	[tilespmem:s0+$0x0] =	vst v4  }
0x13a: {  	v4 =	vld [tilespmem:s2+$0x0]  }
0x13b: {  	s25 =	sadd.s32 $0x1, s25  }
0x13c: {  	p1 =	seq.s32 s25, $0x10  }
.Ltmp5:
0x13d: {  	_ = 	snop;
	(pc) =	sbr.rel @!p1 .LBB2_5-.Ltmp5, $4  }
.Ltmp6:
0x13e: {  	_ = 	snop;
	(pc) =	sbr.rel @p1 .LBB2_9-.Ltmp6, $4  }
0x13f: {  	v3 =	vmul.f32 v4, v3  }
0x140: {  	_ = 	snop  }
0x141: {  	[tilespmem:s2+$0x0] =	vst v3  }
0x142: {  	_ = 	snop  }
.LBB2_8:
0x143: {  	_ =	swait.ge [sflag:s12], $0x4000  }
0x144: {  	[sflag:s12] =	ssyncset.done $0x0  }
0x145: {  	[sflag:s12] =	ssyncadd.s32 $0xFFFFC000  }
.LBB2_9:
.Ltmp7:
0x146: {  	s11 =	simm.s32 $0x0;
	s0 =	rddreg [dreg:$0x6];
	(pc) =	sbr.rel @p0 .LBB2_13-.Ltmp7, $4  }
0x147: {  	[hbm4b:s0+s11] =	stream.linear.scatter [tilespmem:s30], [sflag:$0x6], $0x4000, $0x38;
	[tilespmem:$0x1C200] =	vst v63  }
0x148: {  	_ =	swait.ge [sflag:s13], $0x4000  }
0x149: {  	[sflag:s13] =	ssyncset.done $0x0  }
0x14a: {  	s25 =	simm.s32 $0x0;
	[sflag:s13] =	ssyncadd.s32 $0xFFFFC000  }
.LBB2_10:
0x14b: {  	s0 =	sshll.u32 s25, $0x7;
	s2 =	sshll.u32 s25, $0xA  }
0x14c: {  	s2 =	sand.u32 $0x2000, s2;
	s4 =	sand.u32 $0x380, s0  }
0x14d: {  	s2 =	sor.u32 s4, s2  }
0x14e: {  	s4 =	sand.u32 $0x1C00, s11;
	s31 =	sadd.s32 $0xC200, s2  }
0x14f: {  	s26 =	sand.u32 $0x70, s11;
	s0 =	sand.u32 $0x3FFFFF80, s0;
	s2 =	sadd.s32 s4, s31  }
0x150: {  	v3 =	vld [tilespmem:s0+$0xA00];
	s0 =	sadd.s32 s26, s2  }
0x151: {  	v4 =	vld [tilespmem:s0+$0x0];
	_ =	sdelay $0x3  }
0x152: {  	s2 =	simm.s32 $0x80  }
0x153: {  	s28 =	simm.s32 $0x10;
	s26 =	simm.s32 $0x20;
	s4 =	sand.u32 $0x1C00, s2;
	v4 =	vmul.f32 v4, v3  }
.LBB2_11:
0x154: {  	p1 =	sne.s32 s26, $0x3F0;
	s28 =	sand.u32 $0x70, s28;
	s4 =	sadd.s32 s4, s31  }
0x155: {  	[tilespmem:s0+$0x0] =	vst v4;
	s0 =	sadd.s32 s28, s4;
	s28 =	smov.u32 s26  }
0x156: {  	v4 =	vld [tilespmem:s0+$0x0]  }
.Ltmp8:
0x157: {  	(pc) =	sbr.rel @p1 .LBB2_11-.Ltmp8, $3  }
0x158: {  	_ =	sdelay $0x1  }
0x159: {  	s2 =	sadd.s32 $0x80, s2  }
0x15a: {  	s4 =	sand.u32 $0x1C00, s2;
	s26 =	sadd.s32 $0x10, s26;
	v4 =	vmul.f32 v4, v3  }
0x15b: {  	s2 =	sand.u32 $0x70, s28;
	s4 =	sadd.s32 s4, s31  }
0x15c: {  	s2 =	sadd.s32 s2, s4;
	[tilespmem:s0+$0x0] =	vst v4  }
0x15d: {  	v4 =	vld [tilespmem:s2+$0x0]  }
0x15e: {  	s25 =	sadd.s32 $0x1, s25  }
0x15f: {  	p1 =	sne.s32 s25, $0x10  }
.Ltmp9:
0x160: {  	_ = 	snop;
	(pc) =	sbr.rel @p1 .LBB2_10-.Ltmp9, $3  }
0x161: {  	_ = 	snop  }
0x162: {  	v3 =	vmul.f32 v4, v3;
	_ =	sdelay $0x1  }
0x163: {  	[tilespmem:s2+$0x0] =	vst v3  }
.LBB2_13:
0x164: {  	s25 =	simm.s32 $0x0;
	s0 =	rddreg [dreg:$0x8]  }
0x165: {  	[hbm4b:s0+s25] =	stream.linear.scatter [tilespmem:s10], [sflag:$0x7], $0x4000, $0x38;
	[tilespmem:$0x1C200] =	vst v63  }
0x166: {  	_ =	swait.ge [sflag:s14], $0x4000  }
0x167: {  	[sflag:s14] =	ssyncset.done $0x0  }
0x168: {  	[sflag:s14] =	ssyncadd.s32 $0xFFFFC000  }
0x169: {  	v3 =	vld [tilespmem:$0x50];
	_ =	sdelay $0x4  }
0x16a: {  	v4 =	vshll.u32 v3, $0x3  }
0x16b: {  	v3 =	vand.u32 $0x7, v3;
	v4 =	vand.u32 $0xFFFFFFC0, v4  }
0x16c: {  	v3 =	vor.u32 v3, v4  }
0x16d: {  	v4 =	vperm.xlane v3, v0;
	_ =	sdelay $0x1  }
0x16e: {  	v4 =	vadd.s32 v1, v4;
	_ =	sdelay $0x4  }
0x16f: {  	[tilespmem:s30], [sflag:$0x1] =	stream.indirect_vreg.gather [hbm4b:s1+s25], $0x80, v4, vm0, $0xb8;
	[tilespmem:$0x1C200] =	vst v63  }
0x170: {  	s2 =	simm.s32 $0x8A00;
	v3 =	vperm.xlane v3, v2  }
0x171: {  	[tilespmem:s2], [sflag:$0x1] =	stream.indirect_vreg.gather [hbm4b:s5+s25], $0x80, v4, vm0, $0xb8;
	[tilespmem:$0x1C200] =	vst v63  }
0x172: {  	s4 =	simm.s32 $0x9200;
	v3 =	vadd.s32 v1, v3  }
0x173: {  	[tilespmem:s4], [sflag:$0x1] =	stream.indirect_vreg.gather [hbm4b:s6+s25], $0x80, v4, vm0, $0xb8;
	[tilespmem:$0x1C200] =	vst v63  }
0x174: {  	s11 =	simm.s32 $0x9A00  }
0x175: {  	[tilespmem:s11], [sflag:$0x1] =	stream.indirect_vreg.gather [hbm4b:s7+s25], $0x80, v4, vm0, $0xb8;
	[tilespmem:$0x1C200] =	vst v63  }
0x176: {  	s26 =	simm.s32 $0xA200  }
0x177: {  	[tilespmem:s26], [sflag:$0x1] =	stream.indirect_vreg.gather [hbm4b:s1+s25], $0x80, v3, vm0, $0xb8;
	[tilespmem:$0x1C200] =	vst v63  }
0x178: {  	s28 =	simm.s32 $0xAA00  }
0x179: {  	[tilespmem:s28], [sflag:$0x1] =	stream.indirect_vreg.gather [hbm4b:s5+s25], $0x80, v3, vm0, $0xb8;
	[tilespmem:$0x1C200] =	vst v63  }
0x17a: {  	s31 =	simm.s32 $0xB200  }
0x17b: {  	[tilespmem:s31], [sflag:$0x1] =	stream.indirect_vreg.gather [hbm4b:s6+s25], $0x80, v3, vm0, $0xb8;
	[tilespmem:$0x1C200] =	vst v63  }
.Ltmp10:
0x17c: {  	_ = 	snop;
	(pc) =	sbr.rel @p0 .LBB2_17-.Ltmp10, $4  }
0x17d: {  	[tilespmem:s9], [sflag:$0x1] =	stream.indirect_vreg.gather [hbm4b:s7+s25], $0x80, v3, vm0, $0xb8;
	[tilespmem:$0x1C200] =	vst v63  }
0x17e: {  	_ =	swait.ge [sflag:s15], $0x4000  }
0x17f: {  	[sflag:s15] =	ssyncset.done $0x0  }
0x180: {  	s11 =	simm.s32 $0x0;
	[sflag:s15] =	ssyncadd.s32 $0xFFFFC000  }
.LBB2_14:
0x181: {  	s0 =	sshll.u32 s11, $0x7;
	s2 =	sshll.u32 s11, $0xA  }
0x182: {  	s2 =	sand.u32 $0x2000, s2;
	s4 =	sand.u32 $0x380, s0  }
0x183: {  	s2 =	sor.u32 s4, s2  }
0x184: {  	s4 =	sand.u32 $0x1C00, s25;
	s31 =	sadd.s32 $0x10200, s2  }
0x185: {  	s26 =	sand.u32 $0x70, s25;
	s0 =	sand.u32 $0x3FFFFF80, s0;
	s2 =	sadd.s32 s4, s31  }
0x186: {  	v3 =	vld [tilespmem:s0+$0x1200];
	s0 =	sadd.s32 s26, s2  }
0x187: {  	v4 =	vld [tilespmem:s0+$0x0];
	_ =	sdelay $0x3  }
0x188: {  	s2 =	simm.s32 $0x80  }
0x189: {  	s28 =	simm.s32 $0x10;
	s26 =	simm.s32 $0x20;
	s4 =	sand.u32 $0x1C00, s2;
	v4 =	vmul.f32 v4, v3  }
.LBB2_15:
0x18a: {  	p1 =	sne.s32 s26, $0x3F0;
	s28 =	sand.u32 $0x70, s28;
	s4 =	sadd.s32 s4, s31  }
0x18b: {  	[tilespmem:s0+$0x0] =	vst v4;
	s0 =	sadd.s32 s28, s4;
	s28 =	smov.u32 s26  }
0x18c: {  	v4 =	vld [tilespmem:s0+$0x0]  }
.Ltmp11:
0x18d: {  	(pc) =	sbr.rel @p1 .LBB2_15-.Ltmp11, $3  }
0x18e: {  	_ =	sdelay $0x1  }
0x18f: {  	s2 =	sadd.s32 $0x80, s2  }
0x190: {  	s4 =	sand.u32 $0x1C00, s2;
	s26 =	sadd.s32 $0x10, s26;
	v4 =	vmul.f32 v4, v3  }
0x191: {  	s2 =	sand.u32 $0x70, s28;
	s4 =	sadd.s32 s4, s31  }
0x192: {  	s2 =	sadd.s32 s2, s4;
	[tilespmem:s0+$0x0] =	vst v4  }
0x193: {  	v4 =	vld [tilespmem:s2+$0x0]  }
0x194: {  	s11 =	sadd.s32 $0x1, s11  }
0x195: {  	p1 =	sne.s32 s11, $0x10  }
.Ltmp12:
0x196: {  	_ = 	snop;
	(pc) =	sbr.rel @p1 .LBB2_14-.Ltmp12, $3  }
0x197: {  	_ = 	snop  }
0x198: {  	v3 =	vmul.f32 v4, v3;
	_ =	sdelay $0x1  }
0x199: {  	[tilespmem:s2+$0x0] =	vst v3  }
.LBB2_17:
0x19a: {  	s25 =	simm.s32 $0x0;
	s0 =	rddreg [dreg:$0x9]  }
0x19b: {  	[hbm4b:s0+s25] =	stream.linear.scatter [tilespmem:s18], [sflag:$0x8], $0x4000, $0x38;
	[tilespmem:$0x1C200] =	vst v63  }
0x19c: {  	_ =	swait.ge [sflag:s16], $0x4000  }
0x19d: {  	[sflag:s16] =	ssyncset.done $0x0  }
0x19e: {  	[sflag:s16] =	ssyncadd.s32 $0xFFFFC000  }
0x19f: {  	v3 =	vld [tilespmem:$0x60];
	_ =	sdelay $0x4  }
0x1a0: {  	v4 =	vshll.u32 v3, $0x3  }
0x1a1: {  	v3 =	vand.u32 $0x7, v3;
	v4 =	vand.u32 $0xFFFFFFC0, v4  }
0x1a2: {  	v3 =	vor.u32 v3, v4  }
0x1a3: {  	v4 =	vperm.xlane v3, v0;
	_ =	sdelay $0x1  }
0x1a4: {  	v4 =	vadd.s32 v1, v4;
	_ =	sdelay $0x4  }
0x1a5: {  	[tilespmem:s10], [sflag:$0x2] =	stream.indirect_vreg.gather [hbm4b:s1+s25], $0x80, v4, vm0, $0xb8;
	[tilespmem:$0x1C200] =	vst v63  }
0x1a6: {  	s31 =	simm.s32 $0xCA00;
	v3 =	vperm.xlane v3, v2  }
0x1a7: {  	[tilespmem:s31], [sflag:$0x2] =	stream.indirect_vreg.gather [hbm4b:s5+s25], $0x80, v4, vm0, $0xb8;
	[tilespmem:$0x1C200] =	vst v63  }
0x1a8: {  	s2 =	simm.s32 $0xD200;
	v3 =	vadd.s32 v1, v3  }
0x1a9: {  	[tilespmem:s2], [sflag:$0x2] =	stream.indirect_vreg.gather [hbm4b:s6+s25], $0x80, v4, vm0, $0xb8;
	[tilespmem:$0x1C200] =	vst v63  }
0x1aa: {  	s4 =	simm.s32 $0xDA00  }
0x1ab: {  	[tilespmem:s4], [sflag:$0x2] =	stream.indirect_vreg.gather [hbm4b:s7+s25], $0x80, v4, vm0, $0xb8;
	[tilespmem:$0x1C200] =	vst v63  }
0x1ac: {  	s11 =	simm.s32 $0xE200  }
0x1ad: {  	[tilespmem:s11], [sflag:$0x2] =	stream.indirect_vreg.gather [hbm4b:s1+s25], $0x80, v3, vm0, $0xb8;
	[tilespmem:$0x1C200] =	vst v63  }
0x1ae: {  	s26 =	simm.s32 $0xEA00  }
0x1af: {  	[tilespmem:s26], [sflag:$0x2] =	stream.indirect_vreg.gather [hbm4b:s5+s25], $0x80, v3, vm0, $0xb8;
	[tilespmem:$0x1C200] =	vst v63  }
0x1b0: {  	s28 =	simm.s32 $0xF200  }
0x1b1: {  	[tilespmem:s28], [sflag:$0x2] =	stream.indirect_vreg.gather [hbm4b:s6+s25], $0x80, v3, vm0, $0xb8;
	[tilespmem:$0x1C200] =	vst v63  }
.Ltmp13:
0x1b2: {  	s31 =	simm.s32 $0xFA00;
	(pc) =	sbr.rel @p0 .LBB2_21-.Ltmp13, $4  }
0x1b3: {  	[tilespmem:s31], [sflag:$0x2] =	stream.indirect_vreg.gather [hbm4b:s7+s25], $0x80, v3, vm0, $0xb8;
	[tilespmem:$0x1C200] =	vst v63  }
0x1b4: {  	_ =	swait.ge [sflag:s17], $0x4000  }
0x1b5: {  	[sflag:s17] =	ssyncset.done $0x0  }
0x1b6: {  	s11 =	simm.s32 $0x0;
	[sflag:s17] =	ssyncadd.s32 $0xFFFFC000  }
.LBB2_18:
0x1b7: {  	s0 =	sshll.u32 s11, $0x7;
	s2 =	sshll.u32 s11, $0xA  }
0x1b8: {  	s2 =	sand.u32 $0x2000, s2;
	s4 =	sand.u32 $0x380, s0  }
0x1b9: {  	s2 =	sor.u32 s4, s2  }
0x1ba: {  	s4 =	sand.u32 $0x1C00, s25;
	s31 =	sadd.s32 $0x14200, s2  }
0x1bb: {  	s26 =	sand.u32 $0x70, s25;
	s0 =	sand.u32 $0x3FFFFF80, s0;
	s2 =	sadd.s32 s4, s31  }
0x1bc: {  	v3 =	vld [tilespmem:s0+$0x1A00];
	s0 =	sadd.s32 s26, s2  }
0x1bd: {  	v4 =	vld [tilespmem:s0+$0x0];
	_ =	sdelay $0x3  }
0x1be: {  	s2 =	simm.s32 $0x80  }
0x1bf: {  	s28 =	simm.s32 $0x10;
	s26 =	simm.s32 $0x20;
	s4 =	sand.u32 $0x1C00, s2;
	v4 =	vmul.f32 v4, v3  }
.LBB2_19:
0x1c0: {  	p1 =	sne.s32 s26, $0x3F0;
	s28 =	sand.u32 $0x70, s28;
	s4 =	sadd.s32 s4, s31  }
0x1c1: {  	[tilespmem:s0+$0x0] =	vst v4;
	s0 =	sadd.s32 s28, s4;
	s28 =	smov.u32 s26  }
0x1c2: {  	v4 =	vld [tilespmem:s0+$0x0]  }
.Ltmp14:
0x1c3: {  	(pc) =	sbr.rel @p1 .LBB2_19-.Ltmp14, $3  }
0x1c4: {  	_ =	sdelay $0x1  }
0x1c5: {  	s2 =	sadd.s32 $0x80, s2  }
0x1c6: {  	s4 =	sand.u32 $0x1C00, s2;
	s26 =	sadd.s32 $0x10, s26;
	v4 =	vmul.f32 v4, v3  }
0x1c7: {  	s2 =	sand.u32 $0x70, s28;
	s4 =	sadd.s32 s4, s31  }
0x1c8: {  	s2 =	sadd.s32 s2, s4;
	[tilespmem:s0+$0x0] =	vst v4  }
0x1c9: {  	v4 =	vld [tilespmem:s2+$0x0]  }
0x1ca: {  	s11 =	sadd.s32 $0x1, s11  }
0x1cb: {  	p1 =	sne.s32 s11, $0x10  }
.Ltmp15:
0x1cc: {  	_ = 	snop;
	(pc) =	sbr.rel @p1 .LBB2_18-.Ltmp15, $3  }
0x1cd: {  	_ = 	snop  }
0x1ce: {  	v3 =	vmul.f32 v4, v3;
	_ =	sdelay $0x1  }
0x1cf: {  	[tilespmem:s2+$0x0] =	vst v3  }
.LBB2_21:
0x1d0: {  	s25 =	simm.s32 $0x0;
	s0 =	rddreg [dreg:$0xa]  }
0x1d1: {  	[hbm4b:s0+s25] =	stream.linear.scatter [tilespmem:s8], [sflag:$0x9], $0x4000, $0x38;
	[tilespmem:$0x1C200] =	vst v63  }
0x1d2: {  	_ =	swait.ge [sflag:s20], $0x4000  }
0x1d3: {  	[sflag:s20] =	ssyncset.done $0x0  }
0x1d4: {  	[sflag:s20] =	ssyncadd.s32 $0xFFFFC000  }
0x1d5: {  	v3 =	vld [tilespmem:$0x70];
	_ =	sdelay $0x4  }
0x1d6: {  	v4 =	vshll.u32 v3, $0x3  }
0x1d7: {  	v3 =	vand.u32 $0x7, v3;
	v4 =	vand.u32 $0xFFFFFFC0, v4  }
0x1d8: {  	v3 =	vor.u32 v3, v4  }
0x1d9: {  	v4 =	vperm.xlane v3, v0;
	_ =	sdelay $0x1  }
0x1da: {  	v4 =	vadd.s32 v1, v4;
	_ =	sdelay $0x4  }
0x1db: {  	[tilespmem:s18], [sflag:$0x3] =	stream.indirect_vreg.gather [hbm4b:s1+s25], $0x80, v4, vm0, $0xb8;
	[tilespmem:$0x1C200] =	vst v63  }
0x1dc: {  	s31 =	simm.s32 $0x10A00;
	v3 =	vperm.xlane v3, v2  }
0x1dd: {  	[tilespmem:s31], [sflag:$0x3] =	stream.indirect_vreg.gather [hbm4b:s5+s25], $0x80, v4, vm0, $0xb8;
	[tilespmem:$0x1C200] =	vst v63  }
0x1de: {  	s2 =	simm.s32 $0x11200;
	v3 =	vadd.s32 v1, v3  }
0x1df: {  	[tilespmem:s2], [sflag:$0x3] =	stream.indirect_vreg.gather [hbm4b:s6+s25], $0x80, v4, vm0, $0xb8;
	[tilespmem:$0x1C200] =	vst v63  }
0x1e0: {  	s4 =	simm.s32 $0x11A00  }
0x1e1: {  	[tilespmem:s4], [sflag:$0x3] =	stream.indirect_vreg.gather [hbm4b:s7+s25], $0x80, v4, vm0, $0xb8;
	[tilespmem:$0x1C200] =	vst v63  }
0x1e2: {  	s11 =	simm.s32 $0x12200  }
0x1e3: {  	[tilespmem:s11], [sflag:$0x3] =	stream.indirect_vreg.gather [hbm4b:s1+s25], $0x80, v3, vm0, $0xb8;
	[tilespmem:$0x1C200] =	vst v63  }
0x1e4: {  	s26 =	simm.s32 $0x12A00  }
0x1e5: {  	[tilespmem:s26], [sflag:$0x3] =	stream.indirect_vreg.gather [hbm4b:s5+s25], $0x80, v3, vm0, $0xb8;
	[tilespmem:$0x1C200] =	vst v63  }
0x1e6: {  	s28 =	simm.s32 $0x13200  }
0x1e7: {  	[tilespmem:s28], [sflag:$0x3] =	stream.indirect_vreg.gather [hbm4b:s6+s25], $0x80, v3, vm0, $0xb8;
	[tilespmem:$0x1C200] =	vst v63  }
.Ltmp16:
0x1e8: {  	s31 =	simm.s32 $0x13A00;
	(pc) =	sbr.rel @p0 .LBB2_25-.Ltmp16, $4  }
0x1e9: {  	[tilespmem:s31], [sflag:$0x3] =	stream.indirect_vreg.gather [hbm4b:s7+s25], $0x80, v3, vm0, $0xb8;
	[tilespmem:$0x1C200] =	vst v63  }
0x1ea: {  	_ =	swait.ge [sflag:s21], $0x4000  }
0x1eb: {  	[sflag:s21] =	ssyncset.done $0x0  }
0x1ec: {  	s11 =	simm.s32 $0x0;
	[sflag:s21] =	ssyncadd.s32 $0xFFFFC000  }
.LBB2_22:
0x1ed: {  	s0 =	sshll.u32 s11, $0x7;
	s2 =	sshll.u32 s11, $0xA  }
0x1ee: {  	s2 =	sand.u32 $0x2000, s2;
	s4 =	sand.u32 $0x380, s0  }
0x1ef: {  	s2 =	sor.u32 s4, s2  }
0x1f0: {  	s4 =	sand.u32 $0x1C00, s25;
	s31 =	sadd.s32 $0x18200, s2  }
0x1f1: {  	s26 =	sand.u32 $0x70, s25;
	s0 =	sand.u32 $0x3FFFFF80, s0;
	s2 =	sadd.s32 s4, s31  }
0x1f2: {  	v3 =	vld [tilespmem:s0+$0x2200];
	s0 =	sadd.s32 s26, s2  }
0x1f3: {  	v4 =	vld [tilespmem:s0+$0x0];
	_ =	sdelay $0x3  }
0x1f4: {  	s2 =	simm.s32 $0x80  }
0x1f5: {  	s28 =	simm.s32 $0x10;
	s26 =	simm.s32 $0x20;
	s4 =	sand.u32 $0x1C00, s2;
	v4 =	vmul.f32 v4, v3  }
.LBB2_23:
0x1f6: {  	p1 =	sne.s32 s26, $0x3F0;
	s28 =	sand.u32 $0x70, s28;
	s4 =	sadd.s32 s4, s31  }
0x1f7: {  	[tilespmem:s0+$0x0] =	vst v4;
	s0 =	sadd.s32 s28, s4;
	s28 =	smov.u32 s26  }
0x1f8: {  	v4 =	vld [tilespmem:s0+$0x0]  }
.Ltmp17:
0x1f9: {  	(pc) =	sbr.rel @p1 .LBB2_23-.Ltmp17, $3  }
0x1fa: {  	_ =	sdelay $0x1  }
0x1fb: {  	s2 =	sadd.s32 $0x80, s2  }
0x1fc: {  	s4 =	sand.u32 $0x1C00, s2;
	s26 =	sadd.s32 $0x10, s26;
	v4 =	vmul.f32 v4, v3  }
0x1fd: {  	s2 =	sand.u32 $0x70, s28;
	s4 =	sadd.s32 s4, s31  }
0x1fe: {  	s2 =	sadd.s32 s2, s4;
	[tilespmem:s0+$0x0] =	vst v4  }
0x1ff: {  	v4 =	vld [tilespmem:s2+$0x0]  }
0x200: {  	s11 =	sadd.s32 $0x1, s11  }
0x201: {  	p1 =	sne.s32 s11, $0x10  }
.Ltmp18:
0x202: {  	_ = 	snop;
	(pc) =	sbr.rel @p1 .LBB2_22-.Ltmp18, $3  }
0x203: {  	_ = 	snop  }
0x204: {  	v3 =	vmul.f32 v4, v3;
	_ =	sdelay $0x1  }
0x205: {  	[tilespmem:s2+$0x0] =	vst v3  }
.LBB2_25:
0x206: {  	s25 =	simm.s32 $0x0;
	s0 =	rddreg [dreg:$0xb]  }
0x207: {  	[hbm4b:s0+s25] =	stream.linear.scatter [tilespmem:s19], [sflag:$0xA], $0x4000, $0x38;
	[tilespmem:$0x1C200] =	vst v63  }
0x208: {  	_ =	swait.ge [sflag:s22], $0x4000  }
0x209: {  	[sflag:s22] =	ssyncset.done $0x0  }
0x20a: {  	[sflag:s22] =	ssyncadd.s32 $0xFFFFC000  }
0x20b: {  	v3 =	vld [tilespmem:$0x80];
	_ =	sdelay $0x4  }
0x20c: {  	v4 =	vshll.u32 v3, $0x3  }
0x20d: {  	v3 =	vand.u32 $0x7, v3;
	v4 =	vand.u32 $0xFFFFFFC0, v4  }
0x20e: {  	v3 =	vor.u32 v3, v4  }
0x20f: {  	v4 =	vperm.xlane v3, v0;
	_ =	sdelay $0x1  }
0x210: {  	v4 =	vadd.s32 v1, v4;
	_ =	sdelay $0x4  }
0x211: {  	[tilespmem:s8], [sflag:$0x4] =	stream.indirect_vreg.gather [hbm4b:s1+s25], $0x80, v4, vm0, $0xb8;
	[tilespmem:$0x1C200] =	vst v63  }
0x212: {  	s31 =	simm.s32 $0x14A00;
	v3 =	vperm.xlane v3, v2  }
0x213: {  	[tilespmem:s31], [sflag:$0x4] =	stream.indirect_vreg.gather [hbm4b:s5+s25], $0x80, v4, vm0, $0xb8;
	[tilespmem:$0x1C200] =	vst v63  }
0x214: {  	s2 =	simm.s32 $0x15200;
	v3 =	vadd.s32 v1, v3  }
0x215: {  	[tilespmem:s2], [sflag:$0x4] =	stream.indirect_vreg.gather [hbm4b:s6+s25], $0x80, v4, vm0, $0xb8;
	[tilespmem:$0x1C200] =	vst v63  }
0x216: {  	s4 =	simm.s32 $0x15A00  }
0x217: {  	[tilespmem:s4], [sflag:$0x4] =	stream.indirect_vreg.gather [hbm4b:s7+s25], $0x80, v4, vm0, $0xb8;
	[tilespmem:$0x1C200] =	vst v63  }
0x218: {  	s11 =	simm.s32 $0x16200  }
0x219: {  	[tilespmem:s11], [sflag:$0x4] =	stream.indirect_vreg.gather [hbm4b:s1+s25], $0x80, v3, vm0, $0xb8;
	[tilespmem:$0x1C200] =	vst v63  }
0x21a: {  	s26 =	simm.s32 $0x16A00  }
0x21b: {  	[tilespmem:s26], [sflag:$0x4] =	stream.indirect_vreg.gather [hbm4b:s5+s25], $0x80, v3, vm0, $0xb8;
	[tilespmem:$0x1C200] =	vst v63  }
0x21c: {  	s28 =	simm.s32 $0x17200  }
0x21d: {  	[tilespmem:s28], [sflag:$0x4] =	stream.indirect_vreg.gather [hbm4b:s6+s25], $0x80, v3, vm0, $0xb8;
	[tilespmem:$0x1C200] =	vst v63  }
.Ltmp19:
0x21e: {  	s31 =	simm.s32 $0x17A00;
	(pc) =	sbr.rel @p0 .LBB2_29-.Ltmp19, $4  }
0x21f: {  	[tilespmem:s31], [sflag:$0x4] =	stream.indirect_vreg.gather [hbm4b:s7+s25], $0x80, v3, vm0, $0xb8;
	[tilespmem:$0x1C200] =	vst v63  }
0x220: {  	_ =	swait.ge [sflag:s12], $0x4000  }
0x221: {  	[sflag:s12] =	ssyncset.done $0x0  }
0x222: {  	s11 =	simm.s32 $0x0;
	[sflag:s12] =	ssyncadd.s32 $0xFFFFC000  }
.LBB2_26:
0x223: {  	s0 =	sshll.u32 s11, $0x7;
	s2 =	sshll.u32 s11, $0xA  }
0x224: {  	s2 =	sand.u32 $0x2000, s2;
	s4 =	sand.u32 $0x380, s0  }
0x225: {  	s2 =	sor.u32 s4, s2  }
0x226: {  	s4 =	sand.u32 $0x1C00, s25;
	s31 =	sadd.s32 $0x8200, s2  }
0x227: {  	s26 =	sand.u32 $0x70, s25;
	s0 =	sand.u32 $0x3FFFFF80, s0;
	s2 =	sadd.s32 s4, s31  }
0x228: {  	v3 =	vld [tilespmem:s0+$0x2A00];
	s0 =	sadd.s32 s26, s2  }
0x229: {  	v4 =	vld [tilespmem:s0+$0x0];
	_ =	sdelay $0x3  }
0x22a: {  	s2 =	simm.s32 $0x80  }
0x22b: {  	s28 =	simm.s32 $0x10;
	s26 =	simm.s32 $0x20;
	s4 =	sand.u32 $0x1C00, s2;
	v4 =	vmul.f32 v4, v3  }
.LBB2_27:
0x22c: {  	p1 =	sne.s32 s26, $0x3F0;
	s28 =	sand.u32 $0x70, s28;
	s4 =	sadd.s32 s4, s31  }
0x22d: {  	[tilespmem:s0+$0x0] =	vst v4;
	s0 =	sadd.s32 s28, s4;
	s28 =	smov.u32 s26  }
0x22e: {  	v4 =	vld [tilespmem:s0+$0x0]  }
.Ltmp20:
0x22f: {  	(pc) =	sbr.rel @p1 .LBB2_27-.Ltmp20, $3  }
0x230: {  	_ =	sdelay $0x1  }
0x231: {  	s2 =	sadd.s32 $0x80, s2  }
0x232: {  	s4 =	sand.u32 $0x1C00, s2;
	s26 =	sadd.s32 $0x10, s26;
	v4 =	vmul.f32 v4, v3  }
0x233: {  	s2 =	sand.u32 $0x70, s28;
	s4 =	sadd.s32 s4, s31  }
0x234: {  	s2 =	sadd.s32 s2, s4;
	[tilespmem:s0+$0x0] =	vst v4  }
0x235: {  	v4 =	vld [tilespmem:s2+$0x0]  }
0x236: {  	s11 =	sadd.s32 $0x1, s11  }
0x237: {  	p1 =	sne.s32 s11, $0x10  }
.Ltmp21:
0x238: {  	_ = 	snop;
	(pc) =	sbr.rel @p1 .LBB2_26-.Ltmp21, $3  }
0x239: {  	_ = 	snop  }
0x23a: {  	v3 =	vmul.f32 v4, v3;
	_ =	sdelay $0x1  }
0x23b: {  	[tilespmem:s2+$0x0] =	vst v3  }
.LBB2_29:
0x23c: {  	s25 =	simm.s32 $0x0;
	s0 =	rddreg [dreg:$0xc]  }
0x23d: {  	[hbm4b:s0+s25] =	stream.linear.scatter [tilespmem:s30], [sflag:$0x6], $0x4000, $0x38;
	[tilespmem:$0x1C200] =	vst v63  }
0x23e: {  	_ =	swait.ge [sflag:s23], $0x4000  }
0x23f: {  	[sflag:s23] =	ssyncset.done $0x0  }
0x240: {  	[sflag:s23] =	ssyncadd.s32 $0xFFFFC000  }
0x241: {  	v3 =	vld [tilespmem:$0x90];
	_ =	sdelay $0x4  }
0x242: {  	v4 =	vshll.u32 v3, $0x3  }
0x243: {  	v3 =	vand.u32 $0x7, v3;
	v4 =	vand.u32 $0xFFFFFFC0, v4  }
0x244: {  	v3 =	vor.u32 v3, v4  }
0x245: {  	v4 =	vperm.xlane v3, v0;
	_ =	sdelay $0x1  }
0x246: {  	v4 =	vadd.s32 v1, v4;
	_ =	sdelay $0x4  }
0x247: {  	[tilespmem:s19], [sflag:$0x5] =	stream.indirect_vreg.gather [hbm4b:s1+s25], $0x80, v4, vm0, $0xb8;
	[tilespmem:$0x1C200] =	vst v63  }
0x248: {  	s31 =	simm.s32 $0x18A00;
	v3 =	vperm.xlane v3, v2  }
0x249: {  	[tilespmem:s31], [sflag:$0x5] =	stream.indirect_vreg.gather [hbm4b:s5+s25], $0x80, v4, vm0, $0xb8;
	[tilespmem:$0x1C200] =	vst v63  }
0x24a: {  	s2 =	simm.s32 $0x19200;
	v3 =	vadd.s32 v1, v3  }
0x24b: {  	[tilespmem:s2], [sflag:$0x5] =	stream.indirect_vreg.gather [hbm4b:s6+s25], $0x80, v4, vm0, $0xb8;
	[tilespmem:$0x1C200] =	vst v63  }
0x24c: {  	s4 =	simm.s32 $0x19A00  }
0x24d: {  	[tilespmem:s4], [sflag:$0x5] =	stream.indirect_vreg.gather [hbm4b:s7+s25], $0x80, v4, vm0, $0xb8;
	[tilespmem:$0x1C200] =	vst v63  }
0x24e: {  	s11 =	simm.s32 $0x1A200  }
0x24f: {  	[tilespmem:s11], [sflag:$0x5] =	stream.indirect_vreg.gather [hbm4b:s1+s25], $0x80, v3, vm0, $0xb8;
	[tilespmem:$0x1C200] =	vst v63  }
0x250: {  	s26 =	simm.s32 $0x1AA00  }
0x251: {  	[tilespmem:s26], [sflag:$0x5] =	stream.indirect_vreg.gather [hbm4b:s5+s25], $0x80, v3, vm0, $0xb8;
	[tilespmem:$0x1C200] =	vst v63  }
0x252: {  	s28 =	simm.s32 $0x1B200  }
0x253: {  	[tilespmem:s28], [sflag:$0x5] =	stream.indirect_vreg.gather [hbm4b:s6+s25], $0x80, v3, vm0, $0xb8;
	[tilespmem:$0x1C200] =	vst v63  }
.Ltmp22:
0x254: {  	s31 =	simm.s32 $0x1BA00;
	(pc) =	sbr.rel @p0 .LBB2_33-.Ltmp22, $4  }
0x255: {  	[tilespmem:s31], [sflag:$0x5] =	stream.indirect_vreg.gather [hbm4b:s7+s25], $0x80, v3, vm0, $0xb8;
	[tilespmem:$0x1C200] =	vst v63  }
0x256: {  	_ =	swait.ge [sflag:s13], $0x4000  }
0x257: {  	[sflag:s13] =	ssyncset.done $0x0  }
0x258: {  	s11 =	simm.s32 $0x0;
	[sflag:s13] =	ssyncadd.s32 $0xFFFFC000  }
.LBB2_30:
0x259: {  	s0 =	sshll.u32 s11, $0x7;
	s2 =	sshll.u32 s11, $0xA  }
0x25a: {  	s2 =	sand.u32 $0x2000, s2;
	s4 =	sand.u32 $0x380, s0  }
0x25b: {  	s2 =	sor.u32 s4, s2  }
0x25c: {  	s4 =	sand.u32 $0x1C00, s25;
	s31 =	sadd.s32 $0xC200, s2  }
0x25d: {  	s26 =	sand.u32 $0x70, s25;
	s0 =	sand.u32 $0x3FFFFF80, s0;
	s2 =	sadd.s32 s4, s31  }
0x25e: {  	v3 =	vld [tilespmem:s0+$0x3200];
	s0 =	sadd.s32 s26, s2  }
0x25f: {  	v4 =	vld [tilespmem:s0+$0x0];
	_ =	sdelay $0x3  }
0x260: {  	s2 =	simm.s32 $0x80  }
0x261: {  	s28 =	simm.s32 $0x10;
	s26 =	simm.s32 $0x20;
	s4 =	sand.u32 $0x1C00, s2;
	v4 =	vmul.f32 v4, v3  }
.LBB2_31:
0x262: {  	p1 =	sne.s32 s26, $0x3F0;
	s28 =	sand.u32 $0x70, s28;
	s4 =	sadd.s32 s4, s31  }
0x263: {  	[tilespmem:s0+$0x0] =	vst v4;
	s0 =	sadd.s32 s28, s4;
	s28 =	smov.u32 s26  }
0x264: {  	v4 =	vld [tilespmem:s0+$0x0]  }
.Ltmp23:
0x265: {  	(pc) =	sbr.rel @p1 .LBB2_31-.Ltmp23, $3  }
0x266: {  	_ =	sdelay $0x1  }
0x267: {  	s2 =	sadd.s32 $0x80, s2  }
0x268: {  	s4 =	sand.u32 $0x1C00, s2;
	s26 =	sadd.s32 $0x10, s26;
	v4 =	vmul.f32 v4, v3  }
0x269: {  	s2 =	sand.u32 $0x70, s28;
	s4 =	sadd.s32 s4, s31  }
0x26a: {  	s2 =	sadd.s32 s2, s4;
	[tilespmem:s0+$0x0] =	vst v4  }
0x26b: {  	v4 =	vld [tilespmem:s2+$0x0]  }
0x26c: {  	s11 =	sadd.s32 $0x1, s11  }
0x26d: {  	p1 =	sne.s32 s11, $0x10  }
.Ltmp24:
0x26e: {  	_ = 	snop;
	(pc) =	sbr.rel @p1 .LBB2_30-.Ltmp24, $3  }
0x26f: {  	_ = 	snop  }
0x270: {  	v3 =	vmul.f32 v4, v3;
	_ =	sdelay $0x1  }
0x271: {  	[tilespmem:s2+$0x0] =	vst v3  }
.LBB2_33:
0x272: {  	s25 =	simm.s32 $0x0;
	s0 =	rddreg [dreg:$0xd]  }
0x273: {  	[hbm4b:s0+s25] =	stream.linear.scatter [tilespmem:s10], [sflag:$0x7], $0x4000, $0x38;
	[tilespmem:$0x1C200] =	vst v63  }
0x274: {  	_ =	swait.ge [sflag:s14], $0x4000  }
0x275: {  	[sflag:s14] =	ssyncset.done $0x0  }
0x276: {  	[sflag:s14] =	ssyncadd.s32 $0xFFFFC000  }
0x277: {  	v3 =	vld [tilespmem:$0xA0];
	_ =	sdelay $0x4  }
0x278: {  	v4 =	vshll.u32 v3, $0x3  }
0x279: {  	v3 =	vand.u32 $0x7, v3;
	v4 =	vand.u32 $0xFFFFFFC0, v4  }
0x27a: {  	v3 =	vor.u32 v3, v4  }
0x27b: {  	v4 =	vperm.xlane v3, v0;
	_ =	sdelay $0x1  }
0x27c: {  	v4 =	vadd.s32 v1, v4;
	_ =	sdelay $0x4  }
0x27d: {  	[tilespmem:s30], [sflag:$0x1] =	stream.indirect_vreg.gather [hbm4b:s1+s25], $0x80, v4, vm0, $0xb8;
	[tilespmem:$0x1C200] =	vst v63  }
0x27e: {  	s2 =	simm.s32 $0x8A00;
	v3 =	vperm.xlane v3, v2  }
0x27f: {  	[tilespmem:s2], [sflag:$0x1] =	stream.indirect_vreg.gather [hbm4b:s5+s25], $0x80, v4, vm0, $0xb8;
	[tilespmem:$0x1C200] =	vst v63  }
0x280: {  	s4 =	simm.s32 $0x9200;
	v3 =	vadd.s32 v1, v3  }
0x281: {  	[tilespmem:s4], [sflag:$0x1] =	stream.indirect_vreg.gather [hbm4b:s6+s25], $0x80, v4, vm0, $0xb8;
	[tilespmem:$0x1C200] =	vst v63  }
0x282: {  	s11 =	simm.s32 $0x9A00  }
0x283: {  	[tilespmem:s11], [sflag:$0x1] =	stream.indirect_vreg.gather [hbm4b:s7+s25], $0x80, v4, vm0, $0xb8;
	[tilespmem:$0x1C200] =	vst v63  }
0x284: {  	s26 =	simm.s32 $0xA200  }
0x285: {  	[tilespmem:s26], [sflag:$0x1] =	stream.indirect_vreg.gather [hbm4b:s1+s25], $0x80, v3, vm0, $0xb8;
	[tilespmem:$0x1C200] =	vst v63  }
0x286: {  	s28 =	simm.s32 $0xAA00  }
0x287: {  	[tilespmem:s28], [sflag:$0x1] =	stream.indirect_vreg.gather [hbm4b:s5+s25], $0x80, v3, vm0, $0xb8;
	[tilespmem:$0x1C200] =	vst v63  }
0x288: {  	s31 =	simm.s32 $0xB200  }
0x289: {  	[tilespmem:s31], [sflag:$0x1] =	stream.indirect_vreg.gather [hbm4b:s6+s25], $0x80, v3, vm0, $0xb8;
	[tilespmem:$0x1C200] =	vst v63  }
.Ltmp25:
0x28a: {  	_ = 	snop;
	(pc) =	sbr.rel @p0 .LBB2_37-.Ltmp25, $4  }
0x28b: {  	[tilespmem:s9], [sflag:$0x1] =	stream.indirect_vreg.gather [hbm4b:s7+s25], $0x80, v3, vm0, $0xb8;
	[tilespmem:$0x1C200] =	vst v63  }
0x28c: {  	_ =	swait.ge [sflag:s15], $0x4000  }
0x28d: {  	[sflag:s15] =	ssyncset.done $0x0  }
0x28e: {  	s11 =	simm.s32 $0x0;
	[sflag:s15] =	ssyncadd.s32 $0xFFFFC000  }
.LBB2_34:
0x28f: {  	s0 =	sshll.u32 s11, $0x7;
	s2 =	sshll.u32 s11, $0xA  }
0x290: {  	s2 =	sand.u32 $0x2000, s2;
	s4 =	sand.u32 $0x380, s0  }
0x291: {  	s2 =	sor.u32 s4, s2  }
0x292: {  	s4 =	sand.u32 $0x1C00, s25;
	s31 =	sadd.s32 $0x10200, s2  }
0x293: {  	s26 =	sand.u32 $0x70, s25;
	s0 =	sand.u32 $0x3FFFFF80, s0;
	s2 =	sadd.s32 s4, s31  }
0x294: {  	v3 =	vld [tilespmem:s0+$0x3A00];
	s0 =	sadd.s32 s26, s2  }
0x295: {  	v4 =	vld [tilespmem:s0+$0x0];
	_ =	sdelay $0x3  }
0x296: {  	s2 =	simm.s32 $0x80  }
0x297: {  	s28 =	simm.s32 $0x10;
	s26 =	simm.s32 $0x20;
	s4 =	sand.u32 $0x1C00, s2;
	v4 =	vmul.f32 v4, v3  }
.LBB2_35:
0x298: {  	p1 =	sne.s32 s26, $0x3F0;
	s28 =	sand.u32 $0x70, s28;
	s4 =	sadd.s32 s4, s31  }
0x299: {  	[tilespmem:s0+$0x0] =	vst v4;
	s0 =	sadd.s32 s28, s4;
	s28 =	smov.u32 s26  }
0x29a: {  	v4 =	vld [tilespmem:s0+$0x0]  }
.Ltmp26:
0x29b: {  	(pc) =	sbr.rel @p1 .LBB2_35-.Ltmp26, $3  }
0x29c: {  	_ =	sdelay $0x1  }
0x29d: {  	s2 =	sadd.s32 $0x80, s2  }
0x29e: {  	s4 =	sand.u32 $0x1C00, s2;
	s26 =	sadd.s32 $0x10, s26;
	v4 =	vmul.f32 v4, v3  }
0x29f: {  	s2 =	sand.u32 $0x70, s28;
	s4 =	sadd.s32 s4, s31  }
0x2a0: {  	s2 =	sadd.s32 s2, s4;
	[tilespmem:s0+$0x0] =	vst v4  }
0x2a1: {  	v4 =	vld [tilespmem:s2+$0x0]  }
0x2a2: {  	s11 =	sadd.s32 $0x1, s11  }
0x2a3: {  	p1 =	sne.s32 s11, $0x10  }
.Ltmp27:
0x2a4: {  	_ = 	snop;
	(pc) =	sbr.rel @p1 .LBB2_34-.Ltmp27, $3  }
0x2a5: {  	_ = 	snop  }
0x2a6: {  	v3 =	vmul.f32 v4, v3;
	_ =	sdelay $0x1  }
0x2a7: {  	[tilespmem:s2+$0x0] =	vst v3  }
.LBB2_37:
0x2a8: {  	s25 =	simm.s32 $0x0;
	s0 =	rddreg [dreg:$0xe]  }
0x2a9: {  	[hbm4b:s0+s25] =	stream.linear.scatter [tilespmem:s18], [sflag:$0x8], $0x4000, $0x38;
	[tilespmem:$0x1C200] =	vst v63  }
0x2aa: {  	_ =	swait.ge [sflag:s16], $0x4000  }
0x2ab: {  	[sflag:s16] =	ssyncset.done $0x0  }
0x2ac: {  	[sflag:s16] =	ssyncadd.s32 $0xFFFFC000  }
0x2ad: {  	v3 =	vld [tilespmem:$0xB0];
	_ =	sdelay $0x4  }
0x2ae: {  	v4 =	vshll.u32 v3, $0x3  }
0x2af: {  	v3 =	vand.u32 $0x7, v3;
	v4 =	vand.u32 $0xFFFFFFC0, v4  }
0x2b0: {  	v3 =	vor.u32 v3, v4  }
0x2b1: {  	v4 =	vperm.xlane v3, v0;
	_ =	sdelay $0x1  }
0x2b2: {  	v4 =	vadd.s32 v1, v4;
	_ =	sdelay $0x4  }
0x2b3: {  	[tilespmem:s10], [sflag:$0x2] =	stream.indirect_vreg.gather [hbm4b:s1+s25], $0x80, v4, vm0, $0xb8;
	[tilespmem:$0x1C200] =	vst v63  }
0x2b4: {  	s31 =	simm.s32 $0xCA00;
	v3 =	vperm.xlane v3, v2  }
0x2b5: {  	[tilespmem:s31], [sflag:$0x2] =	stream.indirect_vreg.gather [hbm4b:s5+s25], $0x80, v4, vm0, $0xb8;
	[tilespmem:$0x1C200] =	vst v63  }
0x2b6: {  	s2 =	simm.s32 $0xD200;
	v3 =	vadd.s32 v1, v3  }
0x2b7: {  	[tilespmem:s2], [sflag:$0x2] =	stream.indirect_vreg.gather [hbm4b:s6+s25], $0x80, v4, vm0, $0xb8;
	[tilespmem:$0x1C200] =	vst v63  }
0x2b8: {  	s4 =	simm.s32 $0xDA00  }
0x2b9: {  	[tilespmem:s4], [sflag:$0x2] =	stream.indirect_vreg.gather [hbm4b:s7+s25], $0x80, v4, vm0, $0xb8;
	[tilespmem:$0x1C200] =	vst v63  }
0x2ba: {  	s11 =	simm.s32 $0xE200  }
0x2bb: {  	[tilespmem:s11], [sflag:$0x2] =	stream.indirect_vreg.gather [hbm4b:s1+s25], $0x80, v3, vm0, $0xb8;
	[tilespmem:$0x1C200] =	vst v63  }
0x2bc: {  	s26 =	simm.s32 $0xEA00  }
0x2bd: {  	[tilespmem:s26], [sflag:$0x2] =	stream.indirect_vreg.gather [hbm4b:s5+s25], $0x80, v3, vm0, $0xb8;
	[tilespmem:$0x1C200] =	vst v63  }
0x2be: {  	s28 =	simm.s32 $0xF200  }
0x2bf: {  	[tilespmem:s28], [sflag:$0x2] =	stream.indirect_vreg.gather [hbm4b:s6+s25], $0x80, v3, vm0, $0xb8;
	[tilespmem:$0x1C200] =	vst v63  }
.Ltmp28:
0x2c0: {  	s31 =	simm.s32 $0xFA00;
	(pc) =	sbr.rel @p0 .LBB2_41-.Ltmp28, $4  }
0x2c1: {  	[tilespmem:s31], [sflag:$0x2] =	stream.indirect_vreg.gather [hbm4b:s7+s25], $0x80, v3, vm0, $0xb8;
	[tilespmem:$0x1C200] =	vst v63  }
0x2c2: {  	_ =	swait.ge [sflag:s17], $0x4000  }
0x2c3: {  	[sflag:s17] =	ssyncset.done $0x0  }
0x2c4: {  	s11 =	simm.s32 $0x0;
	[sflag:s17] =	ssyncadd.s32 $0xFFFFC000  }
.LBB2_38:
0x2c5: {  	s0 =	sshll.u32 s11, $0x7;
	s2 =	sshll.u32 s11, $0xA  }
0x2c6: {  	s2 =	sand.u32 $0x2000, s2;
	s4 =	sand.u32 $0x380, s0  }
0x2c7: {  	s2 =	sor.u32 s4, s2  }
0x2c8: {  	s4 =	sand.u32 $0x1C00, s25;
	s31 =	sadd.s32 $0x14200, s2  }
0x2c9: {  	s26 =	sand.u32 $0x70, s25;
	s0 =	sand.u32 $0x3FFFFF80, s0;
	s2 =	sadd.s32 s4, s31  }
0x2ca: {  	v3 =	vld [tilespmem:s0+$0x4200];
	s0 =	sadd.s32 s26, s2  }
0x2cb: {  	v4 =	vld [tilespmem:s0+$0x0];
	_ =	sdelay $0x3  }
0x2cc: {  	s2 =	simm.s32 $0x80  }
0x2cd: {  	s28 =	simm.s32 $0x10;
	s26 =	simm.s32 $0x20;
	s4 =	sand.u32 $0x1C00, s2;
	v4 =	vmul.f32 v4, v3  }
.LBB2_39:
0x2ce: {  	p1 =	sne.s32 s26, $0x3F0;
	s28 =	sand.u32 $0x70, s28;
	s4 =	sadd.s32 s4, s31  }
0x2cf: {  	[tilespmem:s0+$0x0] =	vst v4;
	s0 =	sadd.s32 s28, s4;
	s28 =	smov.u32 s26  }
0x2d0: {  	v4 =	vld [tilespmem:s0+$0x0]  }
.Ltmp29:
0x2d1: {  	(pc) =	sbr.rel @p1 .LBB2_39-.Ltmp29, $3  }
0x2d2: {  	_ =	sdelay $0x1  }
0x2d3: {  	s2 =	sadd.s32 $0x80, s2  }
0x2d4: {  	s4 =	sand.u32 $0x1C00, s2;
	s26 =	sadd.s32 $0x10, s26;
	v4 =	vmul.f32 v4, v3  }
0x2d5: {  	s2 =	sand.u32 $0x70, s28;
	s4 =	sadd.s32 s4, s31  }
0x2d6: {  	s2 =	sadd.s32 s2, s4;
	[tilespmem:s0+$0x0] =	vst v4  }
0x2d7: {  	v4 =	vld [tilespmem:s2+$0x0]  }
0x2d8: {  	s11 =	sadd.s32 $0x1, s11  }
0x2d9: {  	p1 =	sne.s32 s11, $0x10  }
.Ltmp30:
0x2da: {  	_ = 	snop;
	(pc) =	sbr.rel @p1 .LBB2_38-.Ltmp30, $3  }
0x2db: {  	_ = 	snop  }
0x2dc: {  	v3 =	vmul.f32 v4, v3;
	_ =	sdelay $0x1  }
0x2dd: {  	[tilespmem:s2+$0x0] =	vst v3  }
.LBB2_41:
0x2de: {  	s25 =	simm.s32 $0x0;
	s0 =	rddreg [dreg:$0xf]  }
0x2df: {  	[hbm4b:s0+s25] =	stream.linear.scatter [tilespmem:s8], [sflag:$0x9], $0x4000, $0x38;
	[tilespmem:$0x1C200] =	vst v63  }
0x2e0: {  	_ =	swait.ge [sflag:s20], $0x4000  }
0x2e1: {  	[sflag:s20] =	ssyncset.done $0x0  }
0x2e2: {  	[sflag:s20] =	ssyncadd.s32 $0xFFFFC000  }
0x2e3: {  	v3 =	vld [tilespmem:$0xC0];
	_ =	sdelay $0x4  }
0x2e4: {  	v4 =	vshll.u32 v3, $0x3  }
0x2e5: {  	v3 =	vand.u32 $0x7, v3;
	v4 =	vand.u32 $0xFFFFFFC0, v4  }
0x2e6: {  	v3 =	vor.u32 v3, v4  }
0x2e7: {  	v4 =	vperm.xlane v3, v0;
	_ =	sdelay $0x1  }
0x2e8: {  	v4 =	vadd.s32 v1, v4;
	_ =	sdelay $0x4  }
0x2e9: {  	[tilespmem:s18], [sflag:$0x3] =	stream.indirect_vreg.gather [hbm4b:s1+s25], $0x80, v4, vm0, $0xb8;
	[tilespmem:$0x1C200] =	vst v63  }
0x2ea: {  	s31 =	simm.s32 $0x10A00;
	v3 =	vperm.xlane v3, v2  }
0x2eb: {  	[tilespmem:s31], [sflag:$0x3] =	stream.indirect_vreg.gather [hbm4b:s5+s25], $0x80, v4, vm0, $0xb8;
	[tilespmem:$0x1C200] =	vst v63  }
0x2ec: {  	s2 =	simm.s32 $0x11200;
	v3 =	vadd.s32 v1, v3  }
0x2ed: {  	[tilespmem:s2], [sflag:$0x3] =	stream.indirect_vreg.gather [hbm4b:s6+s25], $0x80, v4, vm0, $0xb8;
	[tilespmem:$0x1C200] =	vst v63  }
0x2ee: {  	s4 =	simm.s32 $0x11A00  }
0x2ef: {  	[tilespmem:s4], [sflag:$0x3] =	stream.indirect_vreg.gather [hbm4b:s7+s25], $0x80, v4, vm0, $0xb8;
	[tilespmem:$0x1C200] =	vst v63  }
0x2f0: {  	s11 =	simm.s32 $0x12200  }
0x2f1: {  	[tilespmem:s11], [sflag:$0x3] =	stream.indirect_vreg.gather [hbm4b:s1+s25], $0x80, v3, vm0, $0xb8;
	[tilespmem:$0x1C200] =	vst v63  }
0x2f2: {  	s26 =	simm.s32 $0x12A00  }
0x2f3: {  	[tilespmem:s26], [sflag:$0x3] =	stream.indirect_vreg.gather [hbm4b:s5+s25], $0x80, v3, vm0, $0xb8;
	[tilespmem:$0x1C200] =	vst v63  }
0x2f4: {  	s28 =	simm.s32 $0x13200  }
0x2f5: {  	[tilespmem:s28], [sflag:$0x3] =	stream.indirect_vreg.gather [hbm4b:s6+s25], $0x80, v3, vm0, $0xb8;
	[tilespmem:$0x1C200] =	vst v63  }
.Ltmp31:
0x2f6: {  	s31 =	simm.s32 $0x13A00;
	(pc) =	sbr.rel @p0 .LBB2_45-.Ltmp31, $4  }
0x2f7: {  	[tilespmem:s31], [sflag:$0x3] =	stream.indirect_vreg.gather [hbm4b:s7+s25], $0x80, v3, vm0, $0xb8;
	[tilespmem:$0x1C200] =	vst v63  }
0x2f8: {  	_ =	swait.ge [sflag:s21], $0x4000  }
0x2f9: {  	[sflag:s21] =	ssyncset.done $0x0  }
0x2fa: {  	s11 =	simm.s32 $0x0;
	[sflag:s21] =	ssyncadd.s32 $0xFFFFC000  }
.LBB2_42:
0x2fb: {  	s0 =	sshll.u32 s11, $0x7;
	s2 =	sshll.u32 s11, $0xA  }
0x2fc: {  	s2 =	sand.u32 $0x2000, s2;
	s4 =	sand.u32 $0x380, s0  }
0x2fd: {  	s2 =	sor.u32 s4, s2  }
0x2fe: {  	s4 =	sand.u32 $0x1C00, s25;
	s31 =	sadd.s32 $0x18200, s2  }
0x2ff: {  	s26 =	sand.u32 $0x70, s25;
	s0 =	sand.u32 $0x3FFFFF80, s0;
	s2 =	sadd.s32 s4, s31  }
0x300: {  	v3 =	vld [tilespmem:s0+$0x4A00];
	s0 =	sadd.s32 s26, s2  }
0x301: {  	v4 =	vld [tilespmem:s0+$0x0];
	_ =	sdelay $0x3  }
0x302: {  	s2 =	simm.s32 $0x80  }
0x303: {  	s28 =	simm.s32 $0x10;
	s26 =	simm.s32 $0x20;
	s4 =	sand.u32 $0x1C00, s2;
	v4 =	vmul.f32 v4, v3  }
.LBB2_43:
0x304: {  	p1 =	sne.s32 s26, $0x3F0;
	s28 =	sand.u32 $0x70, s28;
	s4 =	sadd.s32 s4, s31  }
0x305: {  	[tilespmem:s0+$0x0] =	vst v4;
	s0 =	sadd.s32 s28, s4;
	s28 =	smov.u32 s26  }
0x306: {  	v4 =	vld [tilespmem:s0+$0x0]  }
.Ltmp32:
0x307: {  	(pc) =	sbr.rel @p1 .LBB2_43-.Ltmp32, $3  }
0x308: {  	_ =	sdelay $0x1  }
0x309: {  	s2 =	sadd.s32 $0x80, s2  }
0x30a: {  	s4 =	sand.u32 $0x1C00, s2;
	s26 =	sadd.s32 $0x10, s26;
	v4 =	vmul.f32 v4, v3  }
0x30b: {  	s2 =	sand.u32 $0x70, s28;
	s4 =	sadd.s32 s4, s31  }
0x30c: {  	s2 =	sadd.s32 s2, s4;
	[tilespmem:s0+$0x0] =	vst v4  }
0x30d: {  	v4 =	vld [tilespmem:s2+$0x0]  }
0x30e: {  	s11 =	sadd.s32 $0x1, s11  }
0x30f: {  	p1 =	sne.s32 s11, $0x10  }
.Ltmp33:
0x310: {  	_ = 	snop;
	(pc) =	sbr.rel @p1 .LBB2_42-.Ltmp33, $3  }
0x311: {  	_ = 	snop  }
0x312: {  	v3 =	vmul.f32 v4, v3;
	_ =	sdelay $0x1  }
0x313: {  	[tilespmem:s2+$0x0] =	vst v3  }
.LBB2_45:
0x314: {  	s25 =	simm.s32 $0x0;
	s0 =	rddreg [dreg:$0x10]  }
0x315: {  	[hbm4b:s0+s25] =	stream.linear.scatter [tilespmem:s19], [sflag:$0xA], $0x4000, $0x38;
	[tilespmem:$0x1C200] =	vst v63  }
0x316: {  	_ =	swait.ge [sflag:s22], $0x4000  }
0x317: {  	[sflag:s22] =	ssyncset.done $0x0  }
0x318: {  	[sflag:s22] =	ssyncadd.s32 $0xFFFFC000  }
0x319: {  	v3 =	vld [tilespmem:$0xD0];
	_ =	sdelay $0x4  }
0x31a: {  	v4 =	vshll.u32 v3, $0x3  }
0x31b: {  	v3 =	vand.u32 $0x7, v3;
	v4 =	vand.u32 $0xFFFFFFC0, v4  }
0x31c: {  	v3 =	vor.u32 v3, v4  }
0x31d: {  	v4 =	vperm.xlane v3, v0;
	_ =	sdelay $0x1  }
0x31e: {  	v4 =	vadd.s32 v1, v4;
	_ =	sdelay $0x4  }
0x31f: {  	[tilespmem:s8], [sflag:$0x4] =	stream.indirect_vreg.gather [hbm4b:s1+s25], $0x80, v4, vm0, $0xb8;
	[tilespmem:$0x1C200] =	vst v63  }
0x320: {  	s31 =	simm.s32 $0x14A00;
	v3 =	vperm.xlane v3, v2  }
0x321: {  	[tilespmem:s31], [sflag:$0x4] =	stream.indirect_vreg.gather [hbm4b:s5+s25], $0x80, v4, vm0, $0xb8;
	[tilespmem:$0x1C200] =	vst v63  }
0x322: {  	s2 =	simm.s32 $0x15200;
	v3 =	vadd.s32 v1, v3  }
0x323: {  	[tilespmem:s2], [sflag:$0x4] =	stream.indirect_vreg.gather [hbm4b:s6+s25], $0x80, v4, vm0, $0xb8;
	[tilespmem:$0x1C200] =	vst v63  }
0x324: {  	s4 =	simm.s32 $0x15A00  }
0x325: {  	[tilespmem:s4], [sflag:$0x4] =	stream.indirect_vreg.gather [hbm4b:s7+s25], $0x80, v4, vm0, $0xb8;
	[tilespmem:$0x1C200] =	vst v63  }
0x326: {  	s11 =	simm.s32 $0x16200  }
0x327: {  	[tilespmem:s11], [sflag:$0x4] =	stream.indirect_vreg.gather [hbm4b:s1+s25], $0x80, v3, vm0, $0xb8;
	[tilespmem:$0x1C200] =	vst v63  }
0x328: {  	s26 =	simm.s32 $0x16A00  }
0x329: {  	[tilespmem:s26], [sflag:$0x4] =	stream.indirect_vreg.gather [hbm4b:s5+s25], $0x80, v3, vm0, $0xb8;
	[tilespmem:$0x1C200] =	vst v63  }
0x32a: {  	s28 =	simm.s32 $0x17200  }
0x32b: {  	[tilespmem:s28], [sflag:$0x4] =	stream.indirect_vreg.gather [hbm4b:s6+s25], $0x80, v3, vm0, $0xb8;
	[tilespmem:$0x1C200] =	vst v63  }
.Ltmp34:
0x32c: {  	s31 =	simm.s32 $0x17A00;
	(pc) =	sbr.rel @p0 .LBB2_49-.Ltmp34, $4  }
0x32d: {  	[tilespmem:s31], [sflag:$0x4] =	stream.indirect_vreg.gather [hbm4b:s7+s25], $0x80, v3, vm0, $0xb8;
	[tilespmem:$0x1C200] =	vst v63  }
0x32e: {  	_ =	swait.ge [sflag:s12], $0x4000  }
0x32f: {  	[sflag:s12] =	ssyncset.done $0x0  }
0x330: {  	s11 =	simm.s32 $0x0;
	[sflag:s12] =	ssyncadd.s32 $0xFFFFC000  }
.LBB2_46:
0x331: {  	s0 =	sshll.u32 s11, $0x7;
	s2 =	sshll.u32 s11, $0xA  }
0x332: {  	s2 =	sand.u32 $0x2000, s2;
	s4 =	sand.u32 $0x380, s0  }
0x333: {  	s2 =	sor.u32 s4, s2  }
0x334: {  	s4 =	sand.u32 $0x1C00, s25;
	s31 =	sadd.s32 $0x8200, s2  }
0x335: {  	s26 =	sand.u32 $0x70, s25;
	s0 =	sand.u32 $0x3FFFFF80, s0;
	s2 =	sadd.s32 s4, s31  }
0x336: {  	v3 =	vld [tilespmem:s0+$0x5200];
	s0 =	sadd.s32 s26, s2  }
0x337: {  	v4 =	vld [tilespmem:s0+$0x0];
	_ =	sdelay $0x3  }
0x338: {  	s2 =	simm.s32 $0x80  }
0x339: {  	s28 =	simm.s32 $0x10;
	s26 =	simm.s32 $0x20;
	s4 =	sand.u32 $0x1C00, s2;
	v4 =	vmul.f32 v4, v3  }
.LBB2_47:
0x33a: {  	p1 =	sne.s32 s26, $0x3F0;
	s28 =	sand.u32 $0x70, s28;
	s4 =	sadd.s32 s4, s31  }
0x33b: {  	[tilespmem:s0+$0x0] =	vst v4;
	s0 =	sadd.s32 s28, s4;
	s28 =	smov.u32 s26  }
0x33c: {  	v4 =	vld [tilespmem:s0+$0x0]  }
.Ltmp35:
0x33d: {  	(pc) =	sbr.rel @p1 .LBB2_47-.Ltmp35, $3  }
0x33e: {  	_ =	sdelay $0x1  }
0x33f: {  	s2 =	sadd.s32 $0x80, s2  }
0x340: {  	s4 =	sand.u32 $0x1C00, s2;
	s26 =	sadd.s32 $0x10, s26;
	v4 =	vmul.f32 v4, v3  }
0x341: {  	s2 =	sand.u32 $0x70, s28;
	s4 =	sadd.s32 s4, s31  }
0x342: {  	s2 =	sadd.s32 s2, s4;
	[tilespmem:s0+$0x0] =	vst v4  }
0x343: {  	v4 =	vld [tilespmem:s2+$0x0]  }
0x344: {  	s11 =	sadd.s32 $0x1, s11  }
0x345: {  	p1 =	sne.s32 s11, $0x10  }
.Ltmp36:
0x346: {  	_ = 	snop;
	(pc) =	sbr.rel @p1 .LBB2_46-.Ltmp36, $3  }
0x347: {  	_ = 	snop  }
0x348: {  	v3 =	vmul.f32 v4, v3;
	_ =	sdelay $0x1  }
0x349: {  	[tilespmem:s2+$0x0] =	vst v3  }
.LBB2_49:
0x34a: {  	s25 =	simm.s32 $0x0;
	s0 =	rddreg [dreg:$0x11]  }
0x34b: {  	[hbm4b:s0+s25] =	stream.linear.scatter [tilespmem:s30], [sflag:$0x6], $0x4000, $0x38;
	[tilespmem:$0x1C200] =	vst v63  }
0x34c: {  	_ =	swait.ge [sflag:s23], $0x4000  }
0x34d: {  	[sflag:s23] =	ssyncset.done $0x0  }
0x34e: {  	[sflag:s23] =	ssyncadd.s32 $0xFFFFC000  }
0x34f: {  	v3 =	vld [tilespmem:$0xE0];
	_ =	sdelay $0x4  }
0x350: {  	v4 =	vshll.u32 v3, $0x3  }
0x351: {  	v3 =	vand.u32 $0x7, v3;
	v4 =	vand.u32 $0xFFFFFFC0, v4  }
0x352: {  	v3 =	vor.u32 v3, v4  }
0x353: {  	v4 =	vperm.xlane v3, v0;
	_ =	sdelay $0x1  }
0x354: {  	v4 =	vadd.s32 v1, v4;
	_ =	sdelay $0x4  }
0x355: {  	[tilespmem:s19], [sflag:$0x5] =	stream.indirect_vreg.gather [hbm4b:s1+s25], $0x80, v4, vm0, $0xb8;
	[tilespmem:$0x1C200] =	vst v63  }
0x356: {  	s31 =	simm.s32 $0x18A00;
	v3 =	vperm.xlane v3, v2  }
0x357: {  	[tilespmem:s31], [sflag:$0x5] =	stream.indirect_vreg.gather [hbm4b:s5+s25], $0x80, v4, vm0, $0xb8;
	[tilespmem:$0x1C200] =	vst v63  }
0x358: {  	s2 =	simm.s32 $0x19200;
	v3 =	vadd.s32 v1, v3  }
0x359: {  	[tilespmem:s2], [sflag:$0x5] =	stream.indirect_vreg.gather [hbm4b:s6+s25], $0x80, v4, vm0, $0xb8;
	[tilespmem:$0x1C200] =	vst v63  }
0x35a: {  	s4 =	simm.s32 $0x19A00  }
0x35b: {  	[tilespmem:s4], [sflag:$0x5] =	stream.indirect_vreg.gather [hbm4b:s7+s25], $0x80, v4, vm0, $0xb8;
	[tilespmem:$0x1C200] =	vst v63  }
0x35c: {  	s11 =	simm.s32 $0x1A200  }
0x35d: {  	[tilespmem:s11], [sflag:$0x5] =	stream.indirect_vreg.gather [hbm4b:s1+s25], $0x80, v3, vm0, $0xb8;
	[tilespmem:$0x1C200] =	vst v63  }
0x35e: {  	s26 =	simm.s32 $0x1AA00  }
0x35f: {  	[tilespmem:s26], [sflag:$0x5] =	stream.indirect_vreg.gather [hbm4b:s5+s25], $0x80, v3, vm0, $0xb8;
	[tilespmem:$0x1C200] =	vst v63  }
0x360: {  	s28 =	simm.s32 $0x1B200  }
0x361: {  	[tilespmem:s28], [sflag:$0x5] =	stream.indirect_vreg.gather [hbm4b:s6+s25], $0x80, v3, vm0, $0xb8;
	[tilespmem:$0x1C200] =	vst v63  }
.Ltmp37:
0x362: {  	s31 =	simm.s32 $0x1BA00;
	(pc) =	sbr.rel @p0 .LBB2_53-.Ltmp37, $4  }
0x363: {  	[tilespmem:s31], [sflag:$0x5] =	stream.indirect_vreg.gather [hbm4b:s7+s25], $0x80, v3, vm0, $0xb8;
	[tilespmem:$0x1C200] =	vst v63  }
0x364: {  	_ =	swait.ge [sflag:s13], $0x4000  }
0x365: {  	[sflag:s13] =	ssyncset.done $0x0  }
0x366: {  	s11 =	simm.s32 $0x0;
	[sflag:s13] =	ssyncadd.s32 $0xFFFFC000  }
.LBB2_50:
0x367: {  	s0 =	sshll.u32 s11, $0x7;
	s2 =	sshll.u32 s11, $0xA  }
0x368: {  	s2 =	sand.u32 $0x2000, s2;
	s4 =	sand.u32 $0x380, s0  }
0x369: {  	s2 =	sor.u32 s4, s2  }
0x36a: {  	s4 =	sand.u32 $0x1C00, s25;
	s31 =	sadd.s32 $0xC200, s2  }
0x36b: {  	s26 =	sand.u32 $0x70, s25;
	s0 =	sand.u32 $0x3FFFFF80, s0;
	s2 =	sadd.s32 s4, s31  }
0x36c: {  	v3 =	vld [tilespmem:s0+$0x5A00];
	s0 =	sadd.s32 s26, s2  }
0x36d: {  	v4 =	vld [tilespmem:s0+$0x0];
	_ =	sdelay $0x3  }
0x36e: {  	s2 =	simm.s32 $0x80  }
0x36f: {  	s28 =	simm.s32 $0x10;
	s26 =	simm.s32 $0x20;
	s4 =	sand.u32 $0x1C00, s2;
	v4 =	vmul.f32 v4, v3  }
.LBB2_51:
0x370: {  	p1 =	sne.s32 s26, $0x3F0;
	s28 =	sand.u32 $0x70, s28;
	s4 =	sadd.s32 s4, s31  }
0x371: {  	[tilespmem:s0+$0x0] =	vst v4;
	s0 =	sadd.s32 s28, s4;
	s28 =	smov.u32 s26  }
0x372: {  	v4 =	vld [tilespmem:s0+$0x0]  }
.Ltmp38:
0x373: {  	(pc) =	sbr.rel @p1 .LBB2_51-.Ltmp38, $3  }
0x374: {  	_ =	sdelay $0x1  }
0x375: {  	s2 =	sadd.s32 $0x80, s2  }
0x376: {  	s4 =	sand.u32 $0x1C00, s2;
	s26 =	sadd.s32 $0x10, s26;
	v4 =	vmul.f32 v4, v3  }
0x377: {  	s2 =	sand.u32 $0x70, s28;
	s4 =	sadd.s32 s4, s31  }
0x378: {  	s2 =	sadd.s32 s2, s4;
	[tilespmem:s0+$0x0] =	vst v4  }
0x379: {  	v4 =	vld [tilespmem:s2+$0x0]  }
0x37a: {  	s11 =	sadd.s32 $0x1, s11  }
0x37b: {  	p1 =	sne.s32 s11, $0x10  }
.Ltmp39:
0x37c: {  	_ = 	snop;
	(pc) =	sbr.rel @p1 .LBB2_50-.Ltmp39, $3  }
0x37d: {  	_ = 	snop  }
0x37e: {  	v3 =	vmul.f32 v4, v3;
	_ =	sdelay $0x1  }
0x37f: {  	[tilespmem:s2+$0x0] =	vst v3  }
.LBB2_53:
0x380: {  	s25 =	simm.s32 $0x0;
	s0 =	rddreg [dreg:$0x12]  }
0x381: {  	[hbm4b:s0+s25] =	stream.linear.scatter [tilespmem:s10], [sflag:$0x7], $0x4000, $0x38;
	[tilespmem:$0x1C200] =	vst v63  }
0x382: {  	_ =	swait.ge [sflag:s14], $0x4000  }
0x383: {  	[sflag:s14] =	ssyncset.done $0x0  }
0x384: {  	[sflag:s14] =	ssyncadd.s32 $0xFFFFC000  }
0x385: {  	v3 =	vld [tilespmem:$0xF0];
	_ =	sdelay $0x4  }
0x386: {  	v4 =	vshll.u32 v3, $0x3  }
0x387: {  	v3 =	vand.u32 $0x7, v3;
	v4 =	vand.u32 $0xFFFFFFC0, v4  }
0x388: {  	v3 =	vor.u32 v3, v4  }
0x389: {  	v4 =	vperm.xlane v3, v0;
	_ =	sdelay $0x1  }
0x38a: {  	v4 =	vadd.s32 v1, v4;
	_ =	sdelay $0x4  }
0x38b: {  	[tilespmem:s30], [sflag:$0x1] =	stream.indirect_vreg.gather [hbm4b:s1+s25], $0x80, v4, vm0, $0xb8;
	[tilespmem:$0x1C200] =	vst v63  }
0x38c: {  	s2 =	simm.s32 $0x8A00;
	v3 =	vperm.xlane v3, v2  }
0x38d: {  	[tilespmem:s2], [sflag:$0x1] =	stream.indirect_vreg.gather [hbm4b:s5+s25], $0x80, v4, vm0, $0xb8;
	[tilespmem:$0x1C200] =	vst v63  }
0x38e: {  	s4 =	simm.s32 $0x9200;
	v3 =	vadd.s32 v1, v3  }
0x38f: {  	[tilespmem:s4], [sflag:$0x1] =	stream.indirect_vreg.gather [hbm4b:s6+s25], $0x80, v4, vm0, $0xb8;
	[tilespmem:$0x1C200] =	vst v63  }
0x390: {  	s11 =	simm.s32 $0x9A00  }
0x391: {  	[tilespmem:s11], [sflag:$0x1] =	stream.indirect_vreg.gather [hbm4b:s7+s25], $0x80, v4, vm0, $0xb8;
	[tilespmem:$0x1C200] =	vst v63  }
0x392: {  	s26 =	simm.s32 $0xA200  }
0x393: {  	[tilespmem:s26], [sflag:$0x1] =	stream.indirect_vreg.gather [hbm4b:s1+s25], $0x80, v3, vm0, $0xb8;
	[tilespmem:$0x1C200] =	vst v63  }
0x394: {  	s28 =	simm.s32 $0xAA00  }
0x395: {  	[tilespmem:s28], [sflag:$0x1] =	stream.indirect_vreg.gather [hbm4b:s5+s25], $0x80, v3, vm0, $0xb8;
	[tilespmem:$0x1C200] =	vst v63  }
0x396: {  	s31 =	simm.s32 $0xB200  }
0x397: {  	[tilespmem:s31], [sflag:$0x1] =	stream.indirect_vreg.gather [hbm4b:s6+s25], $0x80, v3, vm0, $0xb8;
	[tilespmem:$0x1C200] =	vst v63  }
.Ltmp40:
0x398: {  	_ = 	snop;
	(pc) =	sbr.rel @p0 .LBB2_61-.Ltmp40, $4  }
0x399: {  	[tilespmem:s9], [sflag:$0x1] =	stream.indirect_vreg.gather [hbm4b:s7+s25], $0x80, v3, vm0, $0xb8;
	[tilespmem:$0x1C200] =	vst v63  }
0x39a: {  	_ =	swait.ge [sflag:s15], $0x4000  }
0x39b: {  	[sflag:s15] =	ssyncset.done $0x0  }
0x39c: {  	s11 =	simm.s32 $0x0;
	[sflag:s15] =	ssyncadd.s32 $0xFFFFC000  }
.LBB2_54:
0x39d: {  	s0 =	sshll.u32 s11, $0x7;
	s2 =	sshll.u32 s11, $0xA  }
0x39e: {  	s2 =	sand.u32 $0x2000, s2;
	s4 =	sand.u32 $0x380, s0  }
0x39f: {  	s2 =	sor.u32 s4, s2  }
0x3a0: {  	s4 =	sand.u32 $0x1C00, s25;
	s31 =	sadd.s32 $0x10200, s2  }
0x3a1: {  	s26 =	sand.u32 $0x70, s25;
	s0 =	sand.u32 $0x3FFFFF80, s0;
	s2 =	sadd.s32 s4, s31  }
0x3a2: {  	v3 =	vld [tilespmem:s0+$0x6200];
	s0 =	sadd.s32 s26, s2  }
0x3a3: {  	v4 =	vld [tilespmem:s0+$0x0];
	_ =	sdelay $0x3  }
0x3a4: {  	s2 =	simm.s32 $0x80  }
0x3a5: {  	s28 =	simm.s32 $0x10;
	s26 =	simm.s32 $0x20;
	s4 =	sand.u32 $0x1C00, s2;
	v4 =	vmul.f32 v4, v3  }
.LBB2_55:
0x3a6: {  	p1 =	sne.s32 s26, $0x3F0;
	s28 =	sand.u32 $0x70, s28;
	s4 =	sadd.s32 s4, s31  }
0x3a7: {  	[tilespmem:s0+$0x0] =	vst v4;
	s0 =	sadd.s32 s28, s4;
	s28 =	smov.u32 s26  }
0x3a8: {  	v4 =	vld [tilespmem:s0+$0x0]  }
.Ltmp41:
0x3a9: {  	(pc) =	sbr.rel @p1 .LBB2_55-.Ltmp41, $3  }
0x3aa: {  	_ =	sdelay $0x1  }
0x3ab: {  	s2 =	sadd.s32 $0x80, s2  }
0x3ac: {  	s4 =	sand.u32 $0x1C00, s2;
	s26 =	sadd.s32 $0x10, s26;
	v4 =	vmul.f32 v4, v3  }
0x3ad: {  	s2 =	sand.u32 $0x70, s28;
	s4 =	sadd.s32 s4, s31  }
0x3ae: {  	s2 =	sadd.s32 s2, s4;
	[tilespmem:s0+$0x0] =	vst v4  }
0x3af: {  	v4 =	vld [tilespmem:s2+$0x0]  }
0x3b0: {  	s11 =	sadd.s32 $0x1, s11  }
0x3b1: {  	p1 =	sne.s32 s11, $0x10  }
.Ltmp42:
0x3b2: {  	_ = 	snop;
	(pc) =	sbr.rel @p1 .LBB2_54-.Ltmp42, $3  }
0x3b3: {  	_ = 	snop  }
0x3b4: {  	v3 =	vmul.f32 v4, v3;
	_ =	sdelay $0x1  }
0x3b5: {  	[tilespmem:s2+$0x0] =	vst v3  }
0x3b6: {  	s11 =	simm.s32 $0x0;
	s0 =	rddreg [dreg:$0x13]  }
0x3b7: {  	[hbm4b:s0+s11] =	stream.linear.scatter [tilespmem:s18], [sflag:$0x8], $0x4000, $0x38;
	[tilespmem:$0x1C200] =	vst v63  }
0x3b8: {  	_ =	swait.ge [sflag:s17], $0x4000  }
0x3b9: {  	[sflag:s17] =	ssyncset.done $0x0  }
0x3ba: {  	s25 =	simm.s32 $0x0;
	[sflag:s17] =	ssyncadd.s32 $0xFFFFC000  }
.LBB2_58:
0x3bb: {  	s0 =	sshll.u32 s25, $0x7;
	s2 =	sshll.u32 s25, $0xA  }
0x3bc: {  	s2 =	sand.u32 $0x2000, s2;
	s4 =	sand.u32 $0x380, s0  }
0x3bd: {  	s2 =	sor.u32 s4, s2  }
0x3be: {  	s4 =	sand.u32 $0x1C00, s11;
	s31 =	sadd.s32 $0x14200, s2  }
0x3bf: {  	s26 =	sand.u32 $0x70, s11;
	s0 =	sand.u32 $0x3FFFFF80, s0;
	s2 =	sadd.s32 s4, s31  }
0x3c0: {  	v3 =	vld [tilespmem:s0+$0x6A00];
	s0 =	sadd.s32 s26, s2  }
0x3c1: {  	v4 =	vld [tilespmem:s0+$0x0];
	_ =	sdelay $0x3  }
0x3c2: {  	s2 =	simm.s32 $0x80  }
0x3c3: {  	s28 =	simm.s32 $0x10;
	s26 =	simm.s32 $0x20;
	s4 =	sand.u32 $0x1C00, s2;
	v4 =	vmul.f32 v4, v3  }
.LBB2_59:
0x3c4: {  	p1 =	sne.s32 s26, $0x3F0;
	s28 =	sand.u32 $0x70, s28;
	s4 =	sadd.s32 s4, s31  }
0x3c5: {  	[tilespmem:s0+$0x0] =	vst v4;
	s0 =	sadd.s32 s28, s4;
	s28 =	smov.u32 s26  }
0x3c6: {  	v4 =	vld [tilespmem:s0+$0x0]  }
.Ltmp43:
0x3c7: {  	(pc) =	sbr.rel @p1 .LBB2_59-.Ltmp43, $3  }
0x3c8: {  	_ =	sdelay $0x1  }
0x3c9: {  	s2 =	sadd.s32 $0x80, s2  }
0x3ca: {  	s4 =	sand.u32 $0x1C00, s2;
	s26 =	sadd.s32 $0x10, s26;
	v4 =	vmul.f32 v4, v3  }
0x3cb: {  	s2 =	sand.u32 $0x70, s28;
	s4 =	sadd.s32 s4, s31  }
0x3cc: {  	s2 =	sadd.s32 s2, s4;
	[tilespmem:s0+$0x0] =	vst v4  }
0x3cd: {  	v4 =	vld [tilespmem:s2+$0x0]  }
0x3ce: {  	s25 =	sadd.s32 $0x1, s25  }
0x3cf: {  	p1 =	seq.s32 s25, $0x10  }
.Ltmp44:
0x3d0: {  	_ = 	snop;
	(pc) =	sbr.rel @!p1 .LBB2_58-.Ltmp44, $4  }
.Ltmp45:
0x3d1: {  	_ = 	snop;
	(pc) =	sbr.rel @p1 .LBB2_62-.Ltmp45, $4  }
0x3d2: {  	v3 =	vmul.f32 v4, v3  }
0x3d3: {  	_ = 	snop  }
0x3d4: {  	[tilespmem:s2+$0x0] =	vst v3  }
0x3d5: {  	_ = 	snop  }
.LBB2_61:
0x3d6: {  	s0 =	rddreg [dreg:$0x13]  }
0x3d7: {  	[hbm4b:s0+s3] =	stream.linear.scatter [tilespmem:s18], [sflag:$0x8], $0x4000, $0x38;
	[tilespmem:$0x1C200] =	vst v63  }
0x3d8: {  	_ =	swait.ge [sflag:s17], $0x4000  }
0x3d9: {  	[sflag:s17] =	ssyncset.done $0x0  }
0x3da: {  	[sflag:s17] =	ssyncadd.s32 $0xFFFFC000  }
.LBB2_62:
.Ltmp46:
0x3db: {  	s11 =	simm.s32 $0x0;
	s0 =	rddreg [dreg:$0x14];
	(pc) =	sbr.rel @p0 .LBB2_70-.Ltmp46, $4  }
0x3dc: {  	[hbm4b:s0+s11] =	stream.linear.scatter [tilespmem:s8], [sflag:$0x9], $0x4000, $0x38;
	[tilespmem:$0x1C200] =	vst v63  }
0x3dd: {  	_ =	swait.ge [sflag:s21], $0x4000  }
0x3de: {  	[sflag:s21] =	ssyncset.done $0x0  }
0x3df: {  	s25 =	simm.s32 $0x0;
	[sflag:s21] =	ssyncadd.s32 $0xFFFFC000  }
.LBB2_63:
0x3e0: {  	s0 =	sshll.u32 s25, $0x7;
	s2 =	sshll.u32 s25, $0xA  }
0x3e1: {  	s2 =	sand.u32 $0x2000, s2;
	s4 =	sand.u32 $0x380, s0  }
0x3e2: {  	s2 =	sor.u32 s4, s2  }
0x3e3: {  	s4 =	sand.u32 $0x1C00, s11;
	s31 =	sadd.s32 $0x18200, s2  }
0x3e4: {  	s26 =	sand.u32 $0x70, s11;
	s0 =	sand.u32 $0x3FFFFF80, s0;
	s2 =	sadd.s32 s4, s31  }
0x3e5: {  	v3 =	vld [tilespmem:s0+$0x7200];
	s0 =	sadd.s32 s26, s2  }
0x3e6: {  	v4 =	vld [tilespmem:s0+$0x0];
	_ =	sdelay $0x3  }
0x3e7: {  	s2 =	simm.s32 $0x80  }
0x3e8: {  	s28 =	simm.s32 $0x10;
	s26 =	simm.s32 $0x20;
	s4 =	sand.u32 $0x1C00, s2;
	v4 =	vmul.f32 v4, v3  }
.LBB2_64:
0x3e9: {  	p0 =	sne.s32 s26, $0x3F0;
	s28 =	sand.u32 $0x70, s28;
	s4 =	sadd.s32 s4, s31  }
0x3ea: {  	[tilespmem:s0+$0x0] =	vst v4;
	s0 =	sadd.s32 s28, s4;
	s28 =	smov.u32 s26  }
0x3eb: {  	v4 =	vld [tilespmem:s0+$0x0]  }
.Ltmp47:
0x3ec: {  	(pc) =	sbr.rel @p0 .LBB2_64-.Ltmp47, $3  }
0x3ed: {  	_ =	sdelay $0x1  }
0x3ee: {  	s2 =	sadd.s32 $0x80, s2  }
0x3ef: {  	s4 =	sand.u32 $0x1C00, s2;
	s26 =	sadd.s32 $0x10, s26;
	v4 =	vmul.f32 v4, v3  }
0x3f0: {  	s2 =	sand.u32 $0x70, s28;
	s4 =	sadd.s32 s4, s31  }
0x3f1: {  	s2 =	sadd.s32 s2, s4;
	[tilespmem:s0+$0x0] =	vst v4  }
0x3f2: {  	v4 =	vld [tilespmem:s2+$0x0]  }
0x3f3: {  	s25 =	sadd.s32 $0x1, s25  }
0x3f4: {  	p0 =	sne.s32 s25, $0x10  }
.Ltmp48:
0x3f5: {  	_ = 	snop;
	(pc) =	sbr.rel @p0 .LBB2_63-.Ltmp48, $3  }
0x3f6: {  	_ = 	snop  }
0x3f7: {  	v3 =	vmul.f32 v4, v3;
	_ =	sdelay $0x1  }
0x3f8: {  	[tilespmem:s2+$0x0] =	vst v3  }
0x3f9: {  	s11 =	simm.s32 $0x0;
	s0 =	rddreg [dreg:$0x15]  }
0x3fa: {  	[hbm4b:s0+s11] =	stream.linear.scatter [tilespmem:s19], [sflag:$0xA], $0x4000, $0x38;
	[tilespmem:$0x1C200] =	vst v63  }
0x3fb: {  	_ =	swait.ge [sflag:s12], $0x4000  }
0x3fc: {  	[sflag:s12] =	ssyncset.done $0x0  }
0x3fd: {  	s25 =	simm.s32 $0x0;
	[sflag:s12] =	ssyncadd.s32 $0xFFFFC000  }
.LBB2_67:
0x3fe: {  	s0 =	sshll.u32 s25, $0x7;
	s2 =	sshll.u32 s25, $0xA  }
0x3ff: {  	s2 =	sand.u32 $0x2000, s2;
	s4 =	sand.u32 $0x380, s0  }
0x400: {  	s2 =	sor.u32 s4, s2  }
0x401: {  	s4 =	sand.u32 $0x1C00, s11;
	s31 =	sadd.s32 $0x8200, s2  }
0x402: {  	s26 =	sand.u32 $0x70, s11;
	s0 =	sand.u32 $0x3FFFFF80, s0;
	s2 =	sadd.s32 s4, s31  }
0x403: {  	v3 =	vld [tilespmem:s0+$0x7A00];
	s0 =	sadd.s32 s26, s2  }
0x404: {  	v4 =	vld [tilespmem:s0+$0x0];
	_ =	sdelay $0x3  }
0x405: {  	s2 =	simm.s32 $0x80  }
0x406: {  	s28 =	simm.s32 $0x10;
	s26 =	simm.s32 $0x20;
	s4 =	sand.u32 $0x1C00, s2;
	v4 =	vmul.f32 v4, v3  }
.LBB2_68:
0x407: {  	p0 =	sne.s32 s26, $0x3F0;
	s28 =	sand.u32 $0x70, s28;
	s4 =	sadd.s32 s4, s31  }
0x408: {  	[tilespmem:s0+$0x0] =	vst v4;
	s0 =	sadd.s32 s28, s4;
	s28 =	smov.u32 s26  }
0x409: {  	v4 =	vld [tilespmem:s0+$0x0]  }
.Ltmp49:
0x40a: {  	(pc) =	sbr.rel @p0 .LBB2_68-.Ltmp49, $3  }
0x40b: {  	_ =	sdelay $0x1  }
0x40c: {  	s2 =	sadd.s32 $0x80, s2  }
0x40d: {  	s4 =	sand.u32 $0x1C00, s2;
	s26 =	sadd.s32 $0x10, s26;
	v4 =	vmul.f32 v4, v3  }
0x40e: {  	s2 =	sand.u32 $0x70, s28;
	s4 =	sadd.s32 s4, s31  }
0x40f: {  	s2 =	sadd.s32 s2, s4;
	[tilespmem:s0+$0x0] =	vst v4  }
0x410: {  	v4 =	vld [tilespmem:s2+$0x0]  }
0x411: {  	s25 =	sadd.s32 $0x1, s25  }
0x412: {  	p0 =	seq.s32 s25, $0x10  }
.Ltmp50:
0x413: {  	_ = 	snop;
	(pc) =	sbr.rel @!p0 .LBB2_67-.Ltmp50, $4  }
.Ltmp51:
0x414: {  	_ = 	snop;
	(pc) =	sbr.rel @p0 .LBB2_71-.Ltmp51, $4  }
0x415: {  	v3 =	vmul.f32 v4, v3  }
0x416: {  	_ = 	snop  }
0x417: {  	[tilespmem:s2+$0x0] =	vst v3  }
0x418: {  	_ = 	snop  }
.LBB2_72:
0x419: {  	_ =	sfence.sel $0x180000  }
0x41a: {  	[bflag:$0x0] =	sbarrier.arrive $0xFFFF  }
0x41b: {  	_ =	strace $0x90000047  }
0x41c: {  	s0 =	stileid.u32;
	[bflag:$0x2] =	sbarrier.arrive $0xFFFF  }
0x41d: {  	p0 =	sne.s32 s0, $0x0;
	s0 =	rddreg [dreg:$0x4]  }
0x41e: {  	s0 =	sadd.s32 @!p0 $0x100000, s0  }
0x41f: {  	[sflag:s0] =	ssyncadd.tile.s32 @!p0 $0x1;
	_ =	shalt  }
.Lfunc_end2:
_tile_overlayer_lowered:
.L_overlay_start_2:
0x420: {  	(tag) =	ssettag $0x2  }
0x421: {  	s0 =	rddreg [dreg:$0x0];
	s2 =	stileid.u32  }
0x422: {  	s1 =	rddreg [dreg:$0x1];
	p0 =	sne.s32 s2, $0x0  }
0x423: {  	s3 =	rddreg [dreg:$0x2];
	[bflag:$0x3] =	sbarrier.arrive $0xFFFF;
	s2 =	simm.s32 @!p0 $0x1C0B  }
0x424: {  	[timem:s3], [sflag:s2] =	dma.local @!p0 [hbm:s0], s1  }
0x425: {  	s0 =	simm.s32 @!p0 $0xB  }
0x426: {  	_ =	swait.ge @!p0 [sflag:s0], s1  }
0x427: {  	s1 =	ssub.s32 @!p0 $0x0, s1;
	[sflag:s0] =	ssyncset.done @!p0 $0x0  }
0x428: {  	[sflag:s0] =	ssyncadd.s32 @!p0 s1  }
0x429: {  	[bflag:$0x3] =	sbarrier.arrive $0xFFFF  }
0x42a: {  	_ =	shalt  }

</sc_bundles>
